<compile_context>
chip_gen: v7x
topology: tpu7x:2x2x1
jax: 0.10.2.dev20260603
libtpu: 0.0.44.dev20260713+nightly
codegen_flags: <defaults>
</compile_context>

<pallas_src>
import functools

import jax
import jax.numpy as jnp
from jax import lax
from jax.experimental import pallas as pl
from jax.experimental.pallas import tpu as pltpu
from jax.experimental.pallas import tpu_sc as plsc

N = 10000
E = 320000
DX = 128
H = 128
DG = 32
BN_EPS = 1e-3

NC = 2
NS = 16
NW = NC * NS
CHUNK = 128
NCHT = E // CHUNK
NCHUNK = NCHT // NW
NCREM = NCHT % NW
IBATCH = 16
RPT = 624
TAIL = N - NS * RPT
ZB = 16


def _sc_scatter_body(ei_hbm, ef_hbm, out_hbm,
                     idx_v, buf0, buf1, zbuf, msg_sh, sem0, sem1, semz, semi):
    c = lax.axis_index("c")
    s = lax.axis_index("s")
    wid = c * NS + s

    def chunk_src(j):
        return ef_hbm.at[pl.ds((wid + NW * j) * CHUNK, CHUNK)]

    def idx_src(j):
        return ei_hbm.at[pl.ds(0, 1), pl.ds((wid + NW * j) * CHUNK, CHUNK)]

    pltpu.async_copy(chunk_src(0), buf0, sem0)
    pltpu.async_copy(chunk_src(1), buf1, sem1)

    for r in range(ZB):
        for l in range(H // 16):
            zbuf[r, pl.ds(l * 16, 16)] = jnp.zeros((16,), jnp.float32)

    def zfire(k, carry):
        pltpu.async_copy(zbuf, msg_sh.at[pl.ds(s * RPT + k * ZB, ZB)], semz)
        return carry

    lax.fori_loop(0, RPT // ZB, zfire, 0)

    @pl.when(s == NS - 1)
    def _():
        pltpu.async_copy(zbuf, msg_sh.at[pl.ds(NS * RPT, TAIL)], semz)

    def stage(i, carry):
        def fire(k, carry2):
            pltpu.async_copy(idx_src(i * IBATCH + k),
                             idx_v.at[pl.ds(i * IBATCH + k, 1)], semi)
            return carry2

        lax.fori_loop(0, IBATCH, fire, 0)

        def drain(k, carry2):
            pltpu.make_async_copy(idx_src(0), idx_v.at[pl.ds(0, 1)],
                                  semi).wait()
            return carry2

        lax.fori_loop(0, IBATCH, drain, 0)
        return carry

    lax.fori_loop(0, NCHUNK // IBATCH, stage, 0)
    for j in range(NCHUNK - NCHUNK % IBATCH, NCHUNK):
        pltpu.async_copy(idx_src(j), idx_v.at[pl.ds(j, 1)], semi)

    @pl.when(wid < NCREM)
    def _():
        pltpu.async_copy(idx_src(NCHUNK), idx_v.at[pl.ds(NCHUNK, 1)], semi)

    for j in range(NCHUNK - NCHUNK % IBATCH, NCHUNK):
        pltpu.make_async_copy(idx_src(0), idx_v.at[pl.ds(0, 1)], semi).wait()

    @pl.when(wid < NCREM)
    def _():
        pltpu.make_async_copy(idx_src(0), idx_v.at[pl.ds(0, 1)], semi).wait()

    def zdrain(k, carry):
        pltpu.make_async_copy(zbuf, msg_sh.at[pl.ds(0, ZB)], semz).wait()
        return carry

    lax.fori_loop(0, RPT // ZB, zdrain, 0)

    @pl.when(s == NS - 1)
    def _():
        pltpu.make_async_copy(zbuf, msg_sh.at[pl.ds(0, ZB)], semz).wait()

    plsc.subcore_barrier()

    def body(i, carry):
        for b, (buf, sem) in enumerate(((buf0, sem0), (buf1, sem1))):
            j = 2 * i + b
            pltpu.make_async_copy(chunk_src(j), buf, sem).wait()
            pltpu.sync_copy(buf, msg_sh.at[idx_v.at[j]], add=True)

            @pl.when(wid + NW * (j + 2) < NCHT)
            def _():
                pltpu.async_copy(chunk_src(j + 2), buf, sem)
        return carry

    lax.fori_loop(0, NCHUNK // 2, body, 0)
    @pl.when(wid < NCREM)
    def _():
        pltpu.make_async_copy(chunk_src(NCHUNK), buf0, sem0).wait()
        pltpu.sync_copy(buf0, msg_sh.at[idx_v.at[NCHUNK]], add=True)

    plsc.subcore_barrier()
    pltpu.sync_copy(msg_sh.at[pl.ds(s * RPT, RPT)],
                    out_hbm.at[pl.ds(c * N + s * RPT, RPT)])

    @pl.when(s == NS - 1)
    def _():
        pltpu.sync_copy(msg_sh.at[pl.ds(NS * RPT, TAIL)],
                        out_hbm.at[pl.ds(c * N + NS * RPT, TAIL)])


_sc_scatter = functools.partial(
    pl.kernel,
    out_type=jax.ShapeDtypeStruct((NC * N, H), jnp.float32),
    mesh=plsc.VectorSubcoreMesh(core_axis_name="c", subcore_axis_name="s"),
    scratch_types=[
        pltpu.VMEM((NCHUNK + 1, CHUNK), jnp.int32),
        pltpu.VMEM((CHUNK, H), jnp.float32),
        pltpu.VMEM((CHUNK, H), jnp.float32),
        pltpu.VMEM((ZB, H), jnp.float32),
        pltpu.VMEM_SHARED((N, H), jnp.float32),
        pltpu.SemaphoreType.DMA,
        pltpu.SemaphoreType.DMA,
        pltpu.SemaphoreType.DMA,
        pltpu.SemaphoreType.DMA,
    ],
)(_sc_scatter_body)


def _softplus(v):
    return jnp.maximum(v, 0.0) + jnp.log1p(jnp.exp(-jnp.abs(v)))


def _dense_body(x_ref, p_ref, gf_ref, wc_ref, bc_ref,
                w1a_ref, b1a_ref, w2a_ref, b2a_ref,
                ga_a_ref, be_a_ref, mu_a_ref, va_a_ref,
                w1b_ref, b1b_ref, w2b_ref, b2b_ref,
                ga_b_ref, be_b_ref, mu_b_ref, va_b_ref,
                o_ref):
    f32 = jnp.float32
    wc = wc_ref[...]
    acc = jnp.dot(x_ref[...], wc[0:DX], preferred_element_type=f32)
    acc += jnp.dot(p_ref[0] + p_ref[1], wc[DX:DX + H],
                   preferred_element_type=f32)
    acc += jnp.dot(gf_ref[...], wc[DX + H:], preferred_element_type=f32)
    acc += bc_ref[...]
    out = _softplus(acc)
    initial = out
    blocks = (
        (w1a_ref, b1a_ref, w2a_ref, b2a_ref, ga_a_ref, be_a_ref, mu_a_ref,
         va_a_ref),
        (w1b_ref, b1b_ref, w2b_ref, b2b_ref, ga_b_ref, be_b_ref, mu_b_ref,
         va_b_ref),
    )
    for (w1, b1, w2, b2, ga, be, mu, va) in blocks:
        scale = ga[...] * lax.rsqrt(va[...] + BN_EPS)
        w2s = w2[...] * scale
        b2s = (b2[...] - mu[...]) * scale + be[...]
        h = _softplus(jnp.dot(out, w1[...], preferred_element_type=f32)
                      + b1[...])
        out = out + jnp.dot(h, w2s, preferred_element_type=f32) + b2s
    o_ref[...] = out + initial


BLK = 2000


def _dense(x, p, gf, wc, bc, *rest):
    full = lambda shape: pl.BlockSpec(shape, lambda i: (0,) * len(shape))
    in_specs = [
        pl.BlockSpec((BLK, DX), lambda i: (i, 0)),
        pl.BlockSpec((NC, BLK, H), lambda i: (0, i, 0)),
        full((1, DG)),
        full((DX + H + DG, H)),
        full((1, H)),
    ]
    for _ in range(2):
        in_specs += [full((H, H)), full((1, H)), full((H, H)), full((1, H)),
                     full((1, H)), full((1, H)), full((1, H)), full((1, H))]
    return pl.pallas_call(
        _dense_body,
        grid=(N // BLK,),
        in_specs=in_specs,
        out_specs=pl.BlockSpec((BLK, H), lambda i: (i, 0)),
        out_shape=jax.ShapeDtypeStruct((N, H), jnp.float32),
    )(x, p, gf, wc, bc, *rest)


def kernel(x, edge_index, edge_features, global_feat, W_c, b_c,
           W1_0, b1_0, W2_0, b2_0, gamma_0, beta_0, mean_0, var_0,
           W1_1, b1_1, W2_1, b2_1, gamma_1, beta_1, mean_1, var_1):
    p = _sc_scatter(edge_index, edge_features).reshape(NC, N, H)
    r = lambda a: a.reshape(1, H)
    return _dense(x, p, global_feat, W_c, r(b_c),
                  W1_0, r(b1_0), W2_0, r(b2_0),
                  r(gamma_0), r(beta_0), r(mean_0), r(var_0),
                  W1_1, r(b1_1), W2_1, r(b2_1),
                  r(gamma_1), r(beta_1), r(mean_1), r(var_1))

# --- scband reference (transcript-rebuilt; emitter-appended) ---
"""Pipeline reference for scband-super-megnet-node-model-47974784696399 (READ-ONLY COPY).

The authoritative reference and input builder live on the scoring server;
editing this copy changes nothing except your own understanding.
"""

import jax, jax.numpy as jnp
import numpy as np

N = 10000
E = 320000
DX = 128
HIDDEN = 128
DG = 32
BN_EPS = 1e-3


def setup_inputs(seed: int = 0) -> dict:
    key = jax.random.key(seed)
    ks = jax.random.split(key, 16)
    inp = {}
    inp["x"] = jax.random.normal(ks[0], (N, DX), dtype=jnp.float32)
    inp["edge_index"] = jax.random.randint(ks[1], (2, E), 0, N, dtype=jnp.int32)
    inp["edge_features"] = jax.random.normal(ks[2], (E, HIDDEN), dtype=jnp.float32)
    inp["global_feat"] = jax.random.normal(ks[3], (1, DG), dtype=jnp.float32)
    # combine: Dense(hidden_dim) on concat([x, messages, global]) -> in = DX + HIDDEN + DG
    inp["W_c"] = jax.random.normal(ks[4], (DX + HIDDEN + DG, HIDDEN), dtype=jnp.float32) * 0.05
    inp["b_c"] = jnp.zeros((HIDDEN,), dtype=jnp.float32)
    # two residual node networks: Dense(hidden)-softplus-Dense(hidden), each followed by BatchNorm (inference mode)
    for i in range(2):
        inp[f"W1_{i}"] = jax.random.normal(ks[5 + 4 * i], (HIDDEN, HIDDEN), dtype=jnp.float32) * 0.05
        inp[f"b1_{i}"] = jnp.zeros((HIDDEN,), dtype=jnp.float32)
        inp[f"W2_{i}"] = jax.random.normal(ks[6 + 4 * i], (HIDDEN, HIDDEN), dtype=jnp.float32) * 0.05
        inp[f"b2_{i}"] = jnp.zeros((HIDDEN,), dtype=jnp.float32)
        inp[f"gamma_{i}"] = jnp.ones((HIDDEN,), dtype=jnp.float32)
        inp[f"beta_{i}"] = jnp.zeros((HIDDEN,), dtype=jnp.float32)
        inp[f"mean_{i}"] = jnp.zeros((HIDDEN,), dtype=jnp.float32)
        inp[f"var_{i}"] = jnp.ones((HIDDEN,), dtype=jnp.float32)
    return inp


def reference(x, edge_index, edge_features, global_feat, W_c, b_c,
              W1_0, b1_0, W2_0, b2_0, gamma_0, beta_0, mean_0, var_0,
              W1_1, b1_1, W2_1, b2_1, gamma_1, beta_1, mean_1, var_1):
    row = edge_index[0]
    # tf.scatter_nd sums duplicate indices -> scatter-add of edge features onto source nodes
    messages = jnp.zeros((x.shape[0], HIDDEN), dtype=x.dtype).at[row].add(edge_features)
    rep = x.shape[0] // global_feat.shape[0]
    g = jnp.repeat(global_feat, rep, axis=0)
    combined = jnp.concatenate([x, messages, g], axis=-1)
    out = jax.nn.softplus(combined @ W_c + b_c)
    initial = out
    blocks = [
        (W1_0, b1_0, W2_0, b2_0, gamma_0, beta_0, mean_0, var_0),
        (W1_1, b1_1, W2_1, b2_1, gamma_1, beta_1, mean_1, var_1),
    ]
    for (W1, b1, W2, b2, ga, be, mu, va) in blocks:
        h = jax.nn.softplus(out @ W1 + b1) @ W2 + b2
        # BatchNormalization in inference mode (training=False), keras default eps=1e-3
        h = (h - mu) / jnp.sqrt(va + BN_EPS) * ga + be
        out = out + h
    return out + initial

if __name__ == "__main__":
    import jax
    _d = setup_inputs()
    print(jax.jit(kernel)(*tuple(_d.values())))

</pallas_src>

<mosaic_0001>
#map = affine_map<(d0, d1) -> (0, 0)>
module attributes {stable_mosaic.version = 14 : i64} {
  func.func @_sc_scatter_body(%arg0: i32, %arg1: i32, %arg2: memref<2x320000xi32, #tpu.memory_space<hbm>>, %arg3: memref<320000x128xf32, #tpu.memory_space<hbm>>, %arg4: memref<20000x128xf32, #tpu.memory_space<hbm>>, %arg5: memref<79x128xi32, #tpu.memory_space<vmem>>, %arg6: memref<128x128xf32, #tpu.memory_space<vmem>>, %arg7: memref<128x128xf32, #tpu.memory_space<vmem>>, %arg8: memref<16x128xf32, #tpu.memory_space<vmem>>, %arg9: memref<10000x128xf32, #tpu.memory_space<vmem_shared>>, %arg10: memref<!tpu.dma_semaphore, #tpu.memory_space<semaphore_mem>>, %arg11: memref<!tpu.dma_semaphore, #tpu.memory_space<semaphore_mem>>, %arg12: memref<!tpu.dma_semaphore, #tpu.memory_space<semaphore_mem>>, %arg13: memref<!tpu.dma_semaphore, #tpu.memory_space<semaphore_mem>>) attributes {dimension_semantics = [#tpu.dimension_semantics<core_parallel>, #tpu.dimension_semantics<subcore_parallel>], iteration_bounds = array<i64: 2, 16>, scalar_prefetch = 0 : i64, scratch_operands = 9 : i64, tpu.core_type = #tpu.core_type<sc_vector_subcore>, window_params = [{transform_indices = #map}, {transform_indices = #map}, {transform_indices = #map}]} {
    %mul3A = arith.constant 16 : i32
    %mul3A_0 = arith.muli %arg0, %mul3A : i32
    %add3A = arith.addi %mul3A_0, %arg1 : i32
    %add3A_1 = arith.constant 0 : i32
    %add3A_2 = arith.addi %add3A, %add3A_1 : i32
    %mul3A_3 = arith.constant 128 : i32
    %mul3A_4 = arith.muli %add3A_2, %mul3A_3 : i32
    %dma_start3A = arith.constant 0 : i32
    %dma_start3A_5 = tpu.memref_slice %arg3[%mul3A_4, %dma_start3A] : memref<320000x128xf32, #tpu.memory_space<hbm>> -> memref<128x128xf32, #tpu.memory_space<hbm>>
    %dma_start3A_6 = arith.constant 0 : i32
    %dma_start3A_7 = tpu.memref_slice %arg3[%mul3A_4, %dma_start3A_6] : memref<320000x128xf32, #tpu.memory_space<hbm>> -> memref<128x128xf32, #tpu.memory_space<hbm>>
    tpu.enqueue_dma source(%dma_start3A_7 : memref<128x128xf32, #tpu.memory_space<hbm>>) target(%arg6 : memref<128x128xf32, #tpu.memory_space<vmem>>) target_semaphore(%arg10 : memref<!tpu.dma_semaphore, #tpu.memory_space<semaphore_mem>>)
    %add3A_8 = arith.constant 32 : i32
    %add3A_9 = arith.addi %add3A, %add3A_8 : i32
    %mul3A_10 = arith.constant 128 : i32
    %mul3A_11 = arith.muli %add3A_9, %mul3A_10 : i32
    %dma_start3A_12 = arith.constant 0 : i32
    %dma_start3A_13 = tpu.memref_slice %arg3[%mul3A_11, %dma_start3A_12] : memref<320000x128xf32, #tpu.memory_space<hbm>> -> memref<128x128xf32, #tpu.memory_space<hbm>>
    %dma_start3A_14 = arith.constant 0 : i32
    %dma_start3A_15 = tpu.memref_slice %arg3[%mul3A_11, %dma_start3A_14] : memref<320000x128xf32, #tpu.memory_space<hbm>> -> memref<128x128xf32, #tpu.memory_space<hbm>>
    tpu.enqueue_dma source(%dma_start3A_15 : memref<128x128xf32, #tpu.memory_space<hbm>>) target(%arg7 : memref<128x128xf32, #tpu.memory_space<vmem>>) target_semaphore(%arg11 : memref<!tpu.dma_semaphore, #tpu.memory_space<semaphore_mem>>)
    %broadcast_in_dim3A = arith.constant 0.000000e+00 : f32
    %broadcast_in_dim3A_16 = vector.broadcast %broadcast_in_dim3A : f32 to vector<16xf32>
    %swap3A = arith.constant 0 : i32
    %swap3A_17 = arith.index_cast %swap3A : i32 to index
    %swap3A_18 = arith.constant 0 : index
    %swap3A_19 = tpu.vector_load %arg8[%swap3A_17, %swap3A_18] {strides = array<i32>} : memref<16x128xf32, #tpu.memory_space<vmem>>, vector<1x16xf32>,
    %swap3A_20 = vector.shape_cast %swap3A_19 : vector<1x16xf32> to vector<16xf32>
    %swap3A_21 = vector.shape_cast %broadcast_in_dim3A_16 : vector<16xf32> to vector<1x16xf32>
    tpu.vector_store %arg8[%swap3A_17, %swap3A_18], %swap3A_21 {strides = array<i32>} : memref<16x128xf32, #tpu.memory_space<vmem>>, vector<1x16xf32>,
    %broadcast_in_dim3A_22 = arith.constant 0.000000e+00 : f32
    %broadcast_in_dim3A_23 = vector.broadcast %broadcast_in_dim3A_22 : f32 to vector<16xf32>
    %swap3A_24 = arith.constant 0 : i32
    %swap3A_25 = arith.index_cast %swap3A_24 : i32 to index
    %swap3A_26 = arith.constant 16 : index
    %swap3A_27 = tpu.vector_load %arg8[%swap3A_25, %swap3A_26] {strides = array<i32>} : memref<16x128xf32, #tpu.memory_space<vmem>>, vector<1x16xf32>,
    %swap3A_28 = vector.shape_cast %swap3A_27 : vector<1x16xf32> to vector<16xf32>
    %swap3A_29 = vector.shape_cast %broadcast_in_dim3A_23 : vector<16xf32> to vector<1x16xf32>
    tpu.vector_store %arg8[%swap3A_25, %swap3A_26], %swap3A_29 {strides = array<i32>} : memref<16x128xf32, #tpu.memory_space<vmem>>, vector<1x16xf32>,
    %broadcast_in_dim3A_30 = arith.constant 0.000000e+00 : f32
    %broadcast_in_dim3A_31 = vector.broadcast %broadcast_in_dim3A_30 : f32 to vector<16xf32>
    %swap3A_32 = arith.constant 0 : i32
    %swap3A_33 = arith.index_cast %swap3A_32 : i32 to index
    %swap3A_34 = arith.constant 32 : index
    %swap3A_35 = tpu.vector_load %arg8[%swap3A_33, %swap3A_34] {strides = array<i32>} : memref<16x128xf32, #tpu.memory_space<vmem>>, vector<1x16xf32>,
    %swap3A_36 = vector.shape_cast %swap3A_35 : vector<1x16xf32> to vector<16xf32>
    %swap3A_37 = vector.shape_cast %broadcast_in_dim3A_31 : vector<16xf32> to vector<1x16xf32>
    tpu.vector_store %arg8[%swap3A_33, %swap3A_34], %swap3A_37 {strides = array<i32>} : memref<16x128xf32, #tpu.memory_space<vmem>>, vector<1x16xf32>,
    %broadcast_in_dim3A_38 = arith.constant 0.000000e+00 : f32
    %broadcast_in_dim3A_39 = vector.broadcast %broadcast_in_dim3A_38 : f32 to vector<16xf32>
    %swap3A_40 = arith.constant 0 : i32
    %swap3A_41 = arith.index_cast %swap3A_40 : i32 to index
    %swap3A_42 = arith.constant 48 : index
    %swap3A_43 = tpu.vector_load %arg8[%swap3A_41, %swap3A_42] {strides = array<i32>} : memref<16x128xf32, #tpu.memory_space<vmem>>, vector<1x16xf32>,
    %swap3A_44 = vector.shape_cast %swap3A_43 : vector<1x16xf32> to vector<16xf32>
    %swap3A_45 = vector.shape_cast %broadcast_in_dim3A_39 : vector<16xf32> to vector<1x16xf32>
    tpu.vector_store %arg8[%swap3A_41, %swap3A_42], %swap3A_45 {strides = array<i32>} : memref<16x128xf32, #tpu.memory_space<vmem>>, vector<1x16xf32>,
    %broadcast_in_dim3A_46 = arith.constant 0.000000e+00 : f32
    %broadcast_in_dim3A_47 = vector.broadcast %broadcast_in_dim3A_46 : f32 to vector<16xf32>
    %swap3A_48 = arith.constant 0 : i32
    %swap3A_49 = arith.index_cast %swap3A_48 : i32 to index
    %swap3A_50 = arith.constant 64 : index
    %swap3A_51 = tpu.vector_load %arg8[%swap3A_49, %swap3A_50] {strides = array<i32>} : memref<16x128xf32, #tpu.memory_space<vmem>>, vector<1x16xf32>,
    %swap3A_52 = vector.shape_cast %swap3A_51 : vector<1x16xf32> to vector<16xf32>
    %swap3A_53 = vector.shape_cast %broadcast_in_dim3A_47 : vector<16xf32> to vector<1x16xf32>
    tpu.vector_store %arg8[%swap3A_49, %swap3A_50], %swap3A_53 {strides = array<i32>} : memref<16x128xf32, #tpu.memory_space<vmem>>, vector<1x16xf32>,
    %broadcast_in_dim3A_54 = arith.constant 0.000000e+00 : f32
    %broadcast_in_dim3A_55 = vector.broadcast %broadcast_in_dim3A_54 : f32 to vector<16xf32>
    %swap3A_56 = arith.constant 0 : i32
    %swap3A_57 = arith.index_cast %swap3A_56 : i32 to index
    %swap3A_58 = arith.constant 80 : index
    %swap3A_59 = tpu.vector_load %arg8[%swap3A_57, %swap3A_58] {strides = array<i32>} : memref<16x128xf32, #tpu.memory_space<vmem>>, vector<1x16xf32>,
    %swap3A_60 = vector.shape_cast %swap3A_59 : vector<1x16xf32> to vector<16xf32>
    %swap3A_61 = vector.shape_cast %broadcast_in_dim3A_55 : vector<16xf32> to vector<1x16xf32>
    tpu.vector_store %arg8[%swap3A_57, %swap3A_58], %swap3A_61 {strides = array<i32>} : memref<16x128xf32, #tpu.memory_space<vmem>>, vector<1x16xf32>,
    %broadcast_in_dim3A_62 = arith.constant 0.000000e+00 : f32
    %broadcast_in_dim3A_63 = vector.broadcast %broadcast_in_dim3A_62 : f32 to vector<16xf32>
    %swap3A_64 = arith.constant 0 : i32
    %swap3A_65 = arith.index_cast %swap3A_64 : i32 to index
    %swap3A_66 = arith.constant 96 : index
    %swap3A_67 = tpu.vector_load %arg8[%swap3A_65, %swap3A_66] {strides = array<i32>} : memref<16x128xf32, #tpu.memory_space<vmem>>, vector<1x16xf32>,
    %swap3A_68 = vector.shape_cast %swap3A_67 : vector<1x16xf32> to vector<16xf32>
    %swap3A_69 = vector.shape_cast %broadcast_in_dim3A_63 : vector<16xf32> to vector<1x16xf32>
    tpu.vector_store %arg8[%swap3A_65, %swap3A_66], %swap3A_69 {strides = array<i32>} : memref<16x128xf32, #tpu.memory_space<vmem>>, vector<1x16xf32>,
    %broadcast_in_dim3A_70 = arith.constant 0.000000e+00 : f32
    %broadcast_in_dim3A_71 = vector.broadcast %broadcast_in_dim3A_70 : f32 to vector<16xf32>
    %swap3A_72 = arith.constant 0 : i32
    %swap3A_73 = arith.index_cast %swap3A_72 : i32 to index
    %swap3A_74 = arith.constant 112 : index
    %swap3A_75 = tpu.vector_load %arg8[%swap3A_73, %swap3A_74] {strides = array<i32>} : memref<16x128xf32, #tpu.memory_space<vmem>>, vector<1x16xf32>,
    %swap3A_76 = vector.shape_cast %swap3A_75 : vector<1x16xf32> to vector<16xf32>
    %swap3A_77 = vector.shape_cast %broadcast_in_dim3A_71 : vector<16xf32> to vector<1x16xf32>
    tpu.vector_store %arg8[%swap3A_73, %swap3A_74], %swap3A_77 {strides = array<i32>} : memref<16x128xf32, #tpu.memory_space<vmem>>, vector<1x16xf32>,
    %broadcast_in_dim3A_78 = arith.constant 0.000000e+00 : f32
    %broadcast_in_dim3A_79 = vector.broadcast %broadcast_in_dim3A_78 : f32 to vector<16xf32>
    %swap3A_80 = arith.constant 1 : i32
    %swap3A_81 = arith.index_cast %swap3A_80 : i32 to index
    %swap3A_82 = arith.constant 0 : index
    %swap3A_83 = tpu.vector_load %arg8[%swap3A_81, %swap3A_82] {strides = array<i32>} : memref<16x128xf32, #tpu.memory_space<vmem>>, vector<1x16xf32>,
    %swap3A_84 = vector.shape_cast %swap3A_83 : vector<1x16xf32> to vector<16xf32>
    %swap3A_85 = vector.shape_cast %broadcast_in_dim3A_79 : vector<16xf32> to vector<1x16xf32>
    tpu.vector_store %arg8[%swap3A_81, %swap3A_82], %swap3A_85 {strides = array<i32>} : memref<16x128xf32, #tpu.memory_space<vmem>>, vector<1x16xf32>,
    %broadcast_in_dim3A_86 = arith.constant 0.000000e+00 : f32
    %broadcast_in_dim3A_87 = vector.broadcast %broadcast_in_dim3A_86 : f32 to vector<16xf32>
    %swap3A_88 = arith.constant 1 : i32
    %swap3A_89 = arith.index_cast %swap3A_88 : i32 to index
    %swap3A_90 = arith.constant 16 : index
    %swap3A_91 = tpu.vector_load %arg8[%swap3A_89, %swap3A_90] {strides = array<i32>} : memref<16x128xf32, #tpu.memory_space<vmem>>, vector<1x16xf32>,
    %swap3A_92 = vector.shape_cast %swap3A_91 : vector<1x16xf32> to vector<16xf32>
    %swap3A_93 = vector.shape_cast %broadcast_in_dim3A_87 : vector<16xf32> to vector<1x16xf32>
    tpu.vector_store %arg8[%swap3A_89, %swap3A_90], %swap3A_93 {strides = array<i32>} : memref<16x128xf32, #tpu.memory_space<vmem>>, vector<1x16xf32>,
    %broadcast_in_dim3A_94 = arith.constant 0.000000e+00 : f32
    %broadcast_in_dim3A_95 = vector.broadcast %broadcast_in_dim3A_94 : f32 to vector<16xf32>
    %swap3A_96 = arith.constant 1 : i32
    %swap3A_97 = arith.index_cast %swap3A_96 : i32 to index
    %swap3A_98 = arith.constant 32 : index
    %swap3A_99 = tpu.vector_load %arg8[%swap3A_97, %swap3A_98] {strides = array<i32>} : memref<16x128xf32, #tpu.memory_space<vmem>>, vector<1x16xf32>,
    %swap3A_100 = vector.shape_cast %swap3A_99 : vector<1x16xf32> to vector<16xf32>
    %swap3A_101 = vector.shape_cast %broadcast_in_dim3A_95 : vector<16xf32> to vector<1x16xf32>
    tpu.vector_store %arg8[%swap3A_97, %swap3A_98], %swap3A_101 {strides = array<i32>} : memref<16x128xf32, #tpu.memory_space<vmem>>, vector<1x16xf32>,
    %broadcast_in_dim3A_102 = arith.constant 0.000000e+00 : f32
    %broadcast_in_dim3A_103 = vector.broadcast %broadcast_in_dim3A_102 : f32 to vector<16xf32>
    %swap3A_104 = arith.constant 1 : i32
    %swap3A_105 = arith.index_cast %swap3A_104 : i32 to index
    %swap3A_106 = arith.constant 48 : index
    %swap3A_107 = tpu.vector_load %arg8[%swap3A_105, %swap3A_106] {strides = array<i32>} : memref<16x128xf32, #tpu.memory_space<vmem>>, vector<1x16xf32>,
    %swap3A_108 = vector.shape_cast %swap3A_107 : vector<1x16xf32> to vector<16xf32>
    %swap3A_109 = vector.shape_cast %broadcast_in_dim3A_103 : vector<16xf32> to vector<1x16xf32>
    tpu.vector_store %arg8[%swap3A_105, %swap3A_106], %swap3A_109 {strides = array<i32>} : memref<16x128xf32, #tpu.memory_space<vmem>>, vector<1x16xf32>,
    %broadcast_in_dim3A_110 = arith.constant 0.000000e+00 : f32
    %broadcast_in_dim3A_111 = vector.broadcast %broadcast_in_dim3A_110 : f32 to vector<16xf32>
    %swap3A_112 = arith.constant 1 : i32
    %swap3A_113 = arith.index_cast %swap3A_112 : i32 to index
    %swap3A_114 = arith.constant 64 : index
    %swap3A_115 = tpu.vector_load %arg8[%swap3A_113, %swap3A_114] {strides = array<i32>} : memref<16x128xf32, #tpu.memory_space<vmem>>, vector<1x16xf32>,
    %swap3A_116 = vector.shape_cast %swap3A_115 : vector<1x16xf32> to vector<16xf32>
    %swap3A_117 = vector.shape_cast %broadcast_in_dim3A_111 : vector<16xf32> to vector<1x16xf32>
    tpu.vector_store %arg8[%swap3A_113, %swap3A_114], %swap3A_117 {strides = array<i32>} : memref<16x128xf32, #tpu.memory_space<vmem>>, vector<1x16xf32>,
    %broadcast_in_dim3A_118 = arith.constant 0.000000e+00 : f32
    %broadcast_in_dim3A_119 = vector.broadcast %broadcast_in_dim3A_118 : f32 to vector<16xf32>
    %swap3A_120 = arith.constant 1 : i32
    %swap3A_121 = arith.index_cast %swap3A_120 : i32 to index
    %swap3A_122 = arith.constant 80 : index
    %swap3A_123 = tpu.vector_load %arg8[%swap3A_121, %swap3A_122] {strides = array<i32>} : memref<16x128xf32, #tpu.memory_space<vmem>>, vector<1x16xf32>,
    %swap3A_124 = vector.shape_cast %swap3A_123 : vector<1x16xf32> to vector<16xf32>
    %swap3A_125 = vector.shape_cast %broadcast_in_dim3A_119 : vector<16xf32> to vector<1x16xf32>
    tpu.vector_store %arg8[%swap3A_121, %swap3A_122], %swap3A_125 {strides = array<i32>} : memref<16x128xf32, #tpu.memory_space<vmem>>, vector<1x16xf32>,
    %broadcast_in_dim3A_126 = arith.constant 0.000000e+00 : f32
    %broadcast_in_dim3A_127 = vector.broadcast %broadcast_in_dim3A_126 : f32 to vector<16xf32>
    %swap3A_128 = arith.constant 1 : i32
    %swap3A_129 = arith.index_cast %swap3A_128 : i32 to index
    %swap3A_130 = arith.constant 96 : index
    %swap3A_131 = tpu.vector_load %arg8[%swap3A_129, %swap3A_130] {strides = array<i32>} : memref<16x128xf32, #tpu.memory_space<vmem>>, vector<1x16xf32>,
    %swap3A_132 = vector.shape_cast %swap3A_131 : vector<1x16xf32> to vector<16xf32>
    %swap3A_133 = vector.shape_cast %broadcast_in_dim3A_127 : vector<16xf32> to vector<1x16xf32>
    tpu.vector_store %arg8[%swap3A_129, %swap3A_130], %swap3A_133 {strides = array<i32>} : memref<16x128xf32, #tpu.memory_space<vmem>>, vector<1x16xf32>,
    %broadcast_in_dim3A_134 = arith.constant 0.000000e+00 : f32
    %broadcast_in_dim3A_135 = vector.broadcast %broadcast_in_dim3A_134 : f32 to vector<16xf32>
    %swap3A_136 = arith.constant 1 : i32
    %swap3A_137 = arith.index_cast %swap3A_136 : i32 to index
    %swap3A_138 = arith.constant 112 : index
    %swap3A_139 = tpu.vector_load %arg8[%swap3A_137, %swap3A_138] {strides = array<i32>} : memref<16x128xf32, #tpu.memory_space<vmem>>, vector<1x16xf32>,
    %swap3A_140 = vector.shape_cast %swap3A_139 : vector<1x16xf32> to vector<16xf32>
    %swap3A_141 = vector.shape_cast %broadcast_in_dim3A_135 : vector<16xf32> to vector<1x16xf32>
    tpu.vector_store %arg8[%swap3A_137, %swap3A_138], %swap3A_141 {strides = array<i32>} : memref<16x128xf32, #tpu.memory_space<vmem>>, vector<1x16xf32>,
    %broadcast_in_dim3A_142 = arith.constant 0.000000e+00 : f32
    %broadcast_in_dim3A_143 = vector.broadcast %broadcast_in_dim3A_142 : f32 to vector<16xf32>
    %swap3A_144 = arith.constant 2 : i32
    %swap3A_145 = arith.index_cast %swap3A_144 : i32 to index
    %swap3A_146 = arith.constant 0 : index
    %swap3A_147 = tpu.vector_load %arg8[%swap3A_145, %swap3A_146] {strides = array<i32>} : memref<16x128xf32, #tpu.memory_space<vmem>>, vector<1x16xf32>,
    %swap3A_148 = vector.shape_cast %swap3A_147 : vector<1x16xf32> to vector<16xf32>
    %swap3A_149 = vector.shape_cast %broadcast_in_dim3A_143 : vector<16xf32> to vector<1x16xf32>
    tpu.vector_store %arg8[%swap3A_145, %swap3A_146], %swap3A_149 {strides = array<i32>} : memref<16x128xf32, #tpu.memory_space<vmem>>, vector<1x16xf32>,
    %broadcast_in_dim3A_150 = arith.constant 0.000000e+00 : f32
    %broadcast_in_dim3A_151 = vector.broadcast %broadcast_in_dim3A_150 : f32 to vector<16xf32>
    %swap3A_152 = arith.constant 2 : i32
    %swap3A_153 = arith.index_cast %swap3A_152 : i32 to index
    %swap3A_154 = arith.constant 16 : index
    %swap3A_155 = tpu.vector_load %arg8[%swap3A_153, %swap3A_154] {strides = array<i32>} : memref<16x128xf32, #tpu.memory_space<vmem>>, vector<1x16xf32>,
    %swap3A_156 = vector.shape_cast %swap3A_155 : vector<1x16xf32> to vector<16xf32>
    %swap3A_157 = vector.shape_cast %broadcast_in_dim3A_151 : vector<16xf32> to vector<1x16xf32>
    tpu.vector_store %arg8[%swap3A_153, %swap3A_154], %swap3A_157 {strides = array<i32>} : memref<16x128xf32, #tpu.memory_space<vmem>>, vector<1x16xf32>,
    %broadcast_in_dim3A_158 = arith.constant 0.000000e+00 : f32
    %broadcast_in_dim3A_159 = vector.broadcast %broadcast_in_dim3A_158 : f32 to vector<16xf32>
    %swap3A_160 = arith.constant 2 : i32
    %swap3A_161 = arith.index_cast %swap3A_160 : i32 to index
    %swap3A_162 = arith.constant 32 : index
    %swap3A_163 = tpu.vector_load %arg8[%swap3A_161, %swap3A_162] {strides = array<i32>} : memref<16x128xf32, #tpu.memory_space<vmem>>, vector<1x16xf32>,
    %swap3A_164 = vector.shape_cast %swap3A_163 : vector<1x16xf32> to vector<16xf32>
    %swap3A_165 = vector.shape_cast %broadcast_in_dim3A_159 : vector<16xf32> to vector<1x16xf32>
    tpu.vector_store %arg8[%swap3A_161, %swap3A_162], %swap3A_165 {strides = array<i32>} : memref<16x128xf32, #tpu.memory_space<vmem>>, vector<1x16xf32>,
    %broadcast_in_dim3A_166 = arith.constant 0.000000e+00 : f32
    %broadcast_in_dim3A_167 = vector.broadcast %broadcast_in_dim3A_166 : f32 to vector<16xf32>
    %swap3A_168 = arith.constant 2 : i32
    %swap3A_169 = arith.index_cast %swap3A_168 : i32 to index
    %swap3A_170 = arith.constant 48 : index
    %swap3A_171 = tpu.vector_load %arg8[%swap3A_169, %swap3A_170] {strides = array<i32>} : memref<16x128xf32, #tpu.memory_space<vmem>>, vector<1x16xf32>,
    %swap3A_172 = vector.shape_cast %swap3A_171 : vector<1x16xf32> to vector<16xf32>
    %swap3A_173 = vector.shape_cast %broadcast_in_dim3A_167 : vector<16xf32> to vector<1x16xf32>
    tpu.vector_store %arg8[%swap3A_169, %swap3A_170], %swap3A_173 {strides = array<i32>} : memref<16x128xf32, #tpu.memory_space<vmem>>, vector<1x16xf32>,
    %broadcast_in_dim3A_174 = arith.constant 0.000000e+00 : f32
    %broadcast_in_dim3A_175 = vector.broadcast %broadcast_in_dim3A_174 : f32 to vector<16xf32>
    %swap3A_176 = arith.constant 2 : i32
    %swap3A_177 = arith.index_cast %swap3A_176 : i32 to index
    %swap3A_178 = arith.constant 64 : index
    %swap3A_179 = tpu.vector_load %arg8[%swap3A_177, %swap3A_178] {strides = array<i32>} : memref<16x128xf32, #tpu.memory_space<vmem>>, vector<1x16xf32>,
    %swap3A_180 = vector.shape_cast %swap3A_179 : vector<1x16xf32> to vector<16xf32>
    %swap3A_181 = vector.shape_cast %broadcast_in_dim3A_175 : vector<16xf32> to vector<1x16xf32>
    tpu.vector_store %arg8[%swap3A_177, %swap3A_178], %swap3A_181 {strides = array<i32>} : memref<16x128xf32, #tpu.memory_space<vmem>>, vector<1x16xf32>,
    %broadcast_in_dim3A_182 = arith.constant 0.000000e+00 : f32
    %broadcast_in_dim3A_183 = vector.broadcast %broadcast_in_dim3A_182 : f32 to vector<16xf32>
    %swap3A_184 = arith.constant 2 : i32
    %swap3A_185 = arith.index_cast %swap3A_184 : i32 to index
    %swap3A_186 = arith.constant 80 : index
    %swap3A_187 = tpu.vector_load %arg8[%swap3A_185, %swap3A_186] {strides = array<i32>} : memref<16x128xf32, #tpu.memory_space<vmem>>, vector<1x16xf32>,
    %swap3A_188 = vector.shape_cast %swap3A_187 : vector<1x16xf32> to vector<16xf32>
    %swap3A_189 = vector.shape_cast %broadcast_in_dim3A_183 : vector<16xf32> to vector<1x16xf32>
    tpu.vector_store %arg8[%swap3A_185, %swap3A_186], %swap3A_189 {strides = array<i32>} : memref<16x128xf32, #tpu.memory_space<vmem>>, vector<1x16xf32>,
    %broadcast_in_dim3A_190 = arith.constant 0.000000e+00 : f32
    %broadcast_in_dim3A_191 = vector.broadcast %broadcast_in_dim3A_190 : f32 to vector<16xf32>
    %swap3A_192 = arith.constant 2 : i32
    %swap3A_193 = arith.index_cast %swap3A_192 : i32 to index
    %swap3A_194 = arith.constant 96 : index
    %swap3A_195 = tpu.vector_load %arg8[%swap3A_193, %swap3A_194] {strides = array<i32>} : memref<16x128xf32, #tpu.memory_space<vmem>>, vector<1x16xf32>,
    %swap3A_196 = vector.shape_cast %swap3A_195 : vector<1x16xf32> to vector<16xf32>
    %swap3A_197 = vector.shape_cast %broadcast_in_dim3A_191 : vector<16xf32> to vector<1x16xf32>
    tpu.vector_store %arg8[%swap3A_193, %swap3A_194], %swap3A_197 {strides = array<i32>} : memref<16x128xf32, #tpu.memory_space<vmem>>, vector<1x16xf32>,
    %broadcast_in_dim3A_198 = arith.constant 0.000000e+00 : f32
    %broadcast_in_dim3A_199 = vector.broadcast %broadcast_in_dim3A_198 : f32 to vector<16xf32>
    %swap3A_200 = arith.constant 2 : i32
    %swap3A_201 = arith.index_cast %swap3A_200 : i32 to index
    %swap3A_202 = arith.constant 112 : index
    %swap3A_203 = tpu.vector_load %arg8[%swap3A_201, %swap3A_202] {strides = array<i32>} : memref<16x128xf32, #tpu.memory_space<vmem>>, vector<1x16xf32>,
    %swap3A_204 = vector.shape_cast %swap3A_203 : vector<1x16xf32> to vector<16xf32>
    %swap3A_205 = vector.shape_cast %broadcast_in_dim3A_199 : vector<16xf32> to vector<1x16xf32>
    tpu.vector_store %arg8[%swap3A_201, %swap3A_202], %swap3A_205 {strides = array<i32>} : memref<16x128xf32, #tpu.memory_space<vmem>>, vector<1x16xf32>,
    %broadcast_in_dim3A_206 = arith.constant 0.000000e+00 : f32
    %broadcast_in_dim3A_207 = vector.broadcast %broadcast_in_dim3A_206 : f32 to vector<16xf32>
    %swap3A_208 = arith.constant 3 : i32
    %swap3A_209 = arith.index_cast %swap3A_208 : i32 to index
    %swap3A_210 = arith.constant 0 : index
    %swap3A_211 = tpu.vector_load %arg8[%swap3A_209, %swap3A_210] {strides = array<i32>} : memref<16x128xf32, #tpu.memory_space<vmem>>, vector<1x16xf32>,
    %swap3A_212 = vector.shape_cast %swap3A_211 : vector<1x16xf32> to vector<16xf32>
    %swap3A_213 = vector.shape_cast %broadcast_in_dim3A_207 : vector<16xf32> to vector<1x16xf32>
    tpu.vector_store %arg8[%swap3A_209, %swap3A_210], %swap3A_213 {strides = array<i32>} : memref<16x128xf32, #tpu.memory_space<vmem>>, vector<1x16xf32>,
    %broadcast_in_dim3A_214 = arith.constant 0.000000e+00 : f32
    %broadcast_in_dim3A_215 = vector.broadcast %broadcast_in_dim3A_214 : f32 to vector<16xf32>
    %swap3A_216 = arith.constant 3 : i32
    %swap3A_217 = arith.index_cast %swap3A_216 : i32 to index
    %swap3A_218 = arith.constant 16 : index
    %swap3A_219 = tpu.vector_load %arg8[%swap3A_217, %swap3A_218] {strides = array<i32>} : memref<16x128xf32, #tpu.memory_space<vmem>>, vector<1x16xf32>,
    %swap3A_220 = vector.shape_cast %swap3A_219 : vector<1x16xf32> to vector<16xf32>
    %swap3A_221 = vector.shape_cast %broadcast_in_dim3A_215 : vector<16xf32> to vector<1x16xf32>
    tpu.vector_store %arg8[%swap3A_217, %swap3A_218], %swap3A_221 {strides = array<i32>} : memref<16x128xf32, #tpu.memory_space<vmem>>, vector<1x16xf32>,
    %broadcast_in_dim3A_222 = arith.constant 0.000000e+00 : f32
    %broadcast_in_dim3A_223 = vector.broadcast %broadcast_in_dim3A_222 : f32 to vector<16xf32>
    %swap3A_224 = arith.constant 3 : i32
    %swap3A_225 = arith.index_cast %swap3A_224 : i32 to index
    %swap3A_226 = arith.constant 32 : index
    %swap3A_227 = tpu.vector_load %arg8[%swap3A_225, %swap3A_226] {strides = array<i32>} : memref<16x128xf32, #tpu.memory_space<vmem>>, vector<1x16xf32>,
    %swap3A_228 = vector.shape_cast %swap3A_227 : vector<1x16xf32> to vector<16xf32>
    %swap3A_229 = vector.shape_cast %broadcast_in_dim3A_223 : vector<16xf32> to vector<1x16xf32>
    tpu.vector_store %arg8[%swap3A_225, %swap3A_226], %swap3A_229 {strides = array<i32>} : memref<16x128xf32, #tpu.memory_space<vmem>>, vector<1x16xf32>,
    %broadcast_in_dim3A_230 = arith.constant 0.000000e+00 : f32
    %broadcast_in_dim3A_231 = vector.broadcast %broadcast_in_dim3A_230 : f32 to vector<16xf32>
    %swap3A_232 = arith.constant 3 : i32
    %swap3A_233 = arith.index_cast %swap3A_232 : i32 to index
    %swap3A_234 = arith.constant 48 : index
    %swap3A_235 = tpu.vector_load %arg8[%swap3A_233, %swap3A_234] {strides = array<i32>} : memref<16x128xf32, #tpu.memory_space<vmem>>, vector<1x16xf32>,
    %swap3A_236 = vector.shape_cast %swap3A_235 : vector<1x16xf32> to vector<16xf32>
    %swap3A_237 = vector.shape_cast %broadcast_in_dim3A_231 : vector<16xf32> to vector<1x16xf32>
    tpu.vector_store %arg8[%swap3A_233, %swap3A_234], %swap3A_237 {strides = array<i32>} : memref<16x128xf32, #tpu.memory_space<vmem>>, vector<1x16xf32>,
    %broadcast_in_dim3A_238 = arith.constant 0.000000e+00 : f32
    %broadcast_in_dim3A_239 = vector.broadcast %broadcast_in_dim3A_238 : f32 to vector<16xf32>
    %swap3A_240 = arith.constant 3 : i32
    %swap3A_241 = arith.index_cast %swap3A_240 : i32 to index
    %swap3A_242 = arith.constant 64 : index
    %swap3A_243 = tpu.vector_load %arg8[%swap3A_241, %swap3A_242] {strides = array<i32>} : memref<16x128xf32, #tpu.memory_space<vmem>>, vector<1x16xf32>,
    %swap3A_244 = vector.shape_cast %swap3A_243 : vector<1x16xf32> to vector<16xf32>
    %swap3A_245 = vector.shape_cast %broadcast_in_dim3A_239 : vector<16xf32> to vector<1x16xf32>
    tpu.vector_store %arg8[%swap3A_241, %swap3A_242], %swap3A_245 {strides = array<i32>} : memref<16x128xf32, #tpu.memory_space<vmem>>, vector<1x16xf32>,
    %broadcast_in_dim3A_246 = arith.constant 0.000000e+00 : f32
    %broadcast_in_dim3A_247 = vector.broadcast %broadcast_in_dim3A_246 : f32 to vector<16xf32>
    %swap3A_248 = arith.constant 3 : i32
    %swap3A_249 = arith.index_cast %swap3A_248 : i32 to index
    %swap3A_250 = arith.constant 80 : index
    %swap3A_251 = tpu.vector_load %arg8[%swap3A_249, %swap3A_250] {strides = array<i32>} : memref<16x128xf32, #tpu.memory_space<vmem>>, vector<1x16xf32>,
    %swap3A_252 = vector.shape_cast %swap3A_251 : vector<1x16xf32> to vector<16xf32>
    %swap3A_253 = vector.shape_cast %broadcast_in_dim3A_247 : vector<16xf32> to vector<1x16xf32>
    tpu.vector_store %arg8[%swap3A_249, %swap3A_250], %swap3A_253 {strides = array<i32>} : memref<16x128xf32, #tpu.memory_space<vmem>>, vector<1x16xf32>,
    %broadcast_in_dim3A_254 = arith.constant 0.000000e+00 : f32
    %broadcast_in_dim3A_255 = vector.broadcast %broadcast_in_dim3A_254 : f32 to vector<16xf32>
    %swap3A_256 = arith.constant 3 : i32
    %swap3A_257 = arith.index_cast %swap3A_256 : i32 to index
    %swap3A_258 = arith.constant 96 : index
    %swap3A_259 = tpu.vector_load %arg8[%swap3A_257, %swap3A_258] {strides = array<i32>} : memref<16x128xf32, #tpu.memory_space<vmem>>, vector<1x16xf32>,
    %swap3A_260 = vector.shape_cast %swap3A_259 : vector<1x16xf32> to vector<16xf32>
    %swap3A_261 = vector.shape_cast %broadcast_in_dim3A_255 : vector<16xf32> to vector<1x16xf32>
    tpu.vector_store %arg8[%swap3A_257, %swap3A_258], %swap3A_261 {strides = array<i32>} : memref<16x128xf32, #tpu.memory_space<vmem>>, vector<1x16xf32>,
    %broadcast_in_dim3A_262 = arith.constant 0.000000e+00 : f32
    %broadcast_in_dim3A_263 = vector.broadcast %broadcast_in_dim3A_262 : f32 to vector<16xf32>
    %swap3A_264 = arith.constant 3 : i32
    %swap3A_265 = arith.index_cast %swap3A_264 : i32 to index
    %swap3A_266 = arith.constant 112 : index
    %swap3A_267 = tpu.vector_load %arg8[%swap3A_265, %swap3A_266] {strides = array<i32>} : memref<16x128xf32, #tpu.memory_space<vmem>>, vector<1x16xf32>,
    %swap3A_268 = vector.shape_cast %swap3A_267 : vector<1x16xf32> to vector<16xf32>
    %swap3A_269 = vector.shape_cast %broadcast_in_dim3A_263 : vector<16xf32> to vector<1x16xf32>
    tpu.vector_store %arg8[%swap3A_265, %swap3A_266], %swap3A_269 {strides = array<i32>} : memref<16x128xf32, #tpu.memory_space<vmem>>, vector<1x16xf32>,
    %broadcast_in_dim3A_270 = arith.constant 0.000000e+00 : f32
    %broadcast_in_dim3A_271 = vector.broadcast %broadcast_in_dim3A_270 : f32 to vector<16xf32>
    %swap3A_272 = arith.constant 4 : i32
    %swap3A_273 = arith.index_cast %swap3A_272 : i32 to index
    %swap3A_274 = arith.constant 0 : index
    %swap3A_275 = tpu.vector_load %arg8[%swap3A_273, %swap3A_274] {strides = array<i32>} : memref<16x128xf32, #tpu.memory_space<vmem>>, vector<1x16xf32>,
    %swap3A_276 = vector.shape_cast %swap3A_275 : vector<1x16xf32> to vector<16xf32>
    %swap3A_277 = vector.shape_cast %broadcast_in_dim3A_271 : vector<16xf32> to vector<1x16xf32>
    tpu.vector_store %arg8[%swap3A_273, %swap3A_274], %swap3A_277 {strides = array<i32>} : memref<16x128xf32, #tpu.memory_space<vmem>>, vector<1x16xf32>,
    %broadcast_in_dim3A_278 = arith.constant 0.000000e+00 : f32
    %broadcast_in_dim3A_279 = vector.broadcast %broadcast_in_dim3A_278 : f32 to vector<16xf32>
    %swap3A_280 = arith.constant 4 : i32
    %swap3A_281 = arith.index_cast %swap3A_280 : i32 to index
    %swap3A_282 = arith.constant 16 : index
    %swap3A_283 = tpu.vector_load %arg8[%swap3A_281, %swap3A_282] {strides = array<i32>} : memref<16x128xf32, #tpu.memory_space<vmem>>, vector<1x16xf32>,
    %swap3A_284 = vector.shape_cast %swap3A_283 : vector<1x16xf32> to vector<16xf32>
    %swap3A_285 = vector.shape_cast %broadcast_in_dim3A_279 : vector<16xf32> to vector<1x16xf32>
    tpu.vector_store %arg8[%swap3A_281, %swap3A_282], %swap3A_285 {strides = array<i32>} : memref<16x128xf32, #tpu.memory_space<vmem>>, vector<1x16xf32>,
    %broadcast_in_dim3A_286 = arith.constant 0.000000e+00 : f32
    %broadcast_in_dim3A_287 = vector.broadcast %broadcast_in_dim3A_286 : f32 to vector<16xf32>
    %swap3A_288 = arith.constant 4 : i32
    %swap3A_289 = arith.index_cast %swap3A_288 : i32 to index
    %swap3A_290 = arith.constant 32 : index
    %swap3A_291 = tpu.vector_load %arg8[%swap3A_289, %swap3A_290] {strides = array<i32>} : memref<16x128xf32, #tpu.memory_space<vmem>>, vector<1x16xf32>,
    %swap3A_292 = vector.shape_cast %swap3A_291 : vector<1x16xf32> to vector<16xf32>
    %swap3A_293 = vector.shape_cast %broadcast_in_dim3A_287 : vector<16xf32> to vector<1x16xf32>
    tpu.vector_store %arg8[%swap3A_289, %swap3A_290], %swap3A_293 {strides = array<i32>} : memref<16x128xf32, #tpu.memory_space<vmem>>, vector<1x16xf32>,
    %broadcast_in_dim3A_294 = arith.constant 0.000000e+00 : f32
    %broadcast_in_dim3A_295 = vector.broadcast %broadcast_in_dim3A_294 : f32 to vector<16xf32>
    %swap3A_296 = arith.constant 4 : i32
    %swap3A_297 = arith.index_cast %swap3A_296 : i32 to index
    %swap3A_298 = arith.constant 48 : index
    %swap3A_299 = tpu.vector_load %arg8[%swap3A_297, %swap3A_298] {strides = array<i32>} : memref<16x128xf32, #tpu.memory_space<vmem>>, vector<1x16xf32>,
    %swap3A_300 = vector.shape_cast %swap3A_299 : vector<1x16xf32> to vector<16xf32>
    %swap3A_301 = vector.shape_cast %broadcast_in_dim3A_295 : vector<16xf32> to vector<1x16xf32>
    tpu.vector_store %arg8[%swap3A_297, %swap3A_298], %swap3A_301 {strides = array<i32>} : memref<16x128xf32, #tpu.memory_space<vmem>>, vector<1x16xf32>,
    %broadcast_in_dim3A_302 = arith.constant 0.000000e+00 : f32
    %broadcast_in_dim3A_303 = vector.broadcast %broadcast_in_dim3A_302 : f32 to vector<16xf32>
    %swap3A_304 = arith.constant 4 : i32
    %swap3A_305 = arith.index_cast %swap3A_304 : i32 to index
    %swap3A_306 = arith.constant 64 : index
    %swap3A_307 = tpu.vector_load %arg8[%swap3A_305, %swap3A_306] {strides = array<i32>} : memref<16x128xf32, #tpu.memory_space<vmem>>, vector<1x16xf32>,
    %swap3A_308 = vector.shape_cast %swap3A_307 : vector<1x16xf32> to vector<16xf32>
    %swap3A_309 = vector.shape_cast %broadcast_in_dim3A_303 : vector<16xf32> to vector<1x16xf32>
    tpu.vector_store %arg8[%swap3A_305, %swap3A_306], %swap3A_309 {strides = array<i32>} : memref<16x128xf32, #tpu.memory_space<vmem>>, vector<1x16xf32>,
    %broadcast_in_dim3A_310 = arith.constant 0.000000e+00 : f32
    %broadcast_in_dim3A_311 = vector.broadcast %broadcast_in_dim3A_310 : f32 to vector<16xf32>
    %swap3A_312 = arith.constant 4 : i32
    %swap3A_313 = arith.index_cast %swap3A_312 : i32 to index
    %swap3A_314 = arith.constant 80 : index
    %swap3A_315 = tpu.vector_load %arg8[%swap3A_313, %swap3A_314] {strides = array<i32>} : memref<16x128xf32, #tpu.memory_space<vmem>>, vector<1x16xf32>,
    %swap3A_316 = vector.shape_cast %swap3A_315 : vector<1x16xf32> to vector<16xf32>
    %swap3A_317 = vector.shape_cast %broadcast_in_dim3A_311 : vector<16xf32> to vector<1x16xf32>
    tpu.vector_store %arg8[%swap3A_313, %swap3A_314], %swap3A_317 {strides = array<i32>} : memref<16x128xf32, #tpu.memory_space<vmem>>, vector<1x16xf32>,
    %broadcast_in_dim3A_318 = arith.constant 0.000000e+00 : f32
    %broadcast_in_dim3A_319 = vector.broadcast %broadcast_in_dim3A_318 : f32 to vector<16xf32>
    %swap3A_320 = arith.constant 4 : i32
    %swap3A_321 = arith.index_cast %swap3A_320 : i32 to index
    %swap3A_322 = arith.constant 96 : index
    %swap3A_323 = tpu.vector_load %arg8[%swap3A_321, %swap3A_322] {strides = array<i32>} : memref<16x128xf32, #tpu.memory_space<vmem>>, vector<1x16xf32>,
    %swap3A_324 = vector.shape_cast %swap3A_323 : vector<1x16xf32> to vector<16xf32>
    %swap3A_325 = vector.shape_cast %broadcast_in_dim3A_319 : vector<16xf32> to vector<1x16xf32>
    tpu.vector_store %arg8[%swap3A_321, %swap3A_322], %swap3A_325 {strides = array<i32>} : memref<16x128xf32, #tpu.memory_space<vmem>>, vector<1x16xf32>,
    %broadcast_in_dim3A_326 = arith.constant 0.000000e+00 : f32
    %broadcast_in_dim3A_327 = vector.broadcast %broadcast_in_dim3A_326 : f32 to vector<16xf32>
    %swap3A_328 = arith.constant 4 : i32
    %swap3A_329 = arith.index_cast %swap3A_328 : i32 to index
    %swap3A_330 = arith.constant 112 : index
    %swap3A_331 = tpu.vector_load %arg8[%swap3A_329, %swap3A_330] {strides = array<i32>} : memref<16x128xf32, #tpu.memory_space<vmem>>, vector<1x16xf32>,
    %swap3A_332 = vector.shape_cast %swap3A_331 : vector<1x16xf32> to vector<16xf32>
    %swap3A_333 = vector.shape_cast %broadcast_in_dim3A_327 : vector<16xf32> to vector<1x16xf32>
    tpu.vector_store %arg8[%swap3A_329, %swap3A_330], %swap3A_333 {strides = array<i32>} : memref<16x128xf32, #tpu.memory_space<vmem>>, vector<1x16xf32>,
    %broadcast_in_dim3A_334 = arith.constant 0.000000e+00 : f32
    %broadcast_in_dim3A_335 = vector.broadcast %broadcast_in_dim3A_334 : f32 to vector<16xf32>
    %swap3A_336 = arith.constant 5 : i32
    %swap3A_337 = arith.index_cast %swap3A_336 : i32 to index
    %swap3A_338 = arith.constant 0 : index
    %swap3A_339 = tpu.vector_load %arg8[%swap3A_337, %swap3A_338] {strides = array<i32>} : memref<16x128xf32, #tpu.memory_space<vmem>>, vector<1x16xf32>,
    %swap3A_340 = vector.shape_cast %swap3A_339 : vector<1x16xf32> to vector<16xf32>
    %swap3A_341 = vector.shape_cast %broadcast_in_dim3A_335 : vector<16xf32> to vector<1x16xf32>
    tpu.vector_store %arg8[%swap3A_337, %swap3A_338], %swap3A_341 {strides = array<i32>} : memref<16x128xf32, #tpu.memory_space<vmem>>, vector<1x16xf32>,
    %broadcast_in_dim3A_342 = arith.constant 0.000000e+00 : f32
    %broadcast_in_dim3A_343 = vector.broadcast %broadcast_in_dim3A_342 : f32 to vector<16xf32>
    %swap3A_344 = arith.constant 5 : i32
    %swap3A_345 = arith.index_cast %swap3A_344 : i32 to index
    %swap3A_346 = arith.constant 16 : index
    %swap3A_347 = tpu.vector_load %arg8[%swap3A_345, %swap3A_346] {strides = array<i32>} : memref<16x128xf32, #tpu.memory_space<vmem>>, vector<1x16xf32>,
    %swap3A_348 = vector.shape_cast %swap3A_347 : vector<1x16xf32> to vector<16xf32>
    %swap3A_349 = vector.shape_cast %broadcast_in_dim3A_343 : vector<16xf32> to vector<1x16xf32>
    tpu.vector_store %arg8[%swap3A_345, %swap3A_346], %swap3A_349 {strides = array<i32>} : memref<16x128xf32, #tpu.memory_space<vmem>>, vector<1x16xf32>,
    %broadcast_in_dim3A_350 = arith.constant 0.000000e+00 : f32
    %broadcast_in_dim3A_351 = vector.broadcast %broadcast_in_dim3A_350 : f32 to vector<16xf32>
    %swap3A_352 = arith.constant 5 : i32
    %swap3A_353 = arith.index_cast %swap3A_352 : i32 to index
    %swap3A_354 = arith.constant 32 : index
    %swap3A_355 = tpu.vector_load %arg8[%swap3A_353, %swap3A_354] {strides = array<i32>} : memref<16x128xf32, #tpu.memory_space<vmem>>, vector<1x16xf32>,
    %swap3A_356 = vector.shape_cast %swap3A_355 : vector<1x16xf32> to vector<16xf32>
    %swap3A_357 = vector.shape_cast %broadcast_in_dim3A_351 : vector<16xf32> to vector<1x16xf32>
    tpu.vector_store %arg8[%swap3A_353, %swap3A_354], %swap3A_357 {strides = array<i32>} : memref<16x128xf32, #tpu.memory_space<vmem>>, vector<1x16xf32>,
    %broadcast_in_dim3A_358 = arith.constant 0.000000e+00 : f32
    %broadcast_in_dim3A_359 = vector.broadcast %broadcast_in_dim3A_358 : f32 to vector<16xf32>
    %swap3A_360 = arith.constant 5 : i32
    %swap3A_361 = arith.index_cast %swap3A_360 : i32 to index
    %swap3A_362 = arith.constant 48 : index
    %swap3A_363 = tpu.vector_load %arg8[%swap3A_361, %swap3A_362] {strides = array<i32>} : memref<16x128xf32, #tpu.memory_space<vmem>>, vector<1x16xf32>,
    %swap3A_364 = vector.shape_cast %swap3A_363 : vector<1x16xf32> to vector<16xf32>
    %swap3A_365 = vector.shape_cast %broadcast_in_dim3A_359 : vector<16xf32> to vector<1x16xf32>
    tpu.vector_store %arg8[%swap3A_361, %swap3A_362], %swap3A_365 {strides = array<i32>} : memref<16x128xf32, #tpu.memory_space<vmem>>, vector<1x16xf32>,
    %broadcast_in_dim3A_366 = arith.constant 0.000000e+00 : f32
    %broadcast_in_dim3A_367 = vector.broadcast %broadcast_in_dim3A_366 : f32 to vector<16xf32>
    %swap3A_368 = arith.constant 5 : i32
    %swap3A_369 = arith.index_cast %swap3A_368 : i32 to index
    %swap3A_370 = arith.constant 64 : index
    %swap3A_371 = tpu.vector_load %arg8[%swap3A_369, %swap3A_370] {strides = array<i32>} : memref<16x128xf32, #tpu.memory_space<vmem>>, vector<1x16xf32>,
    %swap3A_372 = vector.shape_cast %swap3A_371 : vector<1x16xf32> to vector<16xf32>
    %swap3A_373 = vector.shape_cast %broadcast_in_dim3A_367 : vector<16xf32> to vector<1x16xf32>
    tpu.vector_store %arg8[%swap3A_369, %swap3A_370], %swap3A_373 {strides = array<i32>} : memref<16x128xf32, #tpu.memory_space<vmem>>, vector<1x16xf32>,
    %broadcast_in_dim3A_374 = arith.constant 0.000000e+00 : f32
    %broadcast_in_dim3A_375 = vector.broadcast %broadcast_in_dim3A_374 : f32 to vector<16xf32>
    %swap3A_376 = arith.constant 5 : i32
    %swap3A_377 = arith.index_cast %swap3A_376 : i32 to index
    %swap3A_378 = arith.constant 80 : index
    %swap3A_379 = tpu.vector_load %arg8[%swap3A_377, %swap3A_378] {strides = array<i32>} : memref<16x128xf32, #tpu.memory_space<vmem>>, vector<1x16xf32>,
    %swap3A_380 = vector.shape_cast %swap3A_379 : vector<1x16xf32> to vector<16xf32>
    %swap3A_381 = vector.shape_cast %broadcast_in_dim3A_375 : vector<16xf32> to vector<1x16xf32>
    tpu.vector_store %arg8[%swap3A_377, %swap3A_378], %swap3A_381 {strides = array<i32>} : memref<16x128xf32, #tpu.memory_space<vmem>>, vector<1x16xf32>,
    %broadcast_in_dim3A_382 = arith.constant 0.000000e+00 : f32
    %broadcast_in_dim3A_383 = vector.broadcast %broadcast_in_dim3A_382 : f32 to vector<16xf32>
    %swap3A_384 = arith.constant 5 : i32
    %swap3A_385 = arith.index_cast %swap3A_384 : i32 to index
    %swap3A_386 = arith.constant 96 : index
    %swap3A_387 = tpu.vector_load %arg8[%swap3A_385, %swap3A_386] {strides = array<i32>} : memref<16x128xf32, #tpu.memory_space<vmem>>, vector<1x16xf32>,
    %swap3A_388 = vector.shape_cast %swap3A_387 : vector<1x16xf32> to vector<16xf32>
    %swap3A_389 = vector.shape_cast %broadcast_in_dim3A_383 : vector<16xf32> to vector<1x16xf32>
    tpu.vector_store %arg8[%swap3A_385, %swap3A_386], %swap3A_389 {strides = array<i32>} : memref<16x128xf32, #tpu.memory_space<vmem>>, vector<1x16xf32>,
    %broadcast_in_dim3A_390 = arith.constant 0.000000e+00 : f32
    %broadcast_in_dim3A_391 = vector.broadcast %broadcast_in_dim3A_390 : f32 to vector<16xf32>
    %swap3A_392 = arith.constant 5 : i32
    %swap3A_393 = arith.index_cast %swap3A_392 : i32 to index
    %swap3A_394 = arith.constant 112 : index
    %swap3A_395 = tpu.vector_load %arg8[%swap3A_393, %swap3A_394] {strides = array<i32>} : memref<16x128xf32, #tpu.memory_space<vmem>>, vector<1x16xf32>,
    %swap3A_396 = vector.shape_cast %swap3A_395 : vector<1x16xf32> to vector<16xf32>
    %swap3A_397 = vector.shape_cast %broadcast_in_dim3A_391 : vector<16xf32> to vector<1x16xf32>
    tpu.vector_store %arg8[%swap3A_393, %swap3A_394], %swap3A_397 {strides = array<i32>} : memref<16x128xf32, #tpu.memory_space<vmem>>, vector<1x16xf32>,
    %broadcast_in_dim3A_398 = arith.constant 0.000000e+00 : f32
    %broadcast_in_dim3A_399 = vector.broadcast %broadcast_in_dim3A_398 : f32 to vector<16xf32>
    %swap3A_400 = arith.constant 6 : i32
    %swap3A_401 = arith.index_cast %swap3A_400 : i32 to index
    %swap3A_402 = arith.constant 0 : index
    %swap3A_403 = tpu.vector_load %arg8[%swap3A_401, %swap3A_402] {strides = array<i32>} : memref<16x128xf32, #tpu.memory_space<vmem>>, vector<1x16xf32>,
    %swap3A_404 = vector.shape_cast %swap3A_403 : vector<1x16xf32> to vector<16xf32>
    %swap3A_405 = vector.shape_cast %broadcast_in_dim3A_399 : vector<16xf32> to vector<1x16xf32>
    tpu.vector_store %arg8[%swap3A_401, %swap3A_402], %swap3A_405 {strides = array<i32>} : memref<16x128xf32, #tpu.memory_space<vmem>>, vector<1x16xf32>,
    %broadcast_in_dim3A_406 = arith.constant 0.000000e+00 : f32
    %broadcast_in_dim3A_407 = vector.broadcast %broadcast_in_dim3A_406 : f32 to vector<16xf32>
    %swap3A_408 = arith.constant 6 : i32
    %swap3A_409 = arith.index_cast %swap3A_408 : i32 to index
    %swap3A_410 = arith.constant 16 : index
    %swap3A_411 = tpu.vector_load %arg8[%swap3A_409, %swap3A_410] {strides = array<i32>} : memref<16x128xf32, #tpu.memory_space<vmem>>, vector<1x16xf32>,
    %swap3A_412 = vector.shape_cast %swap3A_411 : vector<1x16xf32> to vector<16xf32>
    %swap3A_413 = vector.shape_cast %broadcast_in_dim3A_407 : vector<16xf32> to vector<1x16xf32>
    tpu.vector_store %arg8[%swap3A_409, %swap3A_410], %swap3A_413 {strides = array<i32>} : memref<16x128xf32, #tpu.memory_space<vmem>>, vector<1x16xf32>,
    %broadcast_in_dim3A_414 = arith.constant 0.000000e+00 : f32
    %broadcast_in_dim3A_415 = vector.broadcast %broadcast_in_dim3A_414 : f32 to vector<16xf32>
    %swap3A_416 = arith.constant 6 : i32
    %swap3A_417 = arith.index_cast %swap3A_416 : i32 to index
    %swap3A_418 = arith.constant 32 : index
    %swap3A_419 = tpu.vector_load %arg8[%swap3A_417, %swap3A_418] {strides = array<i32>} : memref<16x128xf32, #tpu.memory_space<vmem>>, vector<1x16xf32>,
    %swap3A_420 = vector.shape_cast %swap3A_419 : vector<1x16xf32> to vector<16xf32>
    %swap3A_421 = vector.shape_cast %broadcast_in_dim3A_415 : vector<16xf32> to vector<1x16xf32>
    tpu.vector_store %arg8[%swap3A_417, %swap3A_418], %swap3A_421 {strides = array<i32>} : memref<16x128xf32, #tpu.memory_space<vmem>>, vector<1x16xf32>,
    %broadcast_in_dim3A_422 = arith.constant 0.000000e+00 : f32
    %broadcast_in_dim3A_423 = vector.broadcast %broadcast_in_dim3A_422 : f32 to vector<16xf32>
    %swap3A_424 = arith.constant 6 : i32
    %swap3A_425 = arith.index_cast %swap3A_424 : i32 to index
    %swap3A_426 = arith.constant 48 : index
    %swap3A_427 = tpu.vector_load %arg8[%swap3A_425, %swap3A_426] {strides = array<i32>} : memref<16x128xf32, #tpu.memory_space<vmem>>, vector<1x16xf32>,
    %swap3A_428 = vector.shape_cast %swap3A_427 : vector<1x16xf32> to vector<16xf32>
    %swap3A_429 = vector.shape_cast %broadcast_in_dim3A_423 : vector<16xf32> to vector<1x16xf32>
    tpu.vector_store %arg8[%swap3A_425, %swap3A_426], %swap3A_429 {strides = array<i32>} : memref<16x128xf32, #tpu.memory_space<vmem>>, vector<1x16xf32>,
    %broadcast_in_dim3A_430 = arith.constant 0.000000e+00 : f32
    %broadcast_in_dim3A_431 = vector.broadcast %broadcast_in_dim3A_430 : f32 to vector<16xf32>
    %swap3A_432 = arith.constant 6 : i32
    %swap3A_433 = arith.index_cast %swap3A_432 : i32 to index
    %swap3A_434 = arith.constant 64 : index
    %swap3A_435 = tpu.vector_load %arg8[%swap3A_433, %swap3A_434] {strides = array<i32>} : memref<16x128xf32, #tpu.memory_space<vmem>>, vector<1x16xf32>,
    %swap3A_436 = vector.shape_cast %swap3A_435 : vector<1x16xf32> to vector<16xf32>
    %swap3A_437 = vector.shape_cast %broadcast_in_dim3A_431 : vector<16xf32> to vector<1x16xf32>
    tpu.vector_store %arg8[%swap3A_433, %swap3A_434], %swap3A_437 {strides = array<i32>} : memref<16x128xf32, #tpu.memory_space<vmem>>, vector<1x16xf32>,
    %broadcast_in_dim3A_438 = arith.constant 0.000000e+00 : f32
    %broadcast_in_dim3A_439 = vector.broadcast %broadcast_in_dim3A_438 : f32 to vector<16xf32>
    %swap3A_440 = arith.constant 6 : i32
    %swap3A_441 = arith.index_cast %swap3A_440 : i32 to index
    %swap3A_442 = arith.constant 80 : index
    %swap3A_443 = tpu.vector_load %arg8[%swap3A_441, %swap3A_442] {strides = array<i32>} : memref<16x128xf32, #tpu.memory_space<vmem>>, vector<1x16xf32>,
    %swap3A_444 = vector.shape_cast %swap3A_443 : vector<1x16xf32> to vector<16xf32>
    %swap3A_445 = vector.shape_cast %broadcast_in_dim3A_439 : vector<16xf32> to vector<1x16xf32>
    tpu.vector_store %arg8[%swap3A_441, %swap3A_442], %swap3A_445 {strides = array<i32>} : memref<16x128xf32, #tpu.memory_space<vmem>>, vector<1x16xf32>,
    %broadcast_in_dim3A_446 = arith.constant 0.000000e+00 : f32
    %broadcast_in_dim3A_447 = vector.broadcast %broadcast_in_dim3A_446 : f32 to vector<16xf32>
    %swap3A_448 = arith.constant 6 : i32
    %swap3A_449 = arith.index_cast %swap3A_448 : i32 to index
    %swap3A_450 = arith.constant 96 : index
    %swap3A_451 = tpu.vector_load %arg8[%swap3A_449, %swap3A_450] {strides = array<i32>} : memref<16x128xf32, #tpu.memory_space<vmem>>, vector<1x16xf32>,
    %swap3A_452 = vector.shape_cast %swap3A_451 : vector<1x16xf32> to vector<16xf32>
    %swap3A_453 = vector.shape_cast %broadcast_in_dim3A_447 : vector<16xf32> to vector<1x16xf32>
    tpu.vector_store %arg8[%swap3A_449, %swap3A_450], %swap3A_453 {strides = array<i32>} : memref<16x128xf32, #tpu.memory_space<vmem>>, vector<1x16xf32>,
    %broadcast_in_dim3A_454 = arith.constant 0.000000e+00 : f32
    %broadcast_in_dim3A_455 = vector.broadcast %broadcast_in_dim3A_454 : f32 to vector<16xf32>
    %swap3A_456 = arith.constant 6 : i32
    %swap3A_457 = arith.index_cast %swap3A_456 : i32 to index
    %swap3A_458 = arith.constant 112 : index
    %swap3A_459 = tpu.vector_load %arg8[%swap3A_457, %swap3A_458] {strides = array<i32>} : memref<16x128xf32, #tpu.memory_space<vmem>>, vector<1x16xf32>,
    %swap3A_460 = vector.shape_cast %swap3A_459 : vector<1x16xf32> to vector<16xf32>
    %swap3A_461 = vector.shape_cast %broadcast_in_dim3A_455 : vector<16xf32> to vector<1x16xf32>
    tpu.vector_store %arg8[%swap3A_457, %swap3A_458], %swap3A_461 {strides = array<i32>} : memref<16x128xf32, #tpu.memory_space<vmem>>, vector<1x16xf32>,
    %broadcast_in_dim3A_462 = arith.constant 0.000000e+00 : f32
    %broadcast_in_dim3A_463 = vector.broadcast %broadcast_in_dim3A_462 : f32 to vector<16xf32>
    %swap3A_464 = arith.constant 7 : i32
    %swap3A_465 = arith.index_cast %swap3A_464 : i32 to index
    %swap3A_466 = arith.constant 0 : index
    %swap3A_467 = tpu.vector_load %arg8[%swap3A_465, %swap3A_466] {strides = array<i32>} : memref<16x128xf32, #tpu.memory_space<vmem>>, vector<1x16xf32>,
    %swap3A_468 = vector.shape_cast %swap3A_467 : vector<1x16xf32> to vector<16xf32>
    %swap3A_469 = vector.shape_cast %broadcast_in_dim3A_463 : vector<16xf32> to vector<1x16xf32>
    tpu.vector_store %arg8[%swap3A_465, %swap3A_466], %swap3A_469 {strides = array<i32>} : memref<16x128xf32, #tpu.memory_space<vmem>>, vector<1x16xf32>,
    %broadcast_in_dim3A_470 = arith.constant 0.000000e+00 : f32
    %broadcast_in_dim3A_471 = vector.broadcast %broadcast_in_dim3A_470 : f32 to vector<16xf32>
    %swap3A_472 = arith.constant 7 : i32
    %swap3A_473 = arith.index_cast %swap3A_472 : i32 to index
    %swap3A_474 = arith.constant 16 : index
    %swap3A_475 = tpu.vector_load %arg8[%swap3A_473, %swap3A_474] {strides = array<i32>} : memref<16x128xf32, #tpu.memory_space<vmem>>, vector<1x16xf32>,
    %swap3A_476 = vector.shape_cast %swap3A_475 : vector<1x16xf32> to vector<16xf32>
    %swap3A_477 = vector.shape_cast %broadcast_in_dim3A_471 : vector<16xf32> to vector<1x16xf32>
    tpu.vector_store %arg8[%swap3A_473, %swap3A_474], %swap3A_477 {strides = array<i32>} : memref<16x128xf32, #tpu.memory_space<vmem>>, vector<1x16xf32>,
    %broadcast_in_dim3A_478 = arith.constant 0.000000e+00 : f32
    %broadcast_in_dim3A_479 = vector.broadcast %broadcast_in_dim3A_478 : f32 to vector<16xf32>
    %swap3A_480 = arith.constant 7 : i32
    %swap3A_481 = arith.index_cast %swap3A_480 : i32 to index
    %swap3A_482 = arith.constant 32 : index
    %swap3A_483 = tpu.vector_load %arg8[%swap3A_481, %swap3A_482] {strides = array<i32>} : memref<16x128xf32, #tpu.memory_space<vmem>>, vector<1x16xf32>,
    %swap3A_484 = vector.shape_cast %swap3A_483 : vector<1x16xf32> to vector<16xf32>
    %swap3A_485 = vector.shape_cast %broadcast_in_dim3A_479 : vector<16xf32> to vector<1x16xf32>
    tpu.vector_store %arg8[%swap3A_481, %swap3A_482], %swap3A_485 {strides = array<i32>} : memref<16x128xf32, #tpu.memory_space<vmem>>, vector<1x16xf32>,
    %broadcast_in_dim3A_486 = arith.constant 0.000000e+00 : f32
    %broadcast_in_dim3A_487 = vector.broadcast %broadcast_in_dim3A_486 : f32 to vector<16xf32>
    %swap3A_488 = arith.constant 7 : i32
    %swap3A_489 = arith.index_cast %swap3A_488 : i32 to index
    %swap3A_490 = arith.constant 48 : index
    %swap3A_491 = tpu.vector_load %arg8[%swap3A_489, %swap3A_490] {strides = array<i32>} : memref<16x128xf32, #tpu.memory_space<vmem>>, vector<1x16xf32>,
    %swap3A_492 = vector.shape_cast %swap3A_491 : vector<1x16xf32> to vector<16xf32>
    %swap3A_493 = vector.shape_cast %broadcast_in_dim3A_487 : vector<16xf32> to vector<1x16xf32>
    tpu.vector_store %arg8[%swap3A_489, %swap3A_490], %swap3A_493 {strides = array<i32>} : memref<16x128xf32, #tpu.memory_space<vmem>>, vector<1x16xf32>,
    %broadcast_in_dim3A_494 = arith.constant 0.000000e+00 : f32
    %broadcast_in_dim3A_495 = vector.broadcast %broadcast_in_dim3A_494 : f32 to vector<16xf32>
    %swap3A_496 = arith.constant 7 : i32
    %swap3A_497 = arith.index_cast %swap3A_496 : i32 to index
    %swap3A_498 = arith.constant 64 : index
    %swap3A_499 = tpu.vector_load %arg8[%swap3A_497, %swap3A_498] {strides = array<i32>} : memref<16x128xf32, #tpu.memory_space<vmem>>, vector<1x16xf32>,
    %swap3A_500 = vector.shape_cast %swap3A_499 : vector<1x16xf32> to vector<16xf32>
    %swap3A_501 = vector.shape_cast %broadcast_in_dim3A_495 : vector<16xf32> to vector<1x16xf32>
    tpu.vector_store %arg8[%swap3A_497, %swap3A_498], %swap3A_501 {strides = array<i32>} : memref<16x128xf32, #tpu.memory_space<vmem>>, vector<1x16xf32>,
    %broadcast_in_dim3A_502 = arith.constant 0.000000e+00 : f32
    %broadcast_in_dim3A_503 = vector.broadcast %broadcast_in_dim3A_502 : f32 to vector<16xf32>
    %swap3A_504 = arith.constant 7 : i32
    %swap3A_505 = arith.index_cast %swap3A_504 : i32 to index
    %swap3A_506 = arith.constant 80 : index
    %swap3A_507 = tpu.vector_load %arg8[%swap3A_505, %swap3A_506] {strides = array<i32>} : memref<16x128xf32, #tpu.memory_space<vmem>>, vector<1x16xf32>,
    %swap3A_508 = vector.shape_cast %swap3A_507 : vector<1x16xf32> to vector<16xf32>
    %swap3A_509 = vector.shape_cast %broadcast_in_dim3A_503 : vector<16xf32> to vector<1x16xf32>
    tpu.vector_store %arg8[%swap3A_505, %swap3A_506], %swap3A_509 {strides = array<i32>} : memref<16x128xf32, #tpu.memory_space<vmem>>, vector<1x16xf32>,
    %broadcast_in_dim3A_510 = arith.constant 0.000000e+00 : f32
    %broadcast_in_dim3A_511 = vector.broadcast %broadcast_in_dim3A_510 : f32 to vector<16xf32>
    %swap3A_512 = arith.constant 7 : i32
    %swap3A_513 = arith.index_cast %swap3A_512 : i32 to index
    %swap3A_514 = arith.constant 96 : index
    %swap3A_515 = tpu.vector_load %arg8[%swap3A_513, %swap3A_514] {strides = array<i32>} : memref<16x128xf32, #tpu.memory_space<vmem>>, vector<1x16xf32>,
    %swap3A_516 = vector.shape_cast %swap3A_515 : vector<1x16xf32> to vector<16xf32>
    %swap3A_517 = vector.shape_cast %broadcast_in_dim3A_511 : vector<16xf32> to vector<1x16xf32>
    tpu.vector_store %arg8[%swap3A_513, %swap3A_514], %swap3A_517 {strides = array<i32>} : memref<16x128xf32, #tpu.memory_space<vmem>>, vector<1x16xf32>,
    %broadcast_in_dim3A_518 = arith.constant 0.000000e+00 : f32
    %broadcast_in_dim3A_519 = vector.broadcast %broadcast_in_dim3A_518 : f32 to vector<16xf32>
    %swap3A_520 = arith.constant 7 : i32
    %swap3A_521 = arith.index_cast %swap3A_520 : i32 to index
    %swap3A_522 = arith.constant 112 : index
    %swap3A_523 = tpu.vector_load %arg8[%swap3A_521, %swap3A_522] {strides = array<i32>} : memref<16x128xf32, #tpu.memory_space<vmem>>, vector<1x16xf32>,
    %swap3A_524 = vector.shape_cast %swap3A_523 : vector<1x16xf32> to vector<16xf32>
    %swap3A_525 = vector.shape_cast %broadcast_in_dim3A_519 : vector<16xf32> to vector<1x16xf32>
    tpu.vector_store %arg8[%swap3A_521, %swap3A_522], %swap3A_525 {strides = array<i32>} : memref<16x128xf32, #tpu.memory_space<vmem>>, vector<1x16xf32>,
    %broadcast_in_dim3A_526 = arith.constant 0.000000e+00 : f32
    %broadcast_in_dim3A_527 = vector.broadcast %broadcast_in_dim3A_526 : f32 to vector<16xf32>
    %swap3A_528 = arith.constant 8 : i32
    %swap3A_529 = arith.index_cast %swap3A_528 : i32 to index
    %swap3A_530 = arith.constant 0 : index
    %swap3A_531 = tpu.vector_load %arg8[%swap3A_529, %swap3A_530] {strides = array<i32>} : memref<16x128xf32, #tpu.memory_space<vmem>>, vector<1x16xf32>,
    %swap3A_532 = vector.shape_cast %swap3A_531 : vector<1x16xf32> to vector<16xf32>
    %swap3A_533 = vector.shape_cast %broadcast_in_dim3A_527 : vector<16xf32> to vector<1x16xf32>
    tpu.vector_store %arg8[%swap3A_529, %swap3A_530], %swap3A_533 {strides = array<i32>} : memref<16x128xf32, #tpu.memory_space<vmem>>, vector<1x16xf32>,
    %broadcast_in_dim3A_534 = arith.constant 0.000000e+00 : f32
    %broadcast_in_dim3A_535 = vector.broadcast %broadcast_in_dim3A_534 : f32 to vector<16xf32>
    %swap3A_536 = arith.constant 8 : i32
    %swap3A_537 = arith.index_cast %swap3A_536 : i32 to index
    %swap3A_538 = arith.constant 16 : index
    %swap3A_539 = tpu.vector_load %arg8[%swap3A_537, %swap3A_538] {strides = array<i32>} : memref<16x128xf32, #tpu.memory_space<vmem>>, vector<1x16xf32>,
    %swap3A_540 = vector.shape_cast %swap3A_539 : vector<1x16xf32> to vector<16xf32>
    %swap3A_541 = vector.shape_cast %broadcast_in_dim3A_535 : vector<16xf32> to vector<1x16xf32>
    tpu.vector_store %arg8[%swap3A_537, %swap3A_538], %swap3A_541 {strides = array<i32>} : memref<16x128xf32, #tpu.memory_space<vmem>>, vector<1x16xf32>,
    %broadcast_in_dim3A_542 = arith.constant 0.000000e+00 : f32
    %broadcast_in_dim3A_543 = vector.broadcast %broadcast_in_dim3A_542 : f32 to vector<16xf32>
    %swap3A_544 = arith.constant 8 : i32
    %swap3A_545 = arith.index_cast %swap3A_544 : i32 to index
    %swap3A_546 = arith.constant 32 : index
    %swap3A_547 = tpu.vector_load %arg8[%swap3A_545, %swap3A_546] {strides = array<i32>} : memref<16x128xf32, #tpu.memory_space<vmem>>, vector<1x16xf32>,
    %swap3A_548 = vector.shape_cast %swap3A_547 : vector<1x16xf32> to vector<16xf32>
    %swap3A_549 = vector.shape_cast %broadcast_in_dim3A_543 : vector<16xf32> to vector<1x16xf32>
    tpu.vector_store %arg8[%swap3A_545, %swap3A_546], %swap3A_549 {strides = array<i32>} : memref<16x128xf32, #tpu.memory_space<vmem>>, vector<1x16xf32>,
    %broadcast_in_dim3A_550 = arith.constant 0.000000e+00 : f32
    %broadcast_in_dim3A_551 = vector.broadcast %broadcast_in_dim3A_550 : f32 to vector<16xf32>
    %swap3A_552 = arith.constant 8 : i32
    %swap3A_553 = arith.index_cast %swap3A_552 : i32 to index
    %swap3A_554 = arith.constant 48 : index
    %swap3A_555 = tpu.vector_load %arg8[%swap3A_553, %swap3A_554] {strides = array<i32>} : memref<16x128xf32, #tpu.memory_space<vmem>>, vector<1x16xf32>,
    %swap3A_556 = vector.shape_cast %swap3A_555 : vector<1x16xf32> to vector<16xf32>
    %swap3A_557 = vector.shape_cast %broadcast_in_dim3A_551 : vector<16xf32> to vector<1x16xf32>
    tpu.vector_store %arg8[%swap3A_553, %swap3A_554], %swap3A_557 {strides = array<i32>} : memref<16x128xf32, #tpu.memory_space<vmem>>, vector<1x16xf32>,
    %broadcast_in_dim3A_558 = arith.constant 0.000000e+00 : f32
    %broadcast_in_dim3A_559 = vector.broadcast %broadcast_in_dim3A_558 : f32 to vector<16xf32>
    %swap3A_560 = arith.constant 8 : i32
    %swap3A_561 = arith.index_cast %swap3A_560 : i32 to index
    %swap3A_562 = arith.constant 64 : index
    %swap3A_563 = tpu.vector_load %arg8[%swap3A_561, %swap3A_562] {strides = array<i32>} : memref<16x128xf32, #tpu.memory_space<vmem>>, vector<1x16xf32>,
    %swap3A_564 = vector.shape_cast %swap3A_563 : vector<1x16xf32> to vector<16xf32>
    %swap3A_565 = vector.shape_cast %broadcast_in_dim3A_559 : vector<16xf32> to vector<1x16xf32>
    tpu.vector_store %arg8[%swap3A_561, %swap3A_562], %swap3A_565 {strides = array<i32>} : memref<16x128xf32, #tpu.memory_space<vmem>>, vector<1x16xf32>,
    %broadcast_in_dim3A_566 = arith.constant 0.000000e+00 : f32
    %broadcast_in_dim3A_567 = vector.broadcast %broadcast_in_dim3A_566 : f32 to vector<16xf32>
    %swap3A_568 = arith.constant 8 : i32
    %swap3A_569 = arith.index_cast %swap3A_568 : i32 to index
    %swap3A_570 = arith.constant 80 : index
    %swap3A_571 = tpu.vector_load %arg8[%swap3A_569, %swap3A_570] {strides = array<i32>} : memref<16x128xf32, #tpu.memory_space<vmem>>, vector<1x16xf32>,
    %swap3A_572 = vector.shape_cast %swap3A_571 : vector<1x16xf32> to vector<16xf32>
    %swap3A_573 = vector.shape_cast %broadcast_in_dim3A_567 : vector<16xf32> to vector<1x16xf32>
    tpu.vector_store %arg8[%swap3A_569, %swap3A_570], %swap3A_573 {strides = array<i32>} : memref<16x128xf32, #tpu.memory_space<vmem>>, vector<1x16xf32>,
    %broadcast_in_dim3A_574 = arith.constant 0.000000e+00 : f32
    %broadcast_in_dim3A_575 = vector.broadcast %broadcast_in_dim3A_574 : f32 to vector<16xf32>
    %swap3A_576 = arith.constant 8 : i32
    %swap3A_577 = arith.index_cast %swap3A_576 : i32 to index
    %swap3A_578 = arith.constant 96 : index
    %swap3A_579 = tpu.vector_load %arg8[%swap3A_577, %swap3A_578] {strides = array<i32>} : memref<16x128xf32, #tpu.memory_space<vmem>>, vector<1x16xf32>,
    %swap3A_580 = vector.shape_cast %swap3A_579 : vector<1x16xf32> to vector<16xf32>
    %swap3A_581 = vector.shape_cast %broadcast_in_dim3A_575 : vector<16xf32> to vector<1x16xf32>
    tpu.vector_store %arg8[%swap3A_577, %swap3A_578], %swap3A_581 {strides = array<i32>} : memref<16x128xf32, #tpu.memory_space<vmem>>, vector<1x16xf32>,
    %broadcast_in_dim3A_582 = arith.constant 0.000000e+00 : f32
    %broadcast_in_dim3A_583 = vector.broadcast %broadcast_in_dim3A_582 : f32 to vector<16xf32>
    %swap3A_584 = arith.constant 8 : i32
    %swap3A_585 = arith.index_cast %swap3A_584 : i32 to index
    %swap3A_586 = arith.constant 112 : index
    %swap3A_587 = tpu.vector_load %arg8[%swap3A_585, %swap3A_586] {strides = array<i32>} : memref<16x128xf32, #tpu.memory_space<vmem>>, vector<1x16xf32>,
    %swap3A_588 = vector.shape_cast %swap3A_587 : vector<1x16xf32> to vector<16xf32>
    %swap3A_589 = vector.shape_cast %broadcast_in_dim3A_583 : vector<16xf32> to vector<1x16xf32>
    tpu.vector_store %arg8[%swap3A_585, %swap3A_586], %swap3A_589 {strides = array<i32>} : memref<16x128xf32, #tpu.memory_space<vmem>>, vector<1x16xf32>,
    %broadcast_in_dim3A_590 = arith.constant 0.000000e+00 : f32
    %broadcast_in_dim3A_591 = vector.broadcast %broadcast_in_dim3A_590 : f32 to vector<16xf32>
    %swap3A_592 = arith.constant 9 : i32
    %swap3A_593 = arith.index_cast %swap3A_592 : i32 to index
    %swap3A_594 = arith.constant 0 : index
    %swap3A_595 = tpu.vector_load %arg8[%swap3A_593, %swap3A_594] {strides = array<i32>} : memref<16x128xf32, #tpu.memory_space<vmem>>, vector<1x16xf32>,
    %swap3A_596 = vector.shape_cast %swap3A_595 : vector<1x16xf32> to vector<16xf32>
    %swap3A_597 = vector.shape_cast %broadcast_in_dim3A_591 : vector<16xf32> to vector<1x16xf32>
    tpu.vector_store %arg8[%swap3A_593, %swap3A_594], %swap3A_597 {strides = array<i32>} : memref<16x128xf32, #tpu.memory_space<vmem>>, vector<1x16xf32>,
    %broadcast_in_dim3A_598 = arith.constant 0.000000e+00 : f32
    %broadcast_in_dim3A_599 = vector.broadcast %broadcast_in_dim3A_598 : f32 to vector<16xf32>
    %swap3A_600 = arith.constant 9 : i32
    %swap3A_601 = arith.index_cast %swap3A_600 : i32 to index
    %swap3A_602 = arith.constant 16 : index
    %swap3A_603 = tpu.vector_load %arg8[%swap3A_601, %swap3A_602] {strides = array<i32>} : memref<16x128xf32, #tpu.memory_space<vmem>>, vector<1x16xf32>,
    %swap3A_604 = vector.shape_cast %swap3A_603 : vector<1x16xf32> to vector<16xf32>
    %swap3A_605 = vector.shape_cast %broadcast_in_dim3A_599 : vector<16xf32> to vector<1x16xf32>
    tpu.vector_store %arg8[%swap3A_601, %swap3A_602], %swap3A_605 {strides = array<i32>} : memref<16x128xf32, #tpu.memory_space<vmem>>, vector<1x16xf32>,
    %broadcast_in_dim3A_606 = arith.constant 0.000000e+00 : f32
    %broadcast_in_dim3A_607 = vector.broadcast %broadcast_in_dim3A_606 : f32 to vector<16xf32>
    %swap3A_608 = arith.constant 9 : i32
    %swap3A_609 = arith.index_cast %swap3A_608 : i32 to index
    %swap3A_610 = arith.constant 32 : index
    %swap3A_611 = tpu.vector_load %arg8[%swap3A_609, %swap3A_610] {strides = array<i32>} : memref<16x128xf32, #tpu.memory_space<vmem>>, vector<1x16xf32>,
    %swap3A_612 = vector.shape_cast %swap3A_611 : vector<1x16xf32> to vector<16xf32>
    %swap3A_613 = vector.shape_cast %broadcast_in_dim3A_607 : vector<16xf32> to vector<1x16xf32>
    tpu.vector_store %arg8[%swap3A_609, %swap3A_610], %swap3A_613 {strides = array<i32>} : memref<16x128xf32, #tpu.memory_space<vmem>>, vector<1x16xf32>,
    %broadcast_in_dim3A_614 = arith.constant 0.000000e+00 : f32
    %broadcast_in_dim3A_615 = vector.broadcast %broadcast_in_dim3A_614 : f32 to vector<16xf32>
    %swap3A_616 = arith.constant 9 : i32
    %swap3A_617 = arith.index_cast %swap3A_616 : i32 to index
    %swap3A_618 = arith.constant 48 : index
    %swap3A_619 = tpu.vector_load %arg8[%swap3A_617, %swap3A_618] {strides = array<i32>} : memref<16x128xf32, #tpu.memory_space<vmem>>, vector<1x16xf32>,
    %swap3A_620 = vector.shape_cast %swap3A_619 : vector<1x16xf32> to vector<16xf32>
    %swap3A_621 = vector.shape_cast %broadcast_in_dim3A_615 : vector<16xf32> to vector<1x16xf32>
    tpu.vector_store %arg8[%swap3A_617, %swap3A_618], %swap3A_621 {strides = array<i32>} : memref<16x128xf32, #tpu.memory_space<vmem>>, vector<1x16xf32>,
    %broadcast_in_dim3A_622 = arith.constant 0.000000e+00 : f32
    %broadcast_in_dim3A_623 = vector.broadcast %broadcast_in_dim3A_622 : f32 to vector<16xf32>
    %swap3A_624 = arith.constant 9 : i32
    %swap3A_625 = arith.index_cast %swap3A_624 : i32 to index
    %swap3A_626 = arith.constant 64 : index
    %swap3A_627 = tpu.vector_load %arg8[%swap3A_625, %swap3A_626] {strides = array<i32>} : memref<16x128xf32, #tpu.memory_space<vmem>>, vector<1x16xf32>,
    %swap3A_628 = vector.shape_cast %swap3A_627 : vector<1x16xf32> to vector<16xf32>
    %swap3A_629 = vector.shape_cast %broadcast_in_dim3A_623 : vector<16xf32> to vector<1x16xf32>
    tpu.vector_store %arg8[%swap3A_625, %swap3A_626], %swap3A_629 {strides = array<i32>} : memref<16x128xf32, #tpu.memory_space<vmem>>, vector<1x16xf32>,
    %broadcast_in_dim3A_630 = arith.constant 0.000000e+00 : f32
    %broadcast_in_dim3A_631 = vector.broadcast %broadcast_in_dim3A_630 : f32 to vector<16xf32>
    %swap3A_632 = arith.constant 9 : i32
    %swap3A_633 = arith.index_cast %swap3A_632 : i32 to index
    %swap3A_634 = arith.constant 80 : index
    %swap3A_635 = tpu.vector_load %arg8[%swap3A_633, %swap3A_634] {strides = array<i32>} : memref<16x128xf32, #tpu.memory_space<vmem>>, vector<1x16xf32>,
    %swap3A_636 = vector.shape_cast %swap3A_635 : vector<1x16xf32> to vector<16xf32>
    %swap3A_637 = vector.shape_cast %broadcast_in_dim3A_631 : vector<16xf32> to vector<1x16xf32>
    tpu.vector_store %arg8[%swap3A_633, %swap3A_634], %swap3A_637 {strides = array<i32>} : memref<16x128xf32, #tpu.memory_space<vmem>>, vector<1x16xf32>,
    %broadcast_in_dim3A_638 = arith.constant 0.000000e+00 : f32
    %broadcast_in_dim3A_639 = vector.broadcast %broadcast_in_dim3A_638 : f32 to vector<16xf32>
    %swap3A_640 = arith.constant 9 : i32
    %swap3A_641 = arith.index_cast %swap3A_640 : i32 to index
    %swap3A_642 = arith.constant 96 : index
    %swap3A_643 = tpu.vector_load %arg8[%swap3A_641, %swap3A_642] {strides = array<i32>} : memref<16x128xf32, #tpu.memory_space<vmem>>, vector<1x16xf32>,
    %swap3A_644 = vector.shape_cast %swap3A_643 : vector<1x16xf32> to vector<16xf32>
    %swap3A_645 = vector.shape_cast %broadcast_in_dim3A_639 : vector<16xf32> to vector<1x16xf32>
    tpu.vector_store %arg8[%swap3A_641, %swap3A_642], %swap3A_645 {strides = array<i32>} : memref<16x128xf32, #tpu.memory_space<vmem>>, vector<1x16xf32>,
    %broadcast_in_dim3A_646 = arith.constant 0.000000e+00 : f32
    %broadcast_in_dim3A_647 = vector.broadcast %broadcast_in_dim3A_646 : f32 to vector<16xf32>
    %swap3A_648 = arith.constant 9 : i32
    %swap3A_649 = arith.index_cast %swap3A_648 : i32 to index
    %swap3A_650 = arith.constant 112 : index
    %swap3A_651 = tpu.vector_load %arg8[%swap3A_649, %swap3A_650] {strides = array<i32>} : memref<16x128xf32, #tpu.memory_space<vmem>>, vector<1x16xf32>,
    %swap3A_652 = vector.shape_cast %swap3A_651 : vector<1x16xf32> to vector<16xf32>
    %swap3A_653 = vector.shape_cast %broadcast_in_dim3A_647 : vector<16xf32> to vector<1x16xf32>
    tpu.vector_store %arg8[%swap3A_649, %swap3A_650], %swap3A_653 {strides = array<i32>} : memref<16x128xf32, #tpu.memory_space<vmem>>, vector<1x16xf32>,
    %broadcast_in_dim3A_654 = arith.constant 0.000000e+00 : f32
    %broadcast_in_dim3A_655 = vector.broadcast %broadcast_in_dim3A_654 : f32 to vector<16xf32>
    %swap3A_656 = arith.constant 10 : i32
    %swap3A_657 = arith.index_cast %swap3A_656 : i32 to index
    %swap3A_658 = arith.constant 0 : index
    %swap3A_659 = tpu.vector_load %arg8[%swap3A_657, %swap3A_658] {strides = array<i32>} : memref<16x128xf32, #tpu.memory_space<vmem>>, vector<1x16xf32>,
    %swap3A_660 = vector.shape_cast %swap3A_659 : vector<1x16xf32> to vector<16xf32>
    %swap3A_661 = vector.shape_cast %broadcast_in_dim3A_655 : vector<16xf32> to vector<1x16xf32>
    tpu.vector_store %arg8[%swap3A_657, %swap3A_658], %swap3A_661 {strides = array<i32>} : memref<16x128xf32, #tpu.memory_space<vmem>>, vector<1x16xf32>,
    %broadcast_in_dim3A_662 = arith.constant 0.000000e+00 : f32
    %broadcast_in_dim3A_663 = vector.broadcast %broadcast_in_dim3A_662 : f32 to vector<16xf32>
    %swap3A_664 = arith.constant 10 : i32
    %swap3A_665 = arith.index_cast %swap3A_664 : i32 to index
    %swap3A_666 = arith.constant 16 : index
    %swap3A_667 = tpu.vector_load %arg8[%swap3A_665, %swap3A_666] {strides = array<i32>} : memref<16x128xf32, #tpu.memory_space<vmem>>, vector<1x16xf32>,
    %swap3A_668 = vector.shape_cast %swap3A_667 : vector<1x16xf32> to vector<16xf32>
    %swap3A_669 = vector.shape_cast %broadcast_in_dim3A_663 : vector<16xf32> to vector<1x16xf32>
    tpu.vector_store %arg8[%swap3A_665, %swap3A_666], %swap3A_669 {strides = array<i32>} : memref<16x128xf32, #tpu.memory_space<vmem>>, vector<1x16xf32>,
    %broadcast_in_dim3A_670 = arith.constant 0.000000e+00 : f32
    %broadcast_in_dim3A_671 = vector.broadcast %broadcast_in_dim3A_670 : f32 to vector<16xf32>
    %swap3A_672 = arith.constant 10 : i32
    %swap3A_673 = arith.index_cast %swap3A_672 : i32 to index
    %swap3A_674 = arith.constant 32 : index
    %swap3A_675 = tpu.vector_load %arg8[%swap3A_673, %swap3A_674] {strides = array<i32>} : memref<16x128xf32, #tpu.memory_space<vmem>>, vector<1x16xf32>,
    %swap3A_676 = vector.shape_cast %swap3A_675 : vector<1x16xf32> to vector<16xf32>
    %swap3A_677 = vector.shape_cast %broadcast_in_dim3A_671 : vector<16xf32> to vector<1x16xf32>
    tpu.vector_store %arg8[%swap3A_673, %swap3A_674], %swap3A_677 {strides = array<i32>} : memref<16x128xf32, #tpu.memory_space<vmem>>, vector<1x16xf32>,
    %broadcast_in_dim3A_678 = arith.constant 0.000000e+00 : f32
    %broadcast_in_dim3A_679 = vector.broadcast %broadcast_in_dim3A_678 : f32 to vector<16xf32>
    %swap3A_680 = arith.constant 10 : i32
    %swap3A_681 = arith.index_cast %swap3A_680 : i32 to index
    %swap3A_682 = arith.constant 48 : index
    %swap3A_683 = tpu.vector_load %arg8[%swap3A_681, %swap3A_682] {strides = array<i32>} : memref<16x128xf32, #tpu.memory_space<vmem>>, vector<1x16xf32>,
    %swap3A_684 = vector.shape_cast %swap3A_683 : vector<1x16xf32> to vector<16xf32>
    %swap3A_685 = vector.shape_cast %broadcast_in_dim3A_679 : vector<16xf32> to vector<1x16xf32>
    tpu.vector_store %arg8[%swap3A_681, %swap3A_682], %swap3A_685 {strides = array<i32>} : memref<16x128xf32, #tpu.memory_space<vmem>>, vector<1x16xf32>,
    %broadcast_in_dim3A_686 = arith.constant 0.000000e+00 : f32
    %broadcast_in_dim3A_687 = vector.broadcast %broadcast_in_dim3A_686 : f32 to vector<16xf32>
    %swap3A_688 = arith.constant 10 : i32
    %swap3A_689 = arith.index_cast %swap3A_688 : i32 to index
    %swap3A_690 = arith.constant 64 : index
    %swap3A_691 = tpu.vector_load %arg8[%swap3A_689, %swap3A_690] {strides = array<i32>} : memref<16x128xf32, #tpu.memory_space<vmem>>, vector<1x16xf32>,
    %swap3A_692 = vector.shape_cast %swap3A_691 : vector<1x16xf32> to vector<16xf32>
    %swap3A_693 = vector.shape_cast %broadcast_in_dim3A_687 : vector<16xf32> to vector<1x16xf32>
    tpu.vector_store %arg8[%swap3A_689, %swap3A_690], %swap3A_693 {strides = array<i32>} : memref<16x128xf32, #tpu.memory_space<vmem>>, vector<1x16xf32>,
    %broadcast_in_dim3A_694 = arith.constant 0.000000e+00 : f32
    %broadcast_in_dim3A_695 = vector.broadcast %broadcast_in_dim3A_694 : f32 to vector<16xf32>
    %swap3A_696 = arith.constant 10 : i32
    %swap3A_697 = arith.index_cast %swap3A_696 : i32 to index
    %swap3A_698 = arith.constant 80 : index
    %swap3A_699 = tpu.vector_load %arg8[%swap3A_697, %swap3A_698] {strides = array<i32>} : memref<16x128xf32, #tpu.memory_space<vmem>>, vector<1x16xf32>,
    %swap3A_700 = vector.shape_cast %swap3A_699 : vector<1x16xf32> to vector<16xf32>
    %swap3A_701 = vector.shape_cast %broadcast_in_dim3A_695 : vector<16xf32> to vector<1x16xf32>
    tpu.vector_store %arg8[%swap3A_697, %swap3A_698], %swap3A_701 {strides = array<i32>} : memref<16x128xf32, #tpu.memory_space<vmem>>, vector<1x16xf32>,
    %broadcast_in_dim3A_702 = arith.constant 0.000000e+00 : f32
    %broadcast_in_dim3A_703 = vector.broadcast %broadcast_in_dim3A_702 : f32 to vector<16xf32>
    %swap3A_704 = arith.constant 10 : i32
    %swap3A_705 = arith.index_cast %swap3A_704 : i32 to index
    %swap3A_706 = arith.constant 96 : index
    %swap3A_707 = tpu.vector_load %arg8[%swap3A_705, %swap3A_706] {strides = array<i32>} : memref<16x128xf32, #tpu.memory_space<vmem>>, vector<1x16xf32>,
    %swap3A_708 = vector.shape_cast %swap3A_707 : vector<1x16xf32> to vector<16xf32>
    %swap3A_709 = vector.shape_cast %broadcast_in_dim3A_703 : vector<16xf32> to vector<1x16xf32>
    tpu.vector_store %arg8[%swap3A_705, %swap3A_706], %swap3A_709 {strides = array<i32>} : memref<16x128xf32, #tpu.memory_space<vmem>>, vector<1x16xf32>,
    %broadcast_in_dim3A_710 = arith.constant 0.000000e+00 : f32
    %broadcast_in_dim3A_711 = vector.broadcast %broadcast_in_dim3A_710 : f32 to vector<16xf32>
    %swap3A_712 = arith.constant 10 : i32
    %swap3A_713 = arith.index_cast %swap3A_712 : i32 to index
    %swap3A_714 = arith.constant 112 : index
    %swap3A_715 = tpu.vector_load %arg8[%swap3A_713, %swap3A_714] {strides = array<i32>} : memref<16x128xf32, #tpu.memory_space<vmem>>, vector<1x16xf32>,
    %swap3A_716 = vector.shape_cast %swap3A_715 : vector<1x16xf32> to vector<16xf32>
    %swap3A_717 = vector.shape_cast %broadcast_in_dim3A_711 : vector<16xf32> to vector<1x16xf32>
    tpu.vector_store %arg8[%swap3A_713, %swap3A_714], %swap3A_717 {strides = array<i32>} : memref<16x128xf32, #tpu.memory_space<vmem>>, vector<1x16xf32>,
    %broadcast_in_dim3A_718 = arith.constant 0.000000e+00 : f32
    %broadcast_in_dim3A_719 = vector.broadcast %broadcast_in_dim3A_718 : f32 to vector<16xf32>
    %swap3A_720 = arith.constant 11 : i32
    %swap3A_721 = arith.index_cast %swap3A_720 : i32 to index
    %swap3A_722 = arith.constant 0 : index
    %swap3A_723 = tpu.vector_load %arg8[%swap3A_721, %swap3A_722] {strides = array<i32>} : memref<16x128xf32, #tpu.memory_space<vmem>>, vector<1x16xf32>,
    %swap3A_724 = vector.shape_cast %swap3A_723 : vector<1x16xf32> to vector<16xf32>
    %swap3A_725 = vector.shape_cast %broadcast_in_dim3A_719 : vector<16xf32> to vector<1x16xf32>
    tpu.vector_store %arg8[%swap3A_721, %swap3A_722], %swap3A_725 {strides = array<i32>} : memref<16x128xf32, #tpu.memory_space<vmem>>, vector<1x16xf32>,
    %broadcast_in_dim3A_726 = arith.constant 0.000000e+00 : f32
    %broadcast_in_dim3A_727 = vector.broadcast %broadcast_in_dim3A_726 : f32 to vector<16xf32>
    %swap3A_728 = arith.constant 11 : i32
    %swap3A_729 = arith.index_cast %swap3A_728 : i32 to index
    %swap3A_730 = arith.constant 16 : index
    %swap3A_731 = tpu.vector_load %arg8[%swap3A_729, %swap3A_730] {strides = array<i32>} : memref<16x128xf32, #tpu.memory_space<vmem>>, vector<1x16xf32>,
    %swap3A_732 = vector.shape_cast %swap3A_731 : vector<1x16xf32> to vector<16xf32>
    %swap3A_733 = vector.shape_cast %broadcast_in_dim3A_727 : vector<16xf32> to vector<1x16xf32>
    tpu.vector_store %arg8[%swap3A_729, %swap3A_730], %swap3A_733 {strides = array<i32>} : memref<16x128xf32, #tpu.memory_space<vmem>>, vector<1x16xf32>,
    %broadcast_in_dim3A_734 = arith.constant 0.000000e+00 : f32
    %broadcast_in_dim3A_735 = vector.broadcast %broadcast_in_dim3A_734 : f32 to vector<16xf32>
    %swap3A_736 = arith.constant 11 : i32
    %swap3A_737 = arith.index_cast %swap3A_736 : i32 to index
    %swap3A_738 = arith.constant 32 : index
    %swap3A_739 = tpu.vector_load %arg8[%swap3A_737, %swap3A_738] {strides = array<i32>} : memref<16x128xf32, #tpu.memory_space<vmem>>, vector<1x16xf32>,
    %swap3A_740 = vector.shape_cast %swap3A_739 : vector<1x16xf32> to vector<16xf32>
    %swap3A_741 = vector.shape_cast %broadcast_in_dim3A_735 : vector<16xf32> to vector<1x16xf32>
    tpu.vector_store %arg8[%swap3A_737, %swap3A_738], %swap3A_741 {strides = array<i32>} : memref<16x128xf32, #tpu.memory_space<vmem>>, vector<1x16xf32>,
    %broadcast_in_dim3A_742 = arith.constant 0.000000e+00 : f32
    %broadcast_in_dim3A_743 = vector.broadcast %broadcast_in_dim3A_742 : f32 to vector<16xf32>
    %swap3A_744 = arith.constant 11 : i32
    %swap3A_745 = arith.index_cast %swap3A_744 : i32 to index
    %swap3A_746 = arith.constant 48 : index
    %swap3A_747 = tpu.vector_load %arg8[%swap3A_745, %swap3A_746] {strides = array<i32>} : memref<16x128xf32, #tpu.memory_space<vmem>>, vector<1x16xf32>,
    %swap3A_748 = vector.shape_cast %swap3A_747 : vector<1x16xf32> to vector<16xf32>
    %swap3A_749 = vector.shape_cast %broadcast_in_dim3A_743 : vector<16xf32> to vector<1x16xf32>
    tpu.vector_store %arg8[%swap3A_745, %swap3A_746], %swap3A_749 {strides = array<i32>} : memref<16x128xf32, #tpu.memory_space<vmem>>, vector<1x16xf32>,
    %broadcast_in_dim3A_750 = arith.constant 0.000000e+00 : f32
    %broadcast_in_dim3A_751 = vector.broadcast %broadcast_in_dim3A_750 : f32 to vector<16xf32>
    %swap3A_752 = arith.constant 11 : i32
    %swap3A_753 = arith.index_cast %swap3A_752 : i32 to index
    %swap3A_754 = arith.constant 64 : index
    %swap3A_755 = tpu.vector_load %arg8[%swap3A_753, %swap3A_754] {strides = array<i32>} : memref<16x128xf32, #tpu.memory_space<vmem>>, vector<1x16xf32>,
    %swap3A_756 = vector.shape_cast %swap3A_755 : vector<1x16xf32> to vector<16xf32>
    %swap3A_757 = vector.shape_cast %broadcast_in_dim3A_751 : vector<16xf32> to vector<1x16xf32>
    tpu.vector_store %arg8[%swap3A_753, %swap3A_754], %swap3A_757 {strides = array<i32>} : memref<16x128xf32, #tpu.memory_space<vmem>>, vector<1x16xf32>,
    %broadcast_in_dim3A_758 = arith.constant 0.000000e+00 : f32
    %broadcast_in_dim3A_759 = vector.broadcast %broadcast_in_dim3A_758 : f32 to vector<16xf32>
    %swap3A_760 = arith.constant 11 : i32
    %swap3A_761 = arith.index_cast %swap3A_760 : i32 to index
    %swap3A_762 = arith.constant 80 : index
    %swap3A_763 = tpu.vector_load %arg8[%swap3A_761, %swap3A_762] {strides = array<i32>} : memref<16x128xf32, #tpu.memory_space<vmem>>, vector<1x16xf32>,
    %swap3A_764 = vector.shape_cast %swap3A_763 : vector<1x16xf32> to vector<16xf32>
    %swap3A_765 = vector.shape_cast %broadcast_in_dim3A_759 : vector<16xf32> to vector<1x16xf32>
    tpu.vector_store %arg8[%swap3A_761, %swap3A_762], %swap3A_765 {strides = array<i32>} : memref<16x128xf32, #tpu.memory_space<vmem>>, vector<1x16xf32>,
    %broadcast_in_dim3A_766 = arith.constant 0.000000e+00 : f32
    %broadcast_in_dim3A_767 = vector.broadcast %broadcast_in_dim3A_766 : f32 to vector<16xf32>
    %swap3A_768 = arith.constant 11 : i32
    %swap3A_769 = arith.index_cast %swap3A_768 : i32 to index
    %swap3A_770 = arith.constant 96 : index
    %swap3A_771 = tpu.vector_load %arg8[%swap3A_769, %swap3A_770] {strides = array<i32>} : memref<16x128xf32, #tpu.memory_space<vmem>>, vector<1x16xf32>,
    %swap3A_772 = vector.shape_cast %swap3A_771 : vector<1x16xf32> to vector<16xf32>
    %swap3A_773 = vector.shape_cast %broadcast_in_dim3A_767 : vector<16xf32> to vector<1x16xf32>
    tpu.vector_store %arg8[%swap3A_769, %swap3A_770], %swap3A_773 {strides = array<i32>} : memref<16x128xf32, #tpu.memory_space<vmem>>, vector<1x16xf32>,
    %broadcast_in_dim3A_774 = arith.constant 0.000000e+00 : f32
    %broadcast_in_dim3A_775 = vector.broadcast %broadcast_in_dim3A_774 : f32 to vector<16xf32>
    %swap3A_776 = arith.constant 11 : i32
    %swap3A_777 = arith.index_cast %swap3A_776 : i32 to index
    %swap3A_778 = arith.constant 112 : index
    %swap3A_779 = tpu.vector_load %arg8[%swap3A_777, %swap3A_778] {strides = array<i32>} : memref<16x128xf32, #tpu.memory_space<vmem>>, vector<1x16xf32>,
    %swap3A_780 = vector.shape_cast %swap3A_779 : vector<1x16xf32> to vector<16xf32>
    %swap3A_781 = vector.shape_cast %broadcast_in_dim3A_775 : vector<16xf32> to vector<1x16xf32>
    tpu.vector_store %arg8[%swap3A_777, %swap3A_778], %swap3A_781 {strides = array<i32>} : memref<16x128xf32, #tpu.memory_space<vmem>>, vector<1x16xf32>,
    %broadcast_in_dim3A_782 = arith.constant 0.000000e+00 : f32
    %broadcast_in_dim3A_783 = vector.broadcast %broadcast_in_dim3A_782 : f32 to vector<16xf32>
    %swap3A_784 = arith.constant 12 : i32
    %swap3A_785 = arith.index_cast %swap3A_784 : i32 to index
    %swap3A_786 = arith.constant 0 : index
    %swap3A_787 = tpu.vector_load %arg8[%swap3A_785, %swap3A_786] {strides = array<i32>} : memref<16x128xf32, #tpu.memory_space<vmem>>, vector<1x16xf32>,
    %swap3A_788 = vector.shape_cast %swap3A_787 : vector<1x16xf32> to vector<16xf32>
    %swap3A_789 = vector.shape_cast %broadcast_in_dim3A_783 : vector<16xf32> to vector<1x16xf32>
    tpu.vector_store %arg8[%swap3A_785, %swap3A_786], %swap3A_789 {strides = array<i32>} : memref<16x128xf32, #tpu.memory_space<vmem>>, vector<1x16xf32>,
    %broadcast_in_dim3A_790 = arith.constant 0.000000e+00 : f32
    %broadcast_in_dim3A_791 = vector.broadcast %broadcast_in_dim3A_790 : f32 to vector<16xf32>
    %swap3A_792 = arith.constant 12 : i32
    %swap3A_793 = arith.index_cast %swap3A_792 : i32 to index
    %swap3A_794 = arith.constant 16 : index
    %swap3A_795 = tpu.vector_load %arg8[%swap3A_793, %swap3A_794] {strides = array<i32>} : memref<16x128xf32, #tpu.memory_space<vmem>>, vector<1x16xf32>,
    %swap3A_796 = vector.shape_cast %swap3A_795 : vector<1x16xf32> to vector<16xf32>
    %swap3A_797 = vector.shape_cast %broadcast_in_dim3A_791 : vector<16xf32> to vector<1x16xf32>
    tpu.vector_store %arg8[%swap3A_793, %swap3A_794], %swap3A_797 {strides = array<i32>} : memref<16x128xf32, #tpu.memory_space<vmem>>, vector<1x16xf32>,
    %broadcast_in_dim3A_798 = arith.constant 0.000000e+00 : f32
    %broadcast_in_dim3A_799 = vector.broadcast %broadcast_in_dim3A_798 : f32 to vector<16xf32>
    %swap3A_800 = arith.constant 12 : i32
    %swap3A_801 = arith.index_cast %swap3A_800 : i32 to index
    %swap3A_802 = arith.constant 32 : index
    %swap3A_803 = tpu.vector_load %arg8[%swap3A_801, %swap3A_802] {strides = array<i32>} : memref<16x128xf32, #tpu.memory_space<vmem>>, vector<1x16xf32>,
    %swap3A_804 = vector.shape_cast %swap3A_803 : vector<1x16xf32> to vector<16xf32>
    %swap3A_805 = vector.shape_cast %broadcast_in_dim3A_799 : vector<16xf32> to vector<1x16xf32>
    tpu.vector_store %arg8[%swap3A_801, %swap3A_802], %swap3A_805 {strides = array<i32>} : memref<16x128xf32, #tpu.memory_space<vmem>>, vector<1x16xf32>,
    %broadcast_in_dim3A_806 = arith.constant 0.000000e+00 : f32
    %broadcast_in_dim3A_807 = vector.broadcast %broadcast_in_dim3A_806 : f32 to vector<16xf32>
    %swap3A_808 = arith.constant 12 : i32
    %swap3A_809 = arith.index_cast %swap3A_808 : i32 to index
    %swap3A_810 = arith.constant 48 : index
    %swap3A_811 = tpu.vector_load %arg8[%swap3A_809, %swap3A_810] {strides = array<i32>} : memref<16x128xf32, #tpu.memory_space<vmem>>, vector<1x16xf32>,
    %swap3A_812 = vector.shape_cast %swap3A_811 : vector<1x16xf32> to vector<16xf32>
    %swap3A_813 = vector.shape_cast %broadcast_in_dim3A_807 : vector<16xf32> to vector<1x16xf32>
    tpu.vector_store %arg8[%swap3A_809, %swap3A_810], %swap3A_813 {strides = array<i32>} : memref<16x128xf32, #tpu.memory_space<vmem>>, vector<1x16xf32>,
    %broadcast_in_dim3A_814 = arith.constant 0.000000e+00 : f32
    %broadcast_in_dim3A_815 = vector.broadcast %broadcast_in_dim3A_814 : f32 to vector<16xf32>
    %swap3A_816 = arith.constant 12 : i32
    %swap3A_817 = arith.index_cast %swap3A_816 : i32 to index
    %swap3A_818 = arith.constant 64 : index
    %swap3A_819 = tpu.vector_load %arg8[%swap3A_817, %swap3A_818] {strides = array<i32>} : memref<16x128xf32, #tpu.memory_space<vmem>>, vector<1x16xf32>,
    %swap3A_820 = vector.shape_cast %swap3A_819 : vector<1x16xf32> to vector<16xf32>
    %swap3A_821 = vector.shape_cast %broadcast_in_dim3A_815 : vector<16xf32> to vector<1x16xf32>
    tpu.vector_store %arg8[%swap3A_817, %swap3A_818], %swap3A_821 {strides = array<i32>} : memref<16x128xf32, #tpu.memory_space<vmem>>, vector<1x16xf32>,
    %broadcast_in_dim3A_822 = arith.constant 0.000000e+00 : f32
    %broadcast_in_dim3A_823 = vector.broadcast %broadcast_in_dim3A_822 : f32 to vector<16xf32>
    %swap3A_824 = arith.constant 12 : i32
    %swap3A_825 = arith.index_cast %swap3A_824 : i32 to index
    %swap3A_826 = arith.constant 80 : index
    %swap3A_827 = tpu.vector_load %arg8[%swap3A_825, %swap3A_826] {strides = array<i32>} : memref<16x128xf32, #tpu.memory_space<vmem>>, vector<1x16xf32>,
    %swap3A_828 = vector.shape_cast %swap3A_827 : vector<1x16xf32> to vector<16xf32>
    %swap3A_829 = vector.shape_cast %broadcast_in_dim3A_823 : vector<16xf32> to vector<1x16xf32>
    tpu.vector_store %arg8[%swap3A_825, %swap3A_826], %swap3A_829 {strides = array<i32>} : memref<16x128xf32, #tpu.memory_space<vmem>>, vector<1x16xf32>,
    %broadcast_in_dim3A_830 = arith.constant 0.000000e+00 : f32
    %broadcast_in_dim3A_831 = vector.broadcast %broadcast_in_dim3A_830 : f32 to vector<16xf32>
    %swap3A_832 = arith.constant 12 : i32
    %swap3A_833 = arith.index_cast %swap3A_832 : i32 to index
    %swap3A_834 = arith.constant 96 : index
    %swap3A_835 = tpu.vector_load %arg8[%swap3A_833, %swap3A_834] {strides = array<i32>} : memref<16x128xf32, #tpu.memory_space<vmem>>, vector<1x16xf32>,
    %swap3A_836 = vector.shape_cast %swap3A_835 : vector<1x16xf32> to vector<16xf32>
    %swap3A_837 = vector.shape_cast %broadcast_in_dim3A_831 : vector<16xf32> to vector<1x16xf32>
    tpu.vector_store %arg8[%swap3A_833, %swap3A_834], %swap3A_837 {strides = array<i32>} : memref<16x128xf32, #tpu.memory_space<vmem>>, vector<1x16xf32>,
    %broadcast_in_dim3A_838 = arith.constant 0.000000e+00 : f32
    %broadcast_in_dim3A_839 = vector.broadcast %broadcast_in_dim3A_838 : f32 to vector<16xf32>
    %swap3A_840 = arith.constant 12 : i32
    %swap3A_841 = arith.index_cast %swap3A_840 : i32 to index
    %swap3A_842 = arith.constant 112 : index
    %swap3A_843 = tpu.vector_load %arg8[%swap3A_841, %swap3A_842] {strides = array<i32>} : memref<16x128xf32, #tpu.memory_space<vmem>>, vector<1x16xf32>,
    %swap3A_844 = vector.shape_cast %swap3A_843 : vector<1x16xf32> to vector<16xf32>
    %swap3A_845 = vector.shape_cast %broadcast_in_dim3A_839 : vector<16xf32> to vector<1x16xf32>
    tpu.vector_store %arg8[%swap3A_841, %swap3A_842], %swap3A_845 {strides = array<i32>} : memref<16x128xf32, #tpu.memory_space<vmem>>, vector<1x16xf32>,
    %broadcast_in_dim3A_846 = arith.constant 0.000000e+00 : f32
    %broadcast_in_dim3A_847 = vector.broadcast %broadcast_in_dim3A_846 : f32 to vector<16xf32>
    %swap3A_848 = arith.constant 13 : i32
    %swap3A_849 = arith.index_cast %swap3A_848 : i32 to index
    %swap3A_850 = arith.constant 0 : index
    %swap3A_851 = tpu.vector_load %arg8[%swap3A_849, %swap3A_850] {strides = array<i32>} : memref<16x128xf32, #tpu.memory_space<vmem>>, vector<1x16xf32>,
    %swap3A_852 = vector.shape_cast %swap3A_851 : vector<1x16xf32> to vector<16xf32>
    %swap3A_853 = vector.shape_cast %broadcast_in_dim3A_847 : vector<16xf32> to vector<1x16xf32>
    tpu.vector_store %arg8[%swap3A_849, %swap3A_850], %swap3A_853 {strides = array<i32>} : memref<16x128xf32, #tpu.memory_space<vmem>>, vector<1x16xf32>,
    %broadcast_in_dim3A_854 = arith.constant 0.000000e+00 : f32
    %broadcast_in_dim3A_855 = vector.broadcast %broadcast_in_dim3A_854 : f32 to vector<16xf32>
    %swap3A_856 = arith.constant 13 : i32
    %swap3A_857 = arith.index_cast %swap3A_856 : i32 to index
    %swap3A_858 = arith.constant 16 : index
    %swap3A_859 = tpu.vector_load %arg8[%swap3A_857, %swap3A_858] {strides = array<i32>} : memref<16x128xf32, #tpu.memory_space<vmem>>, vector<1x16xf32>,
    %swap3A_860 = vector.shape_cast %swap3A_859 : vector<1x16xf32> to vector<16xf32>
    %swap3A_861 = vector.shape_cast %broadcast_in_dim3A_855 : vector<16xf32> to vector<1x16xf32>
    tpu.vector_store %arg8[%swap3A_857, %swap3A_858], %swap3A_861 {strides = array<i32>} : memref<16x128xf32, #tpu.memory_space<vmem>>, vector<1x16xf32>,
    %broadcast_in_dim3A_862 = arith.constant 0.000000e+00 : f32
    %broadcast_in_dim3A_863 = vector.broadcast %broadcast_in_dim3A_862 : f32 to vector<16xf32>
    %swap3A_864 = arith.constant 13 : i32
    %swap3A_865 = arith.index_cast %swap3A_864 : i32 to index
    %swap3A_866 = arith.constant 32 : index
    %swap3A_867 = tpu.vector_load %arg8[%swap3A_865, %swap3A_866] {strides = array<i32>} : memref<16x128xf32, #tpu.memory_space<vmem>>, vector<1x16xf32>,
    %swap3A_868 = vector.shape_cast %swap3A_867 : vector<1x16xf32> to vector<16xf32>
    %swap3A_869 = vector.shape_cast %broadcast_in_dim3A_863 : vector<16xf32> to vector<1x16xf32>
    tpu.vector_store %arg8[%swap3A_865, %swap3A_866], %swap3A_869 {strides = array<i32>} : memref<16x128xf32, #tpu.memory_space<vmem>>, vector<1x16xf32>,
    %broadcast_in_dim3A_870 = arith.constant 0.000000e+00 : f32
    %broadcast_in_dim3A_871 = vector.broadcast %broadcast_in_dim3A_870 : f32 to vector<16xf32>
    %swap3A_872 = arith.constant 13 : i32
    %swap3A_873 = arith.index_cast %swap3A_872 : i32 to index
    %swap3A_874 = arith.constant 48 : index
    %swap3A_875 = tpu.vector_load %arg8[%swap3A_873, %swap3A_874] {strides = array<i32>} : memref<16x128xf32, #tpu.memory_space<vmem>>, vector<1x16xf32>,
    %swap3A_876 = vector.shape_cast %swap3A_875 : vector<1x16xf32> to vector<16xf32>
    %swap3A_877 = vector.shape_cast %broadcast_in_dim3A_871 : vector<16xf32> to vector<1x16xf32>
    tpu.vector_store %arg8[%swap3A_873, %swap3A_874], %swap3A_877 {strides = array<i32>} : memref<16x128xf32, #tpu.memory_space<vmem>>, vector<1x16xf32>,
    %broadcast_in_dim3A_878 = arith.constant 0.000000e+00 : f32
    %broadcast_in_dim3A_879 = vector.broadcast %broadcast_in_dim3A_878 : f32 to vector<16xf32>
    %swap3A_880 = arith.constant 13 : i32
    %swap3A_881 = arith.index_cast %swap3A_880 : i32 to index
    %swap3A_882 = arith.constant 64 : index
    %swap3A_883 = tpu.vector_load %arg8[%swap3A_881, %swap3A_882] {strides = array<i32>} : memref<16x128xf32, #tpu.memory_space<vmem>>, vector<1x16xf32>,
    %swap3A_884 = vector.shape_cast %swap3A_883 : vector<1x16xf32> to vector<16xf32>
    %swap3A_885 = vector.shape_cast %broadcast_in_dim3A_879 : vector<16xf32> to vector<1x16xf32>
    tpu.vector_store %arg8[%swap3A_881, %swap3A_882], %swap3A_885 {strides = array<i32>} : memref<16x128xf32, #tpu.memory_space<vmem>>, vector<1x16xf32>,
    %broadcast_in_dim3A_886 = arith.constant 0.000000e+00 : f32
    %broadcast_in_dim3A_887 = vector.broadcast %broadcast_in_dim3A_886 : f32 to vector<16xf32>
    %swap3A_888 = arith.constant 13 : i32
    %swap3A_889 = arith.index_cast %swap3A_888 : i32 to index
    %swap3A_890 = arith.constant 80 : index
    %swap3A_891 = tpu.vector_load %arg8[%swap3A_889, %swap3A_890] {strides = array<i32>} : memref<16x128xf32, #tpu.memory_space<vmem>>, vector<1x16xf32>,
    %swap3A_892 = vector.shape_cast %swap3A_891 : vector<1x16xf32> to vector<16xf32>
    %swap3A_893 = vector.shape_cast %broadcast_in_dim3A_887 : vector<16xf32> to vector<1x16xf32>
    tpu.vector_store %arg8[%swap3A_889, %swap3A_890], %swap3A_893 {strides = array<i32>} : memref<16x128xf32, #tpu.memory_space<vmem>>, vector<1x16xf32>,
    %broadcast_in_dim3A_894 = arith.constant 0.000000e+00 : f32
    %broadcast_in_dim3A_895 = vector.broadcast %broadcast_in_dim3A_894 : f32 to vector<16xf32>
    %swap3A_896 = arith.constant 13 : i32
    %swap3A_897 = arith.index_cast %swap3A_896 : i32 to index
    %swap3A_898 = arith.constant 96 : index
    %swap3A_899 = tpu.vector_load %arg8[%swap3A_897, %swap3A_898] {strides = array<i32>} : memref<16x128xf32, #tpu.memory_space<vmem>>, vector<1x16xf32>,
    %swap3A_900 = vector.shape_cast %swap3A_899 : vector<1x16xf32> to vector<16xf32>
    %swap3A_901 = vector.shape_cast %broadcast_in_dim3A_895 : vector<16xf32> to vector<1x16xf32>
    tpu.vector_store %arg8[%swap3A_897, %swap3A_898], %swap3A_901 {strides = array<i32>} : memref<16x128xf32, #tpu.memory_space<vmem>>, vector<1x16xf32>,
    %broadcast_in_dim3A_902 = arith.constant 0.000000e+00 : f32
    %broadcast_in_dim3A_903 = vector.broadcast %broadcast_in_dim3A_902 : f32 to vector<16xf32>
    %swap3A_904 = arith.constant 13 : i32
    %swap3A_905 = arith.index_cast %swap3A_904 : i32 to index
    %swap3A_906 = arith.constant 112 : index
    %swap3A_907 = tpu.vector_load %arg8[%swap3A_905, %swap3A_906] {strides = array<i32>} : memref<16x128xf32, #tpu.memory_space<vmem>>, vector<1x16xf32>,
    %swap3A_908 = vector.shape_cast %swap3A_907 : vector<1x16xf32> to vector<16xf32>
    %swap3A_909 = vector.shape_cast %broadcast_in_dim3A_903 : vector<16xf32> to vector<1x16xf32>
    tpu.vector_store %arg8[%swap3A_905, %swap3A_906], %swap3A_909 {strides = array<i32>} : memref<16x128xf32, #tpu.memory_space<vmem>>, vector<1x16xf32>,
    %broadcast_in_dim3A_910 = arith.constant 0.000000e+00 : f32
    %broadcast_in_dim3A_911 = vector.broadcast %broadcast_in_dim3A_910 : f32 to vector<16xf32>
    %swap3A_912 = arith.constant 14 : i32
    %swap3A_913 = arith.index_cast %swap3A_912 : i32 to index
    %swap3A_914 = arith.constant 0 : index
    %swap3A_915 = tpu.vector_load %arg8[%swap3A_913, %swap3A_914] {strides = array<i32>} : memref<16x128xf32, #tpu.memory_space<vmem>>, vector<1x16xf32>,
    %swap3A_916 = vector.shape_cast %swap3A_915 : vector<1x16xf32> to vector<16xf32>
    %swap3A_917 = vector.shape_cast %broadcast_in_dim3A_911 : vector<16xf32> to vector<1x16xf32>
    tpu.vector_store %arg8[%swap3A_913, %swap3A_914], %swap3A_917 {strides = array<i32>} : memref<16x128xf32, #tpu.memory_space<vmem>>, vector<1x16xf32>,
    %broadcast_in_dim3A_918 = arith.constant 0.000000e+00 : f32
    %broadcast_in_dim3A_919 = vector.broadcast %broadcast_in_dim3A_918 : f32 to vector<16xf32>
    %swap3A_920 = arith.constant 14 : i32
    %swap3A_921 = arith.index_cast %swap3A_920 : i32 to index
    %swap3A_922 = arith.constant 16 : index
    %swap3A_923 = tpu.vector_load %arg8[%swap3A_921, %swap3A_922] {strides = array<i32>} : memref<16x128xf32, #tpu.memory_space<vmem>>, vector<1x16xf32>,
    %swap3A_924 = vector.shape_cast %swap3A_923 : vector<1x16xf32> to vector<16xf32>
    %swap3A_925 = vector.shape_cast %broadcast_in_dim3A_919 : vector<16xf32> to vector<1x16xf32>
    tpu.vector_store %arg8[%swap3A_921, %swap3A_922], %swap3A_925 {strides = array<i32>} : memref<16x128xf32, #tpu.memory_space<vmem>>, vector<1x16xf32>,
    %broadcast_in_dim3A_926 = arith.constant 0.000000e+00 : f32
    %broadcast_in_dim3A_927 = vector.broadcast %broadcast_in_dim3A_926 : f32 to vector<16xf32>
    %swap3A_928 = arith.constant 14 : i32
    %swap3A_929 = arith.index_cast %swap3A_928 : i32 to index
    %swap3A_930 = arith.constant 32 : index
    %swap3A_931 = tpu.vector_load %arg8[%swap3A_929, %swap3A_930] {strides = array<i32>} : memref<16x128xf32, #tpu.memory_space<vmem>>, vector<1x16xf32>,
    %swap3A_932 = vector.shape_cast %swap3A_931 : vector<1x16xf32> to vector<16xf32>
    %swap3A_933 = vector.shape_cast %broadcast_in_dim3A_927 : vector<16xf32> to vector<1x16xf32>
    tpu.vector_store %arg8[%swap3A_929, %swap3A_930], %swap3A_933 {strides = array<i32>} : memref<16x128xf32, #tpu.memory_space<vmem>>, vector<1x16xf32>,
    %broadcast_in_dim3A_934 = arith.constant 0.000000e+00 : f32
    %broadcast_in_dim3A_935 = vector.broadcast %broadcast_in_dim3A_934 : f32 to vector<16xf32>
    %swap3A_936 = arith.constant 14 : i32
    %swap3A_937 = arith.index_cast %swap3A_936 : i32 to index
    %swap3A_938 = arith.constant 48 : index
    %swap3A_939 = tpu.vector_load %arg8[%swap3A_937, %swap3A_938] {strides = array<i32>} : memref<16x128xf32, #tpu.memory_space<vmem>>, vector<1x16xf32>,
    %swap3A_940 = vector.shape_cast %swap3A_939 : vector<1x16xf32> to vector<16xf32>
    %swap3A_941 = vector.shape_cast %broadcast_in_dim3A_935 : vector<16xf32> to vector<1x16xf32>
    tpu.vector_store %arg8[%swap3A_937, %swap3A_938], %swap3A_941 {strides = array<i32>} : memref<16x128xf32, #tpu.memory_space<vmem>>, vector<1x16xf32>,
    %broadcast_in_dim3A_942 = arith.constant 0.000000e+00 : f32
    %broadcast_in_dim3A_943 = vector.broadcast %broadcast_in_dim3A_942 : f32 to vector<16xf32>
    %swap3A_944 = arith.constant 14 : i32
    %swap3A_945 = arith.index_cast %swap3A_944 : i32 to index
    %swap3A_946 = arith.constant 64 : index
    %swap3A_947 = tpu.vector_load %arg8[%swap3A_945, %swap3A_946] {strides = array<i32>} : memref<16x128xf32, #tpu.memory_space<vmem>>, vector<1x16xf32>,
    %swap3A_948 = vector.shape_cast %swap3A_947 : vector<1x16xf32> to vector<16xf32>
    %swap3A_949 = vector.shape_cast %broadcast_in_dim3A_943 : vector<16xf32> to vector<1x16xf32>
    tpu.vector_store %arg8[%swap3A_945, %swap3A_946], %swap3A_949 {strides = array<i32>} : memref<16x128xf32, #tpu.memory_space<vmem>>, vector<1x16xf32>,
    %broadcast_in_dim3A_950 = arith.constant 0.000000e+00 : f32
    %broadcast_in_dim3A_951 = vector.broadcast %broadcast_in_dim3A_950 : f32 to vector<16xf32>
    %swap3A_952 = arith.constant 14 : i32
    %swap3A_953 = arith.index_cast %swap3A_952 : i32 to index
    %swap3A_954 = arith.constant 80 : index
    %swap3A_955 = tpu.vector_load %arg8[%swap3A_953, %swap3A_954] {strides = array<i32>} : memref<16x128xf32, #tpu.memory_space<vmem>>, vector<1x16xf32>,
    %swap3A_956 = vector.shape_cast %swap3A_955 : vector<1x16xf32> to vector<16xf32>
    %swap3A_957 = vector.shape_cast %broadcast_in_dim3A_951 : vector<16xf32> to vector<1x16xf32>
    tpu.vector_store %arg8[%swap3A_953, %swap3A_954], %swap3A_957 {strides = array<i32>} : memref<16x128xf32, #tpu.memory_space<vmem>>, vector<1x16xf32>,
    %broadcast_in_dim3A_958 = arith.constant 0.000000e+00 : f32
    %broadcast_in_dim3A_959 = vector.broadcast %broadcast_in_dim3A_958 : f32 to vector<16xf32>
    %swap3A_960 = arith.constant 14 : i32
    %swap3A_961 = arith.index_cast %swap3A_960 : i32 to index
    %swap3A_962 = arith.constant 96 : index
    %swap3A_963 = tpu.vector_load %arg8[%swap3A_961, %swap3A_962] {strides = array<i32>} : memref<16x128xf32, #tpu.memory_space<vmem>>, vector<1x16xf32>,
    %swap3A_964 = vector.shape_cast %swap3A_963 : vector<1x16xf32> to vector<16xf32>
    %swap3A_965 = vector.shape_cast %broadcast_in_dim3A_959 : vector<16xf32> to vector<1x16xf32>
    tpu.vector_store %arg8[%swap3A_961, %swap3A_962], %swap3A_965 {strides = array<i32>} : memref<16x128xf32, #tpu.memory_space<vmem>>, vector<1x16xf32>,
    %broadcast_in_dim3A_966 = arith.constant 0.000000e+00 : f32
    %broadcast_in_dim3A_967 = vector.broadcast %broadcast_in_dim3A_966 : f32 to vector<16xf32>
    %swap3A_968 = arith.constant 14 : i32
    %swap3A_969 = arith.index_cast %swap3A_968 : i32 to index
    %swap3A_970 = arith.constant 112 : index
    %swap3A_971 = tpu.vector_load %arg8[%swap3A_969, %swap3A_970] {strides = array<i32>} : memref<16x128xf32, #tpu.memory_space<vmem>>, vector<1x16xf32>,
    %swap3A_972 = vector.shape_cast %swap3A_971 : vector<1x16xf32> to vector<16xf32>
    %swap3A_973 = vector.shape_cast %broadcast_in_dim3A_967 : vector<16xf32> to vector<1x16xf32>
    tpu.vector_store %arg8[%swap3A_969, %swap3A_970], %swap3A_973 {strides = array<i32>} : memref<16x128xf32, #tpu.memory_space<vmem>>, vector<1x16xf32>,
    %broadcast_in_dim3A_974 = arith.constant 0.000000e+00 : f32
    %broadcast_in_dim3A_975 = vector.broadcast %broadcast_in_dim3A_974 : f32 to vector<16xf32>
    %swap3A_976 = arith.constant 15 : i32
    %swap3A_977 = arith.index_cast %swap3A_976 : i32 to index
    %swap3A_978 = arith.constant 0 : index
    %swap3A_979 = tpu.vector_load %arg8[%swap3A_977, %swap3A_978] {strides = array<i32>} : memref<16x128xf32, #tpu.memory_space<vmem>>, vector<1x16xf32>,
    %swap3A_980 = vector.shape_cast %swap3A_979 : vector<1x16xf32> to vector<16xf32>
    %swap3A_981 = vector.shape_cast %broadcast_in_dim3A_975 : vector<16xf32> to vector<1x16xf32>
    tpu.vector_store %arg8[%swap3A_977, %swap3A_978], %swap3A_981 {strides = array<i32>} : memref<16x128xf32, #tpu.memory_space<vmem>>, vector<1x16xf32>,
    %broadcast_in_dim3A_982 = arith.constant 0.000000e+00 : f32
    %broadcast_in_dim3A_983 = vector.broadcast %broadcast_in_dim3A_982 : f32 to vector<16xf32>
    %swap3A_984 = arith.constant 15 : i32
    %swap3A_985 = arith.index_cast %swap3A_984 : i32 to index
    %swap3A_986 = arith.constant 16 : index
    %swap3A_987 = tpu.vector_load %arg8[%swap3A_985, %swap3A_986] {strides = array<i32>} : memref<16x128xf32, #tpu.memory_space<vmem>>, vector<1x16xf32>,
    %swap3A_988 = vector.shape_cast %swap3A_987 : vector<1x16xf32> to vector<16xf32>
    %swap3A_989 = vector.shape_cast %broadcast_in_dim3A_983 : vector<16xf32> to vector<1x16xf32>
    tpu.vector_store %arg8[%swap3A_985, %swap3A_986], %swap3A_989 {strides = array<i32>} : memref<16x128xf32, #tpu.memory_space<vmem>>, vector<1x16xf32>,
    %broadcast_in_dim3A_990 = arith.constant 0.000000e+00 : f32
    %broadcast_in_dim3A_991 = vector.broadcast %broadcast_in_dim3A_990 : f32 to vector<16xf32>
    %swap3A_992 = arith.constant 15 : i32
    %swap3A_993 = arith.index_cast %swap3A_992 : i32 to index
    %swap3A_994 = arith.constant 32 : index
    %swap3A_995 = tpu.vector_load %arg8[%swap3A_993, %swap3A_994] {strides = array<i32>} : memref<16x128xf32, #tpu.memory_space<vmem>>, vector<1x16xf32>,
    %swap3A_996 = vector.shape_cast %swap3A_995 : vector<1x16xf32> to vector<16xf32>
    %swap3A_997 = vector.shape_cast %broadcast_in_dim3A_991 : vector<16xf32> to vector<1x16xf32>
    tpu.vector_store %arg8[%swap3A_993, %swap3A_994], %swap3A_997 {strides = array<i32>} : memref<16x128xf32, #tpu.memory_space<vmem>>, vector<1x16xf32>,
    %broadcast_in_dim3A_998 = arith.constant 0.000000e+00 : f32
    %broadcast_in_dim3A_999 = vector.broadcast %broadcast_in_dim3A_998 : f32 to vector<16xf32>
    %swap3A_1000 = arith.constant 15 : i32
    %swap3A_1001 = arith.index_cast %swap3A_1000 : i32 to index
    %swap3A_1002 = arith.constant 48 : index
    %swap3A_1003 = tpu.vector_load %arg8[%swap3A_1001, %swap3A_1002] {strides = array<i32>} : memref<16x128xf32, #tpu.memory_space<vmem>>, vector<1x16xf32>,
    %swap3A_1004 = vector.shape_cast %swap3A_1003 : vector<1x16xf32> to vector<16xf32>
    %swap3A_1005 = vector.shape_cast %broadcast_in_dim3A_999 : vector<16xf32> to vector<1x16xf32>
    tpu.vector_store %arg8[%swap3A_1001, %swap3A_1002], %swap3A_1005 {strides = array<i32>} : memref<16x128xf32, #tpu.memory_space<vmem>>, vector<1x16xf32>,
    %broadcast_in_dim3A_1006 = arith.constant 0.000000e+00 : f32
    %broadcast_in_dim3A_1007 = vector.broadcast %broadcast_in_dim3A_1006 : f32 to vector<16xf32>
    %swap3A_1008 = arith.constant 15 : i32
    %swap3A_1009 = arith.index_cast %swap3A_1008 : i32 to index
    %swap3A_1010 = arith.constant 64 : index
    %swap3A_1011 = tpu.vector_load %arg8[%swap3A_1009, %swap3A_1010] {strides = array<i32>} : memref<16x128xf32, #tpu.memory_space<vmem>>, vector<1x16xf32>,
    %swap3A_1012 = vector.shape_cast %swap3A_1011 : vector<1x16xf32> to vector<16xf32>
    %swap3A_1013 = vector.shape_cast %broadcast_in_dim3A_1007 : vector<16xf32> to vector<1x16xf32>
    tpu.vector_store %arg8[%swap3A_1009, %swap3A_1010], %swap3A_1013 {strides = array<i32>} : memref<16x128xf32, #tpu.memory_space<vmem>>, vector<1x16xf32>,
    %broadcast_in_dim3A_1014 = arith.constant 0.000000e+00 : f32
    %broadcast_in_dim3A_1015 = vector.broadcast %broadcast_in_dim3A_1014 : f32 to vector<16xf32>
    %swap3A_1016 = arith.constant 15 : i32
    %swap3A_1017 = arith.index_cast %swap3A_1016 : i32 to index
    %swap3A_1018 = arith.constant 80 : index
    %swap3A_1019 = tpu.vector_load %arg8[%swap3A_1017, %swap3A_1018] {strides = array<i32>} : memref<16x128xf32, #tpu.memory_space<vmem>>, vector<1x16xf32>,
    %swap3A_1020 = vector.shape_cast %swap3A_1019 : vector<1x16xf32> to vector<16xf32>
    %swap3A_1021 = vector.shape_cast %broadcast_in_dim3A_1015 : vector<16xf32> to vector<1x16xf32>
    tpu.vector_store %arg8[%swap3A_1017, %swap3A_1018], %swap3A_1021 {strides = array<i32>} : memref<16x128xf32, #tpu.memory_space<vmem>>, vector<1x16xf32>,
    %broadcast_in_dim3A_1022 = arith.constant 0.000000e+00 : f32
    %broadcast_in_dim3A_1023 = vector.broadcast %broadcast_in_dim3A_1022 : f32 to vector<16xf32>
    %swap3A_1024 = arith.constant 15 : i32
    %swap3A_1025 = arith.index_cast %swap3A_1024 : i32 to index
    %swap3A_1026 = arith.constant 96 : index
    %swap3A_1027 = tpu.vector_load %arg8[%swap3A_1025, %swap3A_1026] {strides = array<i32>} : memref<16x128xf32, #tpu.memory_space<vmem>>, vector<1x16xf32>,
    %swap3A_1028 = vector.shape_cast %swap3A_1027 : vector<1x16xf32> to vector<16xf32>
    %swap3A_1029 = vector.shape_cast %broadcast_in_dim3A_1023 : vector<16xf32> to vector<1x16xf32>
    tpu.vector_store %arg8[%swap3A_1025, %swap3A_1026], %swap3A_1029 {strides = array<i32>} : memref<16x128xf32, #tpu.memory_space<vmem>>, vector<1x16xf32>,
    %broadcast_in_dim3A_1030 = arith.constant 0.000000e+00 : f32
    %broadcast_in_dim3A_1031 = vector.broadcast %broadcast_in_dim3A_1030 : f32 to vector<16xf32>
    %swap3A_1032 = arith.constant 15 : i32
    %swap3A_1033 = arith.index_cast %swap3A_1032 : i32 to index
    %swap3A_1034 = arith.constant 112 : index
    %swap3A_1035 = tpu.vector_load %arg8[%swap3A_1033, %swap3A_1034] {strides = array<i32>} : memref<16x128xf32, #tpu.memory_space<vmem>>, vector<1x16xf32>,
    %swap3A_1036 = vector.shape_cast %swap3A_1035 : vector<1x16xf32> to vector<16xf32>
    %swap3A_1037 = vector.shape_cast %broadcast_in_dim3A_1031 : vector<16xf32> to vector<1x16xf32>
    tpu.vector_store %arg8[%swap3A_1033, %swap3A_1034], %swap3A_1037 {strides = array<i32>} : memref<16x128xf32, #tpu.memory_space<vmem>>, vector<1x16xf32>,
    %scan3A = arith.constant 0 : i32
    %scan3A_1038 = arith.constant 0 : i32
    %scan3A_1039 = arith.constant 39 : i32
    %scan3A_1040 = arith.addi %scan3A_1038, %scan3A_1039 : i32
    %scan3A_1041 = arith.constant 1 : i32
    scf.for %scan3A_1486 = %scan3A_1038 to %scan3A_1040 step %scan3A_1041  : i32 {
      %mul3A_1487 = arith.constant 624 : i32
      %mul3A_1488 = arith.muli %arg1, %mul3A_1487 : i32
      %mul3A_1489 = arith.constant 16 : i32
      %mul3A_1490 = arith.muli %scan3A_1486, %mul3A_1489 : i32
      %add3A_1491 = arith.addi %mul3A_1488, %mul3A_1490 : i32
      %dma_start3A_1492 = arith.constant 0 : i32
      %dma_start3A_1493 = tpu.memref_slice %arg9[%add3A_1491, %dma_start3A_1492] : memref<10000x128xf32, #tpu.memory_space<vmem_shared>> -> memref<16x128xf32, #tpu.memory_space<vmem_shared>>
      %dma_start3A_1494 = arith.constant 0 : i32
      %dma_start3A_1495 = tpu.memref_slice %arg9[%add3A_1491, %dma_start3A_1494] : memref<10000x128xf32, #tpu.memory_space<vmem_shared>> -> memref<16x128xf32, #tpu.memory_space<vmem_shared>>
      tpu.enqueue_dma source(%arg8 : memref<16x128xf32, #tpu.memory_space<vmem>>) target(%dma_start3A_1495 : memref<16x128xf32, #tpu.memory_space<vmem_shared>>) target_semaphore(%arg12 : memref<!tpu.dma_semaphore, #tpu.memory_space<semaphore_mem>>)
    }
    %scan3A_1042 = arith.constant 39 : i32
    %eq3A = arith.constant 15 : i32
    %eq3A_1043 = arith.cmpi eq, %arg1, %eq3A : i32
    %convert_element_type3A = arith.extui %eq3A_1043 : i1 to i32
    %cond3A = arith.constant 0 : i32
    %cond3A_1044 = arith.cmpi ne, %convert_element_type3A, %cond3A : i32
    scf.if %cond3A_1044 {
      %dma_start3A_1486 = arith.constant 9984 : i32
      %dma_start3A_1487 = arith.constant 0 : i32
      %dma_start3A_1488 = tpu.memref_slice %arg9[%dma_start3A_1486, %dma_start3A_1487] : memref<10000x128xf32, #tpu.memory_space<vmem_shared>> -> memref<16x128xf32, #tpu.memory_space<vmem_shared>>
      %dma_start3A_1489 = arith.constant 9984 : i32
      %dma_start3A_1490 = arith.constant 0 : i32
      %dma_start3A_1491 = tpu.memref_slice %arg9[%dma_start3A_1489, %dma_start3A_1490] : memref<10000x128xf32, #tpu.memory_space<vmem_shared>> -> memref<16x128xf32, #tpu.memory_space<vmem_shared>>
      tpu.enqueue_dma source(%arg8 : memref<16x128xf32, #tpu.memory_space<vmem>>) target(%dma_start3A_1491 : memref<16x128xf32, #tpu.memory_space<vmem_shared>>) target_semaphore(%arg12 : memref<!tpu.dma_semaphore, #tpu.memory_space<semaphore_mem>>)
    } else {
    }
    %scan3A_1045 = arith.constant 0 : i32
    %scan3A_1046 = arith.constant 0 : i32
    %scan3A_1047 = arith.constant 4 : i32
    %scan3A_1048 = arith.addi %scan3A_1046, %scan3A_1047 : i32
    %scan3A_1049 = arith.constant 1 : i32
    scf.for %scan3A_1486 = %scan3A_1046 to %scan3A_1048 step %scan3A_1049  : i32 {
      %scan3A_1487 = arith.constant 0 : i32
      %scan3A_1488 = arith.constant 0 : i32
      %scan3A_1489 = arith.constant 16 : i32
      %scan3A_1490 = arith.addi %scan3A_1488, %scan3A_1489 : i32
      %scan3A_1491 = arith.constant 1 : i32
      scf.for %scan3A_1499 = %scan3A_1488 to %scan3A_1490 step %scan3A_1491  : i32 {
        %mul3A_1500 = arith.constant 16 : i32
        %mul3A_1501 = arith.muli %scan3A_1486, %mul3A_1500 : i32
        %add3A_1502 = arith.addi %mul3A_1501, %scan3A_1499 : i32
        %mul3A_1503 = arith.constant 32 : i32
        %mul3A_1504 = arith.muli %mul3A_1503, %add3A_1502 : i32
        %add3A_1505 = arith.addi %add3A, %mul3A_1504 : i32
        %mul3A_1506 = arith.constant 128 : i32
        %mul3A_1507 = arith.muli %add3A_1505, %mul3A_1506 : i32
        %mul3A_1508 = arith.constant 16 : i32
        %mul3A_1509 = arith.muli %scan3A_1486, %mul3A_1508 : i32
        %add3A_1510 = arith.addi %mul3A_1509, %scan3A_1499 : i32
        %dma_start3A_1511 = arith.constant 0 : i32
        %dma_start3A_1512 = tpu.memref_slice %arg5[%add3A_1510, %dma_start3A_1511] : memref<79x128xi32, #tpu.memory_space<vmem>> -> memref<1x128xi32, #tpu.memory_space<vmem>>
        %dma_start3A_1513 = arith.constant 0 : i32
        %dma_start3A_1514 = tpu.memref_slice %arg2[%dma_start3A_1513, %mul3A_1507] : memref<2x320000xi32, #tpu.memory_space<hbm>> -> memref<1x128xi32, #tpu.memory_space<hbm>>
        %dma_start3A_1515 = arith.constant 0 : i32
        %dma_start3A_1516 = tpu.memref_slice %arg5[%add3A_1510, %dma_start3A_1515] : memref<79x128xi32, #tpu.memory_space<vmem>> -> memref<1x128xi32, #tpu.memory_space<vmem>>
        %dma_start3A_1517 = arith.constant 0 : i32
        %dma_start3A_1518 = tpu.memref_slice %arg2[%dma_start3A_1517, %mul3A_1507] : memref<2x320000xi32, #tpu.memory_space<hbm>> -> memref<1x128xi32, #tpu.memory_space<hbm>>
        tpu.enqueue_dma source(%dma_start3A_1518 : memref<1x128xi32, #tpu.memory_space<hbm>>) target(%dma_start3A_1516 : memref<1x128xi32, #tpu.memory_space<vmem>>) target_semaphore(%arg13 : memref<!tpu.dma_semaphore, #tpu.memory_space<semaphore_mem>>)
      }
      %scan3A_1492 = arith.constant 16 : i32
      %scan3A_1493 = arith.constant 0 : i32
      %scan3A_1494 = arith.constant 0 : i32
      %scan3A_1495 = arith.constant 16 : i32
      %scan3A_1496 = arith.addi %scan3A_1494, %scan3A_1495 : i32
      %scan3A_1497 = arith.constant 1 : i32
      scf.for %scan3A_1499 = %scan3A_1494 to %scan3A_1496 step %scan3A_1497  : i32 {
        %add3A_1500 = arith.constant 0 : i32
        %add3A_1501 = arith.addi %add3A, %add3A_1500 : i32
        %mul3A_1502 = arith.constant 128 : i32
        %mul3A_1503 = arith.muli %add3A_1501, %mul3A_1502 : i32
        %dma_wait3A_1504 = arith.constant 0 : i32
        %dma_wait3A_1505 = arith.constant 0 : i32
        %dma_wait3A_1506 = tpu.memref_slice %arg5[%dma_wait3A_1504, %dma_wait3A_1505] : memref<79x128xi32, #tpu.memory_space<vmem>> -> memref<1x128xi32, #tpu.memory_space<vmem>>
        %dma_wait3A_1507 = arith.constant 0 : i32
        %dma_wait3A_1508 = tpu.memref_slice %arg2[%dma_wait3A_1507, %mul3A_1503] : memref<2x320000xi32, #tpu.memory_space<hbm>> -> memref<1x128xi32, #tpu.memory_space<hbm>>
        %dma_wait3A_1509 = arith.constant 0 : i32
        %dma_wait3A_1510 = arith.constant 0 : i32
        %dma_wait3A_1511 = tpu.memref_slice %arg5[%dma_wait3A_1509, %dma_wait3A_1510] : memref<79x128xi32, #tpu.memory_space<vmem>> -> memref<1x128xi32, #tpu.memory_space<vmem>>
        %dma_wait3A_1512 = arith.constant 0 : i32
        %dma_wait3A_1513 = tpu.memref_slice %arg2[%dma_wait3A_1512, %mul3A_1503] : memref<2x320000xi32, #tpu.memory_space<hbm>> -> memref<1x128xi32, #tpu.memory_space<hbm>>
        tpu.wait_dma2 semaphore(%arg13 : memref<!tpu.dma_semaphore, #tpu.memory_space<semaphore_mem>>) src(%dma_wait3A_1513 : memref<1x128xi32, #tpu.memory_space<hbm>>) dst(%dma_wait3A_1511 : memref<1x128xi32, #tpu.memory_space<vmem>>)
      }
      %scan3A_1498 = arith.constant 16 : i32
    }
    %scan3A_1050 = arith.constant 4 : i32
    %add3A_1051 = arith.constant 2048 : i32
    %add3A_1052 = arith.addi %add3A, %add3A_1051 : i32
    %mul3A_1053 = arith.constant 128 : i32
    %mul3A_1054 = arith.muli %add3A_1052, %mul3A_1053 : i32
    %dma_start3A_1055 = arith.constant 64 : i32
    %dma_start3A_1056 = arith.constant 0 : i32
    %dma_start3A_1057 = tpu.memref_slice %arg5[%dma_start3A_1055, %dma_start3A_1056] : memref<79x128xi32, #tpu.memory_space<vmem>> -> memref<1x128xi32, #tpu.memory_space<vmem>>
    %dma_start3A_1058 = arith.constant 0 : i32
    %dma_start3A_1059 = tpu.memref_slice %arg2[%dma_start3A_1058, %mul3A_1054] : memref<2x320000xi32, #tpu.memory_space<hbm>> -> memref<1x128xi32, #tpu.memory_space<hbm>>
    %dma_start3A_1060 = arith.constant 64 : i32
    %dma_start3A_1061 = arith.constant 0 : i32
    %dma_start3A_1062 = tpu.memref_slice %arg5[%dma_start3A_1060, %dma_start3A_1061] : memref<79x128xi32, #tpu.memory_space<vmem>> -> memref<1x128xi32, #tpu.memory_space<vmem>>
    %dma_start3A_1063 = arith.constant 0 : i32
    %dma_start3A_1064 = tpu.memref_slice %arg2[%dma_start3A_1063, %mul3A_1054] : memref<2x320000xi32, #tpu.memory_space<hbm>> -> memref<1x128xi32, #tpu.memory_space<hbm>>
    tpu.enqueue_dma source(%dma_start3A_1064 : memref<1x128xi32, #tpu.memory_space<hbm>>) target(%dma_start3A_1062 : memref<1x128xi32, #tpu.memory_space<vmem>>) target_semaphore(%arg13 : memref<!tpu.dma_semaphore, #tpu.memory_space<semaphore_mem>>)
    %add3A_1065 = arith.constant 2080 : i32
    %add3A_1066 = arith.addi %add3A, %add3A_1065 : i32
    %mul3A_1067 = arith.constant 128 : i32
    %mul3A_1068 = arith.muli %add3A_1066, %mul3A_1067 : i32
    %dma_start3A_1069 = arith.constant 65 : i32
    %dma_start3A_1070 = arith.constant 0 : i32
    %dma_start3A_1071 = tpu.memref_slice %arg5[%dma_start3A_1069, %dma_start3A_1070] : memref<79x128xi32, #tpu.memory_space<vmem>> -> memref<1x128xi32, #tpu.memory_space<vmem>>
    %dma_start3A_1072 = arith.constant 0 : i32
    %dma_start3A_1073 = tpu.memref_slice %arg2[%dma_start3A_1072, %mul3A_1068] : memref<2x320000xi32, #tpu.memory_space<hbm>> -> memref<1x128xi32, #tpu.memory_space<hbm>>
    %dma_start3A_1074 = arith.constant 65 : i32
    %dma_start3A_1075 = arith.constant 0 : i32
    %dma_start3A_1076 = tpu.memref_slice %arg5[%dma_start3A_1074, %dma_start3A_1075] : memref<79x128xi32, #tpu.memory_space<vmem>> -> memref<1x128xi32, #tpu.memory_space<vmem>>
    %dma_start3A_1077 = arith.constant 0 : i32
    %dma_start3A_1078 = tpu.memref_slice %arg2[%dma_start3A_1077, %mul3A_1068] : memref<2x320000xi32, #tpu.memory_space<hbm>> -> memref<1x128xi32, #tpu.memory_space<hbm>>
    tpu.enqueue_dma source(%dma_start3A_1078 : memref<1x128xi32, #tpu.memory_space<hbm>>) target(%dma_start3A_1076 : memref<1x128xi32, #tpu.memory_space<vmem>>) target_semaphore(%arg13 : memref<!tpu.dma_semaphore, #tpu.memory_space<semaphore_mem>>)
    %add3A_1079 = arith.constant 2112 : i32
    %add3A_1080 = arith.addi %add3A, %add3A_1079 : i32
    %mul3A_1081 = arith.constant 128 : i32
    %mul3A_1082 = arith.muli %add3A_1080, %mul3A_1081 : i32
    %dma_start3A_1083 = arith.constant 66 : i32
    %dma_start3A_1084 = arith.constant 0 : i32
    %dma_start3A_1085 = tpu.memref_slice %arg5[%dma_start3A_1083, %dma_start3A_1084] : memref<79x128xi32, #tpu.memory_space<vmem>> -> memref<1x128xi32, #tpu.memory_space<vmem>>
    %dma_start3A_1086 = arith.constant 0 : i32
    %dma_start3A_1087 = tpu.memref_slice %arg2[%dma_start3A_1086, %mul3A_1082] : memref<2x320000xi32, #tpu.memory_space<hbm>> -> memref<1x128xi32, #tpu.memory_space<hbm>>
    %dma_start3A_1088 = arith.constant 66 : i32
    %dma_start3A_1089 = arith.constant 0 : i32
    %dma_start3A_1090 = tpu.memref_slice %arg5[%dma_start3A_1088, %dma_start3A_1089] : memref<79x128xi32, #tpu.memory_space<vmem>> -> memref<1x128xi32, #tpu.memory_space<vmem>>
    %dma_start3A_1091 = arith.constant 0 : i32
    %dma_start3A_1092 = tpu.memref_slice %arg2[%dma_start3A_1091, %mul3A_1082] : memref<2x320000xi32, #tpu.memory_space<hbm>> -> memref<1x128xi32, #tpu.memory_space<hbm>>
    tpu.enqueue_dma source(%dma_start3A_1092 : memref<1x128xi32, #tpu.memory_space<hbm>>) target(%dma_start3A_1090 : memref<1x128xi32, #tpu.memory_space<vmem>>) target_semaphore(%arg13 : memref<!tpu.dma_semaphore, #tpu.memory_space<semaphore_mem>>)
    %add3A_1093 = arith.constant 2144 : i32
    %add3A_1094 = arith.addi %add3A, %add3A_1093 : i32
    %mul3A_1095 = arith.constant 128 : i32
    %mul3A_1096 = arith.muli %add3A_1094, %mul3A_1095 : i32
    %dma_start3A_1097 = arith.constant 67 : i32
    %dma_start3A_1098 = arith.constant 0 : i32
    %dma_start3A_1099 = tpu.memref_slice %arg5[%dma_start3A_1097, %dma_start3A_1098] : memref<79x128xi32, #tpu.memory_space<vmem>> -> memref<1x128xi32, #tpu.memory_space<vmem>>
    %dma_start3A_1100 = arith.constant 0 : i32
    %dma_start3A_1101 = tpu.memref_slice %arg2[%dma_start3A_1100, %mul3A_1096] : memref<2x320000xi32, #tpu.memory_space<hbm>> -> memref<1x128xi32, #tpu.memory_space<hbm>>
    %dma_start3A_1102 = arith.constant 67 : i32
    %dma_start3A_1103 = arith.constant 0 : i32
    %dma_start3A_1104 = tpu.memref_slice %arg5[%dma_start3A_1102, %dma_start3A_1103] : memref<79x128xi32, #tpu.memory_space<vmem>> -> memref<1x128xi32, #tpu.memory_space<vmem>>
    %dma_start3A_1105 = arith.constant 0 : i32
    %dma_start3A_1106 = tpu.memref_slice %arg2[%dma_start3A_1105, %mul3A_1096] : memref<2x320000xi32, #tpu.memory_space<hbm>> -> memref<1x128xi32, #tpu.memory_space<hbm>>
    tpu.enqueue_dma source(%dma_start3A_1106 : memref<1x128xi32, #tpu.memory_space<hbm>>) target(%dma_start3A_1104 : memref<1x128xi32, #tpu.memory_space<vmem>>) target_semaphore(%arg13 : memref<!tpu.dma_semaphore, #tpu.memory_space<semaphore_mem>>)
    %add3A_1107 = arith.constant 2176 : i32
    %add3A_1108 = arith.addi %add3A, %add3A_1107 : i32
    %mul3A_1109 = arith.constant 128 : i32
    %mul3A_1110 = arith.muli %add3A_1108, %mul3A_1109 : i32
    %dma_start3A_1111 = arith.constant 68 : i32
    %dma_start3A_1112 = arith.constant 0 : i32
    %dma_start3A_1113 = tpu.memref_slice %arg5[%dma_start3A_1111, %dma_start3A_1112] : memref<79x128xi32, #tpu.memory_space<vmem>> -> memref<1x128xi32, #tpu.memory_space<vmem>>
    %dma_start3A_1114 = arith.constant 0 : i32
    %dma_start3A_1115 = tpu.memref_slice %arg2[%dma_start3A_1114, %mul3A_1110] : memref<2x320000xi32, #tpu.memory_space<hbm>> -> memref<1x128xi32, #tpu.memory_space<hbm>>
    %dma_start3A_1116 = arith.constant 68 : i32
    %dma_start3A_1117 = arith.constant 0 : i32
    %dma_start3A_1118 = tpu.memref_slice %arg5[%dma_start3A_1116, %dma_start3A_1117] : memref<79x128xi32, #tpu.memory_space<vmem>> -> memref<1x128xi32, #tpu.memory_space<vmem>>
    %dma_start3A_1119 = arith.constant 0 : i32
    %dma_start3A_1120 = tpu.memref_slice %arg2[%dma_start3A_1119, %mul3A_1110] : memref<2x320000xi32, #tpu.memory_space<hbm>> -> memref<1x128xi32, #tpu.memory_space<hbm>>
    tpu.enqueue_dma source(%dma_start3A_1120 : memref<1x128xi32, #tpu.memory_space<hbm>>) target(%dma_start3A_1118 : memref<1x128xi32, #tpu.memory_space<vmem>>) target_semaphore(%arg13 : memref<!tpu.dma_semaphore, #tpu.memory_space<semaphore_mem>>)
    %add3A_1121 = arith.constant 2208 : i32
    %add3A_1122 = arith.addi %add3A, %add3A_1121 : i32
    %mul3A_1123 = arith.constant 128 : i32
    %mul3A_1124 = arith.muli %add3A_1122, %mul3A_1123 : i32
    %dma_start3A_1125 = arith.constant 69 : i32
    %dma_start3A_1126 = arith.constant 0 : i32
    %dma_start3A_1127 = tpu.memref_slice %arg5[%dma_start3A_1125, %dma_start3A_1126] : memref<79x128xi32, #tpu.memory_space<vmem>> -> memref<1x128xi32, #tpu.memory_space<vmem>>
    %dma_start3A_1128 = arith.constant 0 : i32
    %dma_start3A_1129 = tpu.memref_slice %arg2[%dma_start3A_1128, %mul3A_1124] : memref<2x320000xi32, #tpu.memory_space<hbm>> -> memref<1x128xi32, #tpu.memory_space<hbm>>
    %dma_start3A_1130 = arith.constant 69 : i32
    %dma_start3A_1131 = arith.constant 0 : i32
    %dma_start3A_1132 = tpu.memref_slice %arg5[%dma_start3A_1130, %dma_start3A_1131] : memref<79x128xi32, #tpu.memory_space<vmem>> -> memref<1x128xi32, #tpu.memory_space<vmem>>
    %dma_start3A_1133 = arith.constant 0 : i32
    %dma_start3A_1134 = tpu.memref_slice %arg2[%dma_start3A_1133, %mul3A_1124] : memref<2x320000xi32, #tpu.memory_space<hbm>> -> memref<1x128xi32, #tpu.memory_space<hbm>>
    tpu.enqueue_dma source(%dma_start3A_1134 : memref<1x128xi32, #tpu.memory_space<hbm>>) target(%dma_start3A_1132 : memref<1x128xi32, #tpu.memory_space<vmem>>) target_semaphore(%arg13 : memref<!tpu.dma_semaphore, #tpu.memory_space<semaphore_mem>>)
    %add3A_1135 = arith.constant 2240 : i32
    %add3A_1136 = arith.addi %add3A, %add3A_1135 : i32
    %mul3A_1137 = arith.constant 128 : i32
    %mul3A_1138 = arith.muli %add3A_1136, %mul3A_1137 : i32
    %dma_start3A_1139 = arith.constant 70 : i32
    %dma_start3A_1140 = arith.constant 0 : i32
    %dma_start3A_1141 = tpu.memref_slice %arg5[%dma_start3A_1139, %dma_start3A_1140] : memref<79x128xi32, #tpu.memory_space<vmem>> -> memref<1x128xi32, #tpu.memory_space<vmem>>
    %dma_start3A_1142 = arith.constant 0 : i32
    %dma_start3A_1143 = tpu.memref_slice %arg2[%dma_start3A_1142, %mul3A_1138] : memref<2x320000xi32, #tpu.memory_space<hbm>> -> memref<1x128xi32, #tpu.memory_space<hbm>>
    %dma_start3A_1144 = arith.constant 70 : i32
    %dma_start3A_1145 = arith.constant 0 : i32
    %dma_start3A_1146 = tpu.memref_slice %arg5[%dma_start3A_1144, %dma_start3A_1145] : memref<79x128xi32, #tpu.memory_space<vmem>> -> memref<1x128xi32, #tpu.memory_space<vmem>>
    %dma_start3A_1147 = arith.constant 0 : i32
    %dma_start3A_1148 = tpu.memref_slice %arg2[%dma_start3A_1147, %mul3A_1138] : memref<2x320000xi32, #tpu.memory_space<hbm>> -> memref<1x128xi32, #tpu.memory_space<hbm>>
    tpu.enqueue_dma source(%dma_start3A_1148 : memref<1x128xi32, #tpu.memory_space<hbm>>) target(%dma_start3A_1146 : memref<1x128xi32, #tpu.memory_space<vmem>>) target_semaphore(%arg13 : memref<!tpu.dma_semaphore, #tpu.memory_space<semaphore_mem>>)
    %add3A_1149 = arith.constant 2272 : i32
    %add3A_1150 = arith.addi %add3A, %add3A_1149 : i32
    %mul3A_1151 = arith.constant 128 : i32
    %mul3A_1152 = arith.muli %add3A_1150, %mul3A_1151 : i32
    %dma_start3A_1153 = arith.constant 71 : i32
    %dma_start3A_1154 = arith.constant 0 : i32
    %dma_start3A_1155 = tpu.memref_slice %arg5[%dma_start3A_1153, %dma_start3A_1154] : memref<79x128xi32, #tpu.memory_space<vmem>> -> memref<1x128xi32, #tpu.memory_space<vmem>>
    %dma_start3A_1156 = arith.constant 0 : i32
    %dma_start3A_1157 = tpu.memref_slice %arg2[%dma_start3A_1156, %mul3A_1152] : memref<2x320000xi32, #tpu.memory_space<hbm>> -> memref<1x128xi32, #tpu.memory_space<hbm>>
    %dma_start3A_1158 = arith.constant 71 : i32
    %dma_start3A_1159 = arith.constant 0 : i32
    %dma_start3A_1160 = tpu.memref_slice %arg5[%dma_start3A_1158, %dma_start3A_1159] : memref<79x128xi32, #tpu.memory_space<vmem>> -> memref<1x128xi32, #tpu.memory_space<vmem>>
    %dma_start3A_1161 = arith.constant 0 : i32
    %dma_start3A_1162 = tpu.memref_slice %arg2[%dma_start3A_1161, %mul3A_1152] : memref<2x320000xi32, #tpu.memory_space<hbm>> -> memref<1x128xi32, #tpu.memory_space<hbm>>
    tpu.enqueue_dma source(%dma_start3A_1162 : memref<1x128xi32, #tpu.memory_space<hbm>>) target(%dma_start3A_1160 : memref<1x128xi32, #tpu.memory_space<vmem>>) target_semaphore(%arg13 : memref<!tpu.dma_semaphore, #tpu.memory_space<semaphore_mem>>)
    %add3A_1163 = arith.constant 2304 : i32
    %add3A_1164 = arith.addi %add3A, %add3A_1163 : i32
    %mul3A_1165 = arith.constant 128 : i32
    %mul3A_1166 = arith.muli %add3A_1164, %mul3A_1165 : i32
    %dma_start3A_1167 = arith.constant 72 : i32
    %dma_start3A_1168 = arith.constant 0 : i32
    %dma_start3A_1169 = tpu.memref_slice %arg5[%dma_start3A_1167, %dma_start3A_1168] : memref<79x128xi32, #tpu.memory_space<vmem>> -> memref<1x128xi32, #tpu.memory_space<vmem>>
    %dma_start3A_1170 = arith.constant 0 : i32
    %dma_start3A_1171 = tpu.memref_slice %arg2[%dma_start3A_1170, %mul3A_1166] : memref<2x320000xi32, #tpu.memory_space<hbm>> -> memref<1x128xi32, #tpu.memory_space<hbm>>
    %dma_start3A_1172 = arith.constant 72 : i32
    %dma_start3A_1173 = arith.constant 0 : i32
    %dma_start3A_1174 = tpu.memref_slice %arg5[%dma_start3A_1172, %dma_start3A_1173] : memref<79x128xi32, #tpu.memory_space<vmem>> -> memref<1x128xi32, #tpu.memory_space<vmem>>
    %dma_start3A_1175 = arith.constant 0 : i32
    %dma_start3A_1176 = tpu.memref_slice %arg2[%dma_start3A_1175, %mul3A_1166] : memref<2x320000xi32, #tpu.memory_space<hbm>> -> memref<1x128xi32, #tpu.memory_space<hbm>>
    tpu.enqueue_dma source(%dma_start3A_1176 : memref<1x128xi32, #tpu.memory_space<hbm>>) target(%dma_start3A_1174 : memref<1x128xi32, #tpu.memory_space<vmem>>) target_semaphore(%arg13 : memref<!tpu.dma_semaphore, #tpu.memory_space<semaphore_mem>>)
    %add3A_1177 = arith.constant 2336 : i32
    %add3A_1178 = arith.addi %add3A, %add3A_1177 : i32
    %mul3A_1179 = arith.constant 128 : i32
    %mul3A_1180 = arith.muli %add3A_1178, %mul3A_1179 : i32
    %dma_start3A_1181 = arith.constant 73 : i32
    %dma_start3A_1182 = arith.constant 0 : i32
    %dma_start3A_1183 = tpu.memref_slice %arg5[%dma_start3A_1181, %dma_start3A_1182] : memref<79x128xi32, #tpu.memory_space<vmem>> -> memref<1x128xi32, #tpu.memory_space<vmem>>
    %dma_start3A_1184 = arith.constant 0 : i32
    %dma_start3A_1185 = tpu.memref_slice %arg2[%dma_start3A_1184, %mul3A_1180] : memref<2x320000xi32, #tpu.memory_space<hbm>> -> memref<1x128xi32, #tpu.memory_space<hbm>>
    %dma_start3A_1186 = arith.constant 73 : i32
    %dma_start3A_1187 = arith.constant 0 : i32
    %dma_start3A_1188 = tpu.memref_slice %arg5[%dma_start3A_1186, %dma_start3A_1187] : memref<79x128xi32, #tpu.memory_space<vmem>> -> memref<1x128xi32, #tpu.memory_space<vmem>>
    %dma_start3A_1189 = arith.constant 0 : i32
    %dma_start3A_1190 = tpu.memref_slice %arg2[%dma_start3A_1189, %mul3A_1180] : memref<2x320000xi32, #tpu.memory_space<hbm>> -> memref<1x128xi32, #tpu.memory_space<hbm>>
    tpu.enqueue_dma source(%dma_start3A_1190 : memref<1x128xi32, #tpu.memory_space<hbm>>) target(%dma_start3A_1188 : memref<1x128xi32, #tpu.memory_space<vmem>>) target_semaphore(%arg13 : memref<!tpu.dma_semaphore, #tpu.memory_space<semaphore_mem>>)
    %add3A_1191 = arith.constant 2368 : i32
    %add3A_1192 = arith.addi %add3A, %add3A_1191 : i32
    %mul3A_1193 = arith.constant 128 : i32
    %mul3A_1194 = arith.muli %add3A_1192, %mul3A_1193 : i32
    %dma_start3A_1195 = arith.constant 74 : i32
    %dma_start3A_1196 = arith.constant 0 : i32
    %dma_start3A_1197 = tpu.memref_slice %arg5[%dma_start3A_1195, %dma_start3A_1196] : memref<79x128xi32, #tpu.memory_space<vmem>> -> memref<1x128xi32, #tpu.memory_space<vmem>>
    %dma_start3A_1198 = arith.constant 0 : i32
    %dma_start3A_1199 = tpu.memref_slice %arg2[%dma_start3A_1198, %mul3A_1194] : memref<2x320000xi32, #tpu.memory_space<hbm>> -> memref<1x128xi32, #tpu.memory_space<hbm>>
    %dma_start3A_1200 = arith.constant 74 : i32
    %dma_start3A_1201 = arith.constant 0 : i32
    %dma_start3A_1202 = tpu.memref_slice %arg5[%dma_start3A_1200, %dma_start3A_1201] : memref<79x128xi32, #tpu.memory_space<vmem>> -> memref<1x128xi32, #tpu.memory_space<vmem>>
    %dma_start3A_1203 = arith.constant 0 : i32
    %dma_start3A_1204 = tpu.memref_slice %arg2[%dma_start3A_1203, %mul3A_1194] : memref<2x320000xi32, #tpu.memory_space<hbm>> -> memref<1x128xi32, #tpu.memory_space<hbm>>
    tpu.enqueue_dma source(%dma_start3A_1204 : memref<1x128xi32, #tpu.memory_space<hbm>>) target(%dma_start3A_1202 : memref<1x128xi32, #tpu.memory_space<vmem>>) target_semaphore(%arg13 : memref<!tpu.dma_semaphore, #tpu.memory_space<semaphore_mem>>)
    %add3A_1205 = arith.constant 2400 : i32
    %add3A_1206 = arith.addi %add3A, %add3A_1205 : i32
    %mul3A_1207 = arith.constant 128 : i32
    %mul3A_1208 = arith.muli %add3A_1206, %mul3A_1207 : i32
    %dma_start3A_1209 = arith.constant 75 : i32
    %dma_start3A_1210 = arith.constant 0 : i32
    %dma_start3A_1211 = tpu.memref_slice %arg5[%dma_start3A_1209, %dma_start3A_1210] : memref<79x128xi32, #tpu.memory_space<vmem>> -> memref<1x128xi32, #tpu.memory_space<vmem>>
    %dma_start3A_1212 = arith.constant 0 : i32
    %dma_start3A_1213 = tpu.memref_slice %arg2[%dma_start3A_1212, %mul3A_1208] : memref<2x320000xi32, #tpu.memory_space<hbm>> -> memref<1x128xi32, #tpu.memory_space<hbm>>
    %dma_start3A_1214 = arith.constant 75 : i32
    %dma_start3A_1215 = arith.constant 0 : i32
    %dma_start3A_1216 = tpu.memref_slice %arg5[%dma_start3A_1214, %dma_start3A_1215] : memref<79x128xi32, #tpu.memory_space<vmem>> -> memref<1x128xi32, #tpu.memory_space<vmem>>
    %dma_start3A_1217 = arith.constant 0 : i32
    %dma_start3A_1218 = tpu.memref_slice %arg2[%dma_start3A_1217, %mul3A_1208] : memref<2x320000xi32, #tpu.memory_space<hbm>> -> memref<1x128xi32, #tpu.memory_space<hbm>>
    tpu.enqueue_dma source(%dma_start3A_1218 : memref<1x128xi32, #tpu.memory_space<hbm>>) target(%dma_start3A_1216 : memref<1x128xi32, #tpu.memory_space<vmem>>) target_semaphore(%arg13 : memref<!tpu.dma_semaphore, #tpu.memory_space<semaphore_mem>>)
    %add3A_1219 = arith.constant 2432 : i32
    %add3A_1220 = arith.addi %add3A, %add3A_1219 : i32
    %mul3A_1221 = arith.constant 128 : i32
    %mul3A_1222 = arith.muli %add3A_1220, %mul3A_1221 : i32
    %dma_start3A_1223 = arith.constant 76 : i32
    %dma_start3A_1224 = arith.constant 0 : i32
    %dma_start3A_1225 = tpu.memref_slice %arg5[%dma_start3A_1223, %dma_start3A_1224] : memref<79x128xi32, #tpu.memory_space<vmem>> -> memref<1x128xi32, #tpu.memory_space<vmem>>
    %dma_start3A_1226 = arith.constant 0 : i32
    %dma_start3A_1227 = tpu.memref_slice %arg2[%dma_start3A_1226, %mul3A_1222] : memref<2x320000xi32, #tpu.memory_space<hbm>> -> memref<1x128xi32, #tpu.memory_space<hbm>>
    %dma_start3A_1228 = arith.constant 76 : i32
    %dma_start3A_1229 = arith.constant 0 : i32
    %dma_start3A_1230 = tpu.memref_slice %arg5[%dma_start3A_1228, %dma_start3A_1229] : memref<79x128xi32, #tpu.memory_space<vmem>> -> memref<1x128xi32, #tpu.memory_space<vmem>>
    %dma_start3A_1231 = arith.constant 0 : i32
    %dma_start3A_1232 = tpu.memref_slice %arg2[%dma_start3A_1231, %mul3A_1222] : memref<2x320000xi32, #tpu.memory_space<hbm>> -> memref<1x128xi32, #tpu.memory_space<hbm>>
    tpu.enqueue_dma source(%dma_start3A_1232 : memref<1x128xi32, #tpu.memory_space<hbm>>) target(%dma_start3A_1230 : memref<1x128xi32, #tpu.memory_space<vmem>>) target_semaphore(%arg13 : memref<!tpu.dma_semaphore, #tpu.memory_space<semaphore_mem>>)
    %add3A_1233 = arith.constant 2464 : i32
    %add3A_1234 = arith.addi %add3A, %add3A_1233 : i32
    %mul3A_1235 = arith.constant 128 : i32
    %mul3A_1236 = arith.muli %add3A_1234, %mul3A_1235 : i32
    %dma_start3A_1237 = arith.constant 77 : i32
    %dma_start3A_1238 = arith.constant 0 : i32
    %dma_start3A_1239 = tpu.memref_slice %arg5[%dma_start3A_1237, %dma_start3A_1238] : memref<79x128xi32, #tpu.memory_space<vmem>> -> memref<1x128xi32, #tpu.memory_space<vmem>>
    %dma_start3A_1240 = arith.constant 0 : i32
    %dma_start3A_1241 = tpu.memref_slice %arg2[%dma_start3A_1240, %mul3A_1236] : memref<2x320000xi32, #tpu.memory_space<hbm>> -> memref<1x128xi32, #tpu.memory_space<hbm>>
    %dma_start3A_1242 = arith.constant 77 : i32
    %dma_start3A_1243 = arith.constant 0 : i32
    %dma_start3A_1244 = tpu.memref_slice %arg5[%dma_start3A_1242, %dma_start3A_1243] : memref<79x128xi32, #tpu.memory_space<vmem>> -> memref<1x128xi32, #tpu.memory_space<vmem>>
    %dma_start3A_1245 = arith.constant 0 : i32
    %dma_start3A_1246 = tpu.memref_slice %arg2[%dma_start3A_1245, %mul3A_1236] : memref<2x320000xi32, #tpu.memory_space<hbm>> -> memref<1x128xi32, #tpu.memory_space<hbm>>
    tpu.enqueue_dma source(%dma_start3A_1246 : memref<1x128xi32, #tpu.memory_space<hbm>>) target(%dma_start3A_1244 : memref<1x128xi32, #tpu.memory_space<vmem>>) target_semaphore(%arg13 : memref<!tpu.dma_semaphore, #tpu.memory_space<semaphore_mem>>)
    %lt3A = arith.constant 4 : i32
    %lt3A_1247 = arith.cmpi slt, %add3A, %lt3A : i32
    %convert_element_type3A_1248 = arith.extui %lt3A_1247 : i1 to i32
    %cond3A_1249 = arith.constant 0 : i32
    %cond3A_1250 = arith.cmpi ne, %convert_element_type3A_1248, %cond3A_1249 : i32
    scf.if %cond3A_1250 {
      %add3A_1486 = arith.constant 2496 : i32
      %add3A_1487 = arith.addi %add3A, %add3A_1486 : i32
      %mul3A_1488 = arith.constant 128 : i32
      %mul3A_1489 = arith.muli %add3A_1487, %mul3A_1488 : i32
      %dma_start3A_1490 = arith.constant 78 : i32
      %dma_start3A_1491 = arith.constant 0 : i32
      %dma_start3A_1492 = tpu.memref_slice %arg5[%dma_start3A_1490, %dma_start3A_1491] : memref<79x128xi32, #tpu.memory_space<vmem>> -> memref<1x128xi32, #tpu.memory_space<vmem>>
      %dma_start3A_1493 = arith.constant 0 : i32
      %dma_start3A_1494 = tpu.memref_slice %arg2[%dma_start3A_1493, %mul3A_1489] : memref<2x320000xi32, #tpu.memory_space<hbm>> -> memref<1x128xi32, #tpu.memory_space<hbm>>
      %dma_start3A_1495 = arith.constant 78 : i32
      %dma_start3A_1496 = arith.constant 0 : i32
      %dma_start3A_1497 = tpu.memref_slice %arg5[%dma_start3A_1495, %dma_start3A_1496] : memref<79x128xi32, #tpu.memory_space<vmem>> -> memref<1x128xi32, #tpu.memory_space<vmem>>
      %dma_start3A_1498 = arith.constant 0 : i32
      %dma_start3A_1499 = tpu.memref_slice %arg2[%dma_start3A_1498, %mul3A_1489] : memref<2x320000xi32, #tpu.memory_space<hbm>> -> memref<1x128xi32, #tpu.memory_space<hbm>>
      tpu.enqueue_dma source(%dma_start3A_1499 : memref<1x128xi32, #tpu.memory_space<hbm>>) target(%dma_start3A_1497 : memref<1x128xi32, #tpu.memory_space<vmem>>) target_semaphore(%arg13 : memref<!tpu.dma_semaphore, #tpu.memory_space<semaphore_mem>>)
    } else {
    }
    %add3A_1251 = arith.constant 0 : i32
    %add3A_1252 = arith.addi %add3A, %add3A_1251 : i32
    %mul3A_1253 = arith.constant 128 : i32
    %mul3A_1254 = arith.muli %add3A_1252, %mul3A_1253 : i32
    %dma_wait3A = arith.constant 0 : i32
    %dma_wait3A_1255 = arith.constant 0 : i32
    %dma_wait3A_1256 = tpu.memref_slice %arg5[%dma_wait3A, %dma_wait3A_1255] : memref<79x128xi32, #tpu.memory_space<vmem>> -> memref<1x128xi32, #tpu.memory_space<vmem>>
    %dma_wait3A_1257 = arith.constant 0 : i32
    %dma_wait3A_1258 = tpu.memref_slice %arg2[%dma_wait3A_1257, %mul3A_1254] : memref<2x320000xi32, #tpu.memory_space<hbm>> -> memref<1x128xi32, #tpu.memory_space<hbm>>
    %dma_wait3A_1259 = arith.constant 0 : i32
    %dma_wait3A_1260 = arith.constant 0 : i32
    %dma_wait3A_1261 = tpu.memref_slice %arg5[%dma_wait3A_1259, %dma_wait3A_1260] : memref<79x128xi32, #tpu.memory_space<vmem>> -> memref<1x128xi32, #tpu.memory_space<vmem>>
    %dma_wait3A_1262 = arith.constant 0 : i32
    %dma_wait3A_1263 = tpu.memref_slice %arg2[%dma_wait3A_1262, %mul3A_1254] : memref<2x320000xi32, #tpu.memory_space<hbm>> -> memref<1x128xi32, #tpu.memory_space<hbm>>
    tpu.wait_dma2 semaphore(%arg13 : memref<!tpu.dma_semaphore, #tpu.memory_space<semaphore_mem>>) src(%dma_wait3A_1263 : memref<1x128xi32, #tpu.memory_space<hbm>>) dst(%dma_wait3A_1261 : memref<1x128xi32, #tpu.memory_space<vmem>>)
    %add3A_1264 = arith.constant 0 : i32
    %add3A_1265 = arith.addi %add3A, %add3A_1264 : i32
    %mul3A_1266 = arith.constant 128 : i32
    %mul3A_1267 = arith.muli %add3A_1265, %mul3A_1266 : i32
    %dma_wait3A_1268 = arith.constant 0 : i32
    %dma_wait3A_1269 = arith.constant 0 : i32
    %dma_wait3A_1270 = tpu.memref_slice %arg5[%dma_wait3A_1268, %dma_wait3A_1269] : memref<79x128xi32, #tpu.memory_space<vmem>> -> memref<1x128xi32, #tpu.memory_space<vmem>>
    %dma_wait3A_1271 = arith.constant 0 : i32
    %dma_wait3A_1272 = tpu.memref_slice %arg2[%dma_wait3A_1271, %mul3A_1267] : memref<2x320000xi32, #tpu.memory_space<hbm>> -> memref<1x128xi32, #tpu.memory_space<hbm>>
    %dma_wait3A_1273 = arith.constant 0 : i32
    %dma_wait3A_1274 = arith.constant 0 : i32
    %dma_wait3A_1275 = tpu.memref_slice %arg5[%dma_wait3A_1273, %dma_wait3A_1274] : memref<79x128xi32, #tpu.memory_space<vmem>> -> memref<1x128xi32, #tpu.memory_space<vmem>>
    %dma_wait3A_1276 = arith.constant 0 : i32
    %dma_wait3A_1277 = tpu.memref_slice %arg2[%dma_wait3A_1276, %mul3A_1267] : memref<2x320000xi32, #tpu.memory_space<hbm>> -> memref<1x128xi32, #tpu.memory_space<hbm>>
    tpu.wait_dma2 semaphore(%arg13 : memref<!tpu.dma_semaphore, #tpu.memory_space<semaphore_mem>>) src(%dma_wait3A_1277 : memref<1x128xi32, #tpu.memory_space<hbm>>) dst(%dma_wait3A_1275 : memref<1x128xi32, #tpu.memory_space<vmem>>)
    %add3A_1278 = arith.constant 0 : i32
    %add3A_1279 = arith.addi %add3A, %add3A_1278 : i32
    %mul3A_1280 = arith.constant 128 : i32
    %mul3A_1281 = arith.muli %add3A_1279, %mul3A_1280 : i32
    %dma_wait3A_1282 = arith.constant 0 : i32
    %dma_wait3A_1283 = arith.constant 0 : i32
    %dma_wait3A_1284 = tpu.memref_slice %arg5[%dma_wait3A_1282, %dma_wait3A_1283] : memref<79x128xi32, #tpu.memory_space<vmem>> -> memref<1x128xi32, #tpu.memory_space<vmem>>
    %dma_wait3A_1285 = arith.constant 0 : i32
    %dma_wait3A_1286 = tpu.memref_slice %arg2[%dma_wait3A_1285, %mul3A_1281] : memref<2x320000xi32, #tpu.memory_space<hbm>> -> memref<1x128xi32, #tpu.memory_space<hbm>>
    %dma_wait3A_1287 = arith.constant 0 : i32
    %dma_wait3A_1288 = arith.constant 0 : i32
    %dma_wait3A_1289 = tpu.memref_slice %arg5[%dma_wait3A_1287, %dma_wait3A_1288] : memref<79x128xi32, #tpu.memory_space<vmem>> -> memref<1x128xi32, #tpu.memory_space<vmem>>
    %dma_wait3A_1290 = arith.constant 0 : i32
    %dma_wait3A_1291 = tpu.memref_slice %arg2[%dma_wait3A_1290, %mul3A_1281] : memref<2x320000xi32, #tpu.memory_space<hbm>> -> memref<1x128xi32, #tpu.memory_space<hbm>>
    tpu.wait_dma2 semaphore(%arg13 : memref<!tpu.dma_semaphore, #tpu.memory_space<semaphore_mem>>) src(%dma_wait3A_1291 : memref<1x128xi32, #tpu.memory_space<hbm>>) dst(%dma_wait3A_1289 : memref<1x128xi32, #tpu.memory_space<vmem>>)
    %add3A_1292 = arith.constant 0 : i32
    %add3A_1293 = arith.addi %add3A, %add3A_1292 : i32
    %mul3A_1294 = arith.constant 128 : i32
    %mul3A_1295 = arith.muli %add3A_1293, %mul3A_1294 : i32
    %dma_wait3A_1296 = arith.constant 0 : i32
    %dma_wait3A_1297 = arith.constant 0 : i32
    %dma_wait3A_1298 = tpu.memref_slice %arg5[%dma_wait3A_1296, %dma_wait3A_1297] : memref<79x128xi32, #tpu.memory_space<vmem>> -> memref<1x128xi32, #tpu.memory_space<vmem>>
    %dma_wait3A_1299 = arith.constant 0 : i32
    %dma_wait3A_1300 = tpu.memref_slice %arg2[%dma_wait3A_1299, %mul3A_1295] : memref<2x320000xi32, #tpu.memory_space<hbm>> -> memref<1x128xi32, #tpu.memory_space<hbm>>
    %dma_wait3A_1301 = arith.constant 0 : i32
    %dma_wait3A_1302 = arith.constant 0 : i32
    %dma_wait3A_1303 = tpu.memref_slice %arg5[%dma_wait3A_1301, %dma_wait3A_1302] : memref<79x128xi32, #tpu.memory_space<vmem>> -> memref<1x128xi32, #tpu.memory_space<vmem>>
    %dma_wait3A_1304 = arith.constant 0 : i32
    %dma_wait3A_1305 = tpu.memref_slice %arg2[%dma_wait3A_1304, %mul3A_1295] : memref<2x320000xi32, #tpu.memory_space<hbm>> -> memref<1x128xi32, #tpu.memory_space<hbm>>
    tpu.wait_dma2 semaphore(%arg13 : memref<!tpu.dma_semaphore, #tpu.memory_space<semaphore_mem>>) src(%dma_wait3A_1305 : memref<1x128xi32, #tpu.memory_space<hbm>>) dst(%dma_wait3A_1303 : memref<1x128xi32, #tpu.memory_space<vmem>>)
    %add3A_1306 = arith.constant 0 : i32
    %add3A_1307 = arith.addi %add3A, %add3A_1306 : i32
    %mul3A_1308 = arith.constant 128 : i32
    %mul3A_1309 = arith.muli %add3A_1307, %mul3A_1308 : i32
    %dma_wait3A_1310 = arith.constant 0 : i32
    %dma_wait3A_1311 = arith.constant 0 : i32
    %dma_wait3A_1312 = tpu.memref_slice %arg5[%dma_wait3A_1310, %dma_wait3A_1311] : memref<79x128xi32, #tpu.memory_space<vmem>> -> memref<1x128xi32, #tpu.memory_space<vmem>>
    %dma_wait3A_1313 = arith.constant 0 : i32
    %dma_wait3A_1314 = tpu.memref_slice %arg2[%dma_wait3A_1313, %mul3A_1309] : memref<2x320000xi32, #tpu.memory_space<hbm>> -> memref<1x128xi32, #tpu.memory_space<hbm>>
    %dma_wait3A_1315 = arith.constant 0 : i32
    %dma_wait3A_1316 = arith.constant 0 : i32
    %dma_wait3A_1317 = tpu.memref_slice %arg5[%dma_wait3A_1315, %dma_wait3A_1316] : memref<79x128xi32, #tpu.memory_space<vmem>> -> memref<1x128xi32, #tpu.memory_space<vmem>>
    %dma_wait3A_1318 = arith.constant 0 : i32
    %dma_wait3A_1319 = tpu.memref_slice %arg2[%dma_wait3A_1318, %mul3A_1309] : memref<2x320000xi32, #tpu.memory_space<hbm>> -> memref<1x128xi32, #tpu.memory_space<hbm>>
    tpu.wait_dma2 semaphore(%arg13 : memref<!tpu.dma_semaphore, #tpu.memory_space<semaphore_mem>>) src(%dma_wait3A_1319 : memref<1x128xi32, #tpu.memory_space<hbm>>) dst(%dma_wait3A_1317 : memref<1x128xi32, #tpu.memory_space<vmem>>)
    %add3A_1320 = arith.constant 0 : i32
    %add3A_1321 = arith.addi %add3A, %add3A_1320 : i32
    %mul3A_1322 = arith.constant 128 : i32
    %mul3A_1323 = arith.muli %add3A_1321, %mul3A_1322 : i32
    %dma_wait3A_1324 = arith.constant 0 : i32
    %dma_wait3A_1325 = arith.constant 0 : i32
    %dma_wait3A_1326 = tpu.memref_slice %arg5[%dma_wait3A_1324, %dma_wait3A_1325] : memref<79x128xi32, #tpu.memory_space<vmem>> -> memref<1x128xi32, #tpu.memory_space<vmem>>
    %dma_wait3A_1327 = arith.constant 0 : i32
    %dma_wait3A_1328 = tpu.memref_slice %arg2[%dma_wait3A_1327, %mul3A_1323] : memref<2x320000xi32, #tpu.memory_space<hbm>> -> memref<1x128xi32, #tpu.memory_space<hbm>>
    %dma_wait3A_1329 = arith.constant 0 : i32
    %dma_wait3A_1330 = arith.constant 0 : i32
    %dma_wait3A_1331 = tpu.memref_slice %arg5[%dma_wait3A_1329, %dma_wait3A_1330] : memref<79x128xi32, #tpu.memory_space<vmem>> -> memref<1x128xi32, #tpu.memory_space<vmem>>
    %dma_wait3A_1332 = arith.constant 0 : i32
    %dma_wait3A_1333 = tpu.memref_slice %arg2[%dma_wait3A_1332, %mul3A_1323] : memref<2x320000xi32, #tpu.memory_space<hbm>> -> memref<1x128xi32, #tpu.memory_space<hbm>>
    tpu.wait_dma2 semaphore(%arg13 : memref<!tpu.dma_semaphore, #tpu.memory_space<semaphore_mem>>) src(%dma_wait3A_1333 : memref<1x128xi32, #tpu.memory_space<hbm>>) dst(%dma_wait3A_1331 : memref<1x128xi32, #tpu.memory_space<vmem>>)
    %add3A_1334 = arith.constant 0 : i32
    %add3A_1335 = arith.addi %add3A, %add3A_1334 : i32
    %mul3A_1336 = arith.constant 128 : i32
    %mul3A_1337 = arith.muli %add3A_1335, %mul3A_1336 : i32
    %dma_wait3A_1338 = arith.constant 0 : i32
    %dma_wait3A_1339 = arith.constant 0 : i32
    %dma_wait3A_1340 = tpu.memref_slice %arg5[%dma_wait3A_1338, %dma_wait3A_1339] : memref<79x128xi32, #tpu.memory_space<vmem>> -> memref<1x128xi32, #tpu.memory_space<vmem>>
    %dma_wait3A_1341 = arith.constant 0 : i32
    %dma_wait3A_1342 = tpu.memref_slice %arg2[%dma_wait3A_1341, %mul3A_1337] : memref<2x320000xi32, #tpu.memory_space<hbm>> -> memref<1x128xi32, #tpu.memory_space<hbm>>
    %dma_wait3A_1343 = arith.constant 0 : i32
    %dma_wait3A_1344 = arith.constant 0 : i32
    %dma_wait3A_1345 = tpu.memref_slice %arg5[%dma_wait3A_1343, %dma_wait3A_1344] : memref<79x128xi32, #tpu.memory_space<vmem>> -> memref<1x128xi32, #tpu.memory_space<vmem>>
    %dma_wait3A_1346 = arith.constant 0 : i32
    %dma_wait3A_1347 = tpu.memref_slice %arg2[%dma_wait3A_1346, %mul3A_1337] : memref<2x320000xi32, #tpu.memory_space<hbm>> -> memref<1x128xi32, #tpu.memory_space<hbm>>
    tpu.wait_dma2 semaphore(%arg13 : memref<!tpu.dma_semaphore, #tpu.memory_space<semaphore_mem>>) src(%dma_wait3A_1347 : memref<1x128xi32, #tpu.memory_space<hbm>>) dst(%dma_wait3A_1345 : memref<1x128xi32, #tpu.memory_space<vmem>>)
    %add3A_1348 = arith.constant 0 : i32
    %add3A_1349 = arith.addi %add3A, %add3A_1348 : i32
    %mul3A_1350 = arith.constant 128 : i32
    %mul3A_1351 = arith.muli %add3A_1349, %mul3A_1350 : i32
    %dma_wait3A_1352 = arith.constant 0 : i32
    %dma_wait3A_1353 = arith.constant 0 : i32
    %dma_wait3A_1354 = tpu.memref_slice %arg5[%dma_wait3A_1352, %dma_wait3A_1353] : memref<79x128xi32, #tpu.memory_space<vmem>> -> memref<1x128xi32, #tpu.memory_space<vmem>>
    %dma_wait3A_1355 = arith.constant 0 : i32
    %dma_wait3A_1356 = tpu.memref_slice %arg2[%dma_wait3A_1355, %mul3A_1351] : memref<2x320000xi32, #tpu.memory_space<hbm>> -> memref<1x128xi32, #tpu.memory_space<hbm>>
    %dma_wait3A_1357 = arith.constant 0 : i32
    %dma_wait3A_1358 = arith.constant 0 : i32
    %dma_wait3A_1359 = tpu.memref_slice %arg5[%dma_wait3A_1357, %dma_wait3A_1358] : memref<79x128xi32, #tpu.memory_space<vmem>> -> memref<1x128xi32, #tpu.memory_space<vmem>>
    %dma_wait3A_1360 = arith.constant 0 : i32
    %dma_wait3A_1361 = tpu.memref_slice %arg2[%dma_wait3A_1360, %mul3A_1351] : memref<2x320000xi32, #tpu.memory_space<hbm>> -> memref<1x128xi32, #tpu.memory_space<hbm>>
    tpu.wait_dma2 semaphore(%arg13 : memref<!tpu.dma_semaphore, #tpu.memory_space<semaphore_mem>>) src(%dma_wait3A_1361 : memref<1x128xi32, #tpu.memory_space<hbm>>) dst(%dma_wait3A_1359 : memref<1x128xi32, #tpu.memory_space<vmem>>)
    %add3A_1362 = arith.constant 0 : i32
    %add3A_1363 = arith.addi %add3A, %add3A_1362 : i32
    %mul3A_1364 = arith.constant 128 : i32
    %mul3A_1365 = arith.muli %add3A_1363, %mul3A_1364 : i32
    %dma_wait3A_1366 = arith.constant 0 : i32
    %dma_wait3A_1367 = arith.constant 0 : i32
    %dma_wait3A_1368 = tpu.memref_slice %arg5[%dma_wait3A_1366, %dma_wait3A_1367] : memref<79x128xi32, #tpu.memory_space<vmem>> -> memref<1x128xi32, #tpu.memory_space<vmem>>
    %dma_wait3A_1369 = arith.constant 0 : i32
    %dma_wait3A_1370 = tpu.memref_slice %arg2[%dma_wait3A_1369, %mul3A_1365] : memref<2x320000xi32, #tpu.memory_space<hbm>> -> memref<1x128xi32, #tpu.memory_space<hbm>>
    %dma_wait3A_1371 = arith.constant 0 : i32
    %dma_wait3A_1372 = arith.constant 0 : i32
    %dma_wait3A_1373 = tpu.memref_slice %arg5[%dma_wait3A_1371, %dma_wait3A_1372] : memref<79x128xi32, #tpu.memory_space<vmem>> -> memref<1x128xi32, #tpu.memory_space<vmem>>
    %dma_wait3A_1374 = arith.constant 0 : i32
    %dma_wait3A_1375 = tpu.memref_slice %arg2[%dma_wait3A_1374, %mul3A_1365] : memref<2x320000xi32, #tpu.memory_space<hbm>> -> memref<1x128xi32, #tpu.memory_space<hbm>>
    tpu.wait_dma2 semaphore(%arg13 : memref<!tpu.dma_semaphore, #tpu.memory_space<semaphore_mem>>) src(%dma_wait3A_1375 : memref<1x128xi32, #tpu.memory_space<hbm>>) dst(%dma_wait3A_1373 : memref<1x128xi32, #tpu.memory_space<vmem>>)
    %add3A_1376 = arith.constant 0 : i32
    %add3A_1377 = arith.addi %add3A, %add3A_1376 : i32
    %mul3A_1378 = arith.constant 128 : i32
    %mul3A_1379 = arith.muli %add3A_1377, %mul3A_1378 : i32
    %dma_wait3A_1380 = arith.constant 0 : i32
    %dma_wait3A_1381 = arith.constant 0 : i32
    %dma_wait3A_1382 = tpu.memref_slice %arg5[%dma_wait3A_1380, %dma_wait3A_1381] : memref<79x128xi32, #tpu.memory_space<vmem>> -> memref<1x128xi32, #tpu.memory_space<vmem>>
    %dma_wait3A_1383 = arith.constant 0 : i32
    %dma_wait3A_1384 = tpu.memref_slice %arg2[%dma_wait3A_1383, %mul3A_1379] : memref<2x320000xi32, #tpu.memory_space<hbm>> -> memref<1x128xi32, #tpu.memory_space<hbm>>
    %dma_wait3A_1385 = arith.constant 0 : i32
    %dma_wait3A_1386 = arith.constant 0 : i32
    %dma_wait3A_1387 = tpu.memref_slice %arg5[%dma_wait3A_1385, %dma_wait3A_1386] : memref<79x128xi32, #tpu.memory_space<vmem>> -> memref<1x128xi32, #tpu.memory_space<vmem>>
    %dma_wait3A_1388 = arith.constant 0 : i32
    %dma_wait3A_1389 = tpu.memref_slice %arg2[%dma_wait3A_1388, %mul3A_1379] : memref<2x320000xi32, #tpu.memory_space<hbm>> -> memref<1x128xi32, #tpu.memory_space<hbm>>
    tpu.wait_dma2 semaphore(%arg13 : memref<!tpu.dma_semaphore, #tpu.memory_space<semaphore_mem>>) src(%dma_wait3A_1389 : memref<1x128xi32, #tpu.memory_space<hbm>>) dst(%dma_wait3A_1387 : memref<1x128xi32, #tpu.memory_space<vmem>>)
    %add3A_1390 = arith.constant 0 : i32
    %add3A_1391 = arith.addi %add3A, %add3A_1390 : i32
    %mul3A_1392 = arith.constant 128 : i32
    %mul3A_1393 = arith.muli %add3A_1391, %mul3A_1392 : i32
    %dma_wait3A_1394 = arith.constant 0 : i32
    %dma_wait3A_1395 = arith.constant 0 : i32
    %dma_wait3A_1396 = tpu.memref_slice %arg5[%dma_wait3A_1394, %dma_wait3A_1395] : memref<79x128xi32, #tpu.memory_space<vmem>> -> memref<1x128xi32, #tpu.memory_space<vmem>>
    %dma_wait3A_1397 = arith.constant 0 : i32
    %dma_wait3A_1398 = tpu.memref_slice %arg2[%dma_wait3A_1397, %mul3A_1393] : memref<2x320000xi32, #tpu.memory_space<hbm>> -> memref<1x128xi32, #tpu.memory_space<hbm>>
    %dma_wait3A_1399 = arith.constant 0 : i32
    %dma_wait3A_1400 = arith.constant 0 : i32
    %dma_wait3A_1401 = tpu.memref_slice %arg5[%dma_wait3A_1399, %dma_wait3A_1400] : memref<79x128xi32, #tpu.memory_space<vmem>> -> memref<1x128xi32, #tpu.memory_space<vmem>>
    %dma_wait3A_1402 = arith.constant 0 : i32
    %dma_wait3A_1403 = tpu.memref_slice %arg2[%dma_wait3A_1402, %mul3A_1393] : memref<2x320000xi32, #tpu.memory_space<hbm>> -> memref<1x128xi32, #tpu.memory_space<hbm>>
    tpu.wait_dma2 semaphore(%arg13 : memref<!tpu.dma_semaphore, #tpu.memory_space<semaphore_mem>>) src(%dma_wait3A_1403 : memref<1x128xi32, #tpu.memory_space<hbm>>) dst(%dma_wait3A_1401 : memref<1x128xi32, #tpu.memory_space<vmem>>)
    %add3A_1404 = arith.constant 0 : i32
    %add3A_1405 = arith.addi %add3A, %add3A_1404 : i32
    %mul3A_1406 = arith.constant 128 : i32
    %mul3A_1407 = arith.muli %add3A_1405, %mul3A_1406 : i32
    %dma_wait3A_1408 = arith.constant 0 : i32
    %dma_wait3A_1409 = arith.constant 0 : i32
    %dma_wait3A_1410 = tpu.memref_slice %arg5[%dma_wait3A_1408, %dma_wait3A_1409] : memref<79x128xi32, #tpu.memory_space<vmem>> -> memref<1x128xi32, #tpu.memory_space<vmem>>
    %dma_wait3A_1411 = arith.constant 0 : i32
    %dma_wait3A_1412 = tpu.memref_slice %arg2[%dma_wait3A_1411, %mul3A_1407] : memref<2x320000xi32, #tpu.memory_space<hbm>> -> memref<1x128xi32, #tpu.memory_space<hbm>>
    %dma_wait3A_1413 = arith.constant 0 : i32
    %dma_wait3A_1414 = arith.constant 0 : i32
    %dma_wait3A_1415 = tpu.memref_slice %arg5[%dma_wait3A_1413, %dma_wait3A_1414] : memref<79x128xi32, #tpu.memory_space<vmem>> -> memref<1x128xi32, #tpu.memory_space<vmem>>
    %dma_wait3A_1416 = arith.constant 0 : i32
    %dma_wait3A_1417 = tpu.memref_slice %arg2[%dma_wait3A_1416, %mul3A_1407] : memref<2x320000xi32, #tpu.memory_space<hbm>> -> memref<1x128xi32, #tpu.memory_space<hbm>>
    tpu.wait_dma2 semaphore(%arg13 : memref<!tpu.dma_semaphore, #tpu.memory_space<semaphore_mem>>) src(%dma_wait3A_1417 : memref<1x128xi32, #tpu.memory_space<hbm>>) dst(%dma_wait3A_1415 : memref<1x128xi32, #tpu.memory_space<vmem>>)
    %add3A_1418 = arith.constant 0 : i32
    %add3A_1419 = arith.addi %add3A, %add3A_1418 : i32
    %mul3A_1420 = arith.constant 128 : i32
    %mul3A_1421 = arith.muli %add3A_1419, %mul3A_1420 : i32
    %dma_wait3A_1422 = arith.constant 0 : i32
    %dma_wait3A_1423 = arith.constant 0 : i32
    %dma_wait3A_1424 = tpu.memref_slice %arg5[%dma_wait3A_1422, %dma_wait3A_1423] : memref<79x128xi32, #tpu.memory_space<vmem>> -> memref<1x128xi32, #tpu.memory_space<vmem>>
    %dma_wait3A_1425 = arith.constant 0 : i32
    %dma_wait3A_1426 = tpu.memref_slice %arg2[%dma_wait3A_1425, %mul3A_1421] : memref<2x320000xi32, #tpu.memory_space<hbm>> -> memref<1x128xi32, #tpu.memory_space<hbm>>
    %dma_wait3A_1427 = arith.constant 0 : i32
    %dma_wait3A_1428 = arith.constant 0 : i32
    %dma_wait3A_1429 = tpu.memref_slice %arg5[%dma_wait3A_1427, %dma_wait3A_1428] : memref<79x128xi32, #tpu.memory_space<vmem>> -> memref<1x128xi32, #tpu.memory_space<vmem>>
    %dma_wait3A_1430 = arith.constant 0 : i32
    %dma_wait3A_1431 = tpu.memref_slice %arg2[%dma_wait3A_1430, %mul3A_1421] : memref<2x320000xi32, #tpu.memory_space<hbm>> -> memref<1x128xi32, #tpu.memory_space<hbm>>
    tpu.wait_dma2 semaphore(%arg13 : memref<!tpu.dma_semaphore, #tpu.memory_space<semaphore_mem>>) src(%dma_wait3A_1431 : memref<1x128xi32, #tpu.memory_space<hbm>>) dst(%dma_wait3A_1429 : memref<1x128xi32, #tpu.memory_space<vmem>>)
    %add3A_1432 = arith.constant 0 : i32
    %add3A_1433 = arith.addi %add3A, %add3A_1432 : i32
    %mul3A_1434 = arith.constant 128 : i32
    %mul3A_1435 = arith.muli %add3A_1433, %mul3A_1434 : i32
    %dma_wait3A_1436 = arith.constant 0 : i32
    %dma_wait3A_1437 = arith.constant 0 : i32
    %dma_wait3A_1438 = tpu.memref_slice %arg5[%dma_wait3A_1436, %dma_wait3A_1437] : memref<79x128xi32, #tpu.memory_space<vmem>> -> memref<1x128xi32, #tpu.memory_space<vmem>>
    %dma_wait3A_1439 = arith.constant 0 : i32
    %dma_wait3A_1440 = tpu.memref_slice %arg2[%dma_wait3A_1439, %mul3A_1435] : memref<2x320000xi32, #tpu.memory_space<hbm>> -> memref<1x128xi32, #tpu.memory_space<hbm>>
    %dma_wait3A_1441 = arith.constant 0 : i32
    %dma_wait3A_1442 = arith.constant 0 : i32
    %dma_wait3A_1443 = tpu.memref_slice %arg5[%dma_wait3A_1441, %dma_wait3A_1442] : memref<79x128xi32, #tpu.memory_space<vmem>> -> memref<1x128xi32, #tpu.memory_space<vmem>>
    %dma_wait3A_1444 = arith.constant 0 : i32
    %dma_wait3A_1445 = tpu.memref_slice %arg2[%dma_wait3A_1444, %mul3A_1435] : memref<2x320000xi32, #tpu.memory_space<hbm>> -> memref<1x128xi32, #tpu.memory_space<hbm>>
    tpu.wait_dma2 semaphore(%arg13 : memref<!tpu.dma_semaphore, #tpu.memory_space<semaphore_mem>>) src(%dma_wait3A_1445 : memref<1x128xi32, #tpu.memory_space<hbm>>) dst(%dma_wait3A_1443 : memref<1x128xi32, #tpu.memory_space<vmem>>)
    %lt3A_1446 = arith.constant 4 : i32
    %lt3A_1447 = arith.cmpi slt, %add3A, %lt3A_1446 : i32
    %convert_element_type3A_1448 = arith.extui %lt3A_1447 : i1 to i32
    %cond3A_1449 = arith.constant 0 : i32
    %cond3A_1450 = arith.cmpi ne, %convert_element_type3A_1448, %cond3A_1449 : i32
    scf.if %cond3A_1450 {
      %add3A_1486 = arith.constant 0 : i32
      %add3A_1487 = arith.addi %add3A, %add3A_1486 : i32
      %mul3A_1488 = arith.constant 128 : i32
      %mul3A_1489 = arith.muli %add3A_1487, %mul3A_1488 : i32
      %dma_wait3A_1490 = arith.constant 0 : i32
      %dma_wait3A_1491 = arith.constant 0 : i32
      %dma_wait3A_1492 = tpu.memref_slice %arg5[%dma_wait3A_1490, %dma_wait3A_1491] : memref<79x128xi32, #tpu.memory_space<vmem>> -> memref<1x128xi32, #tpu.memory_space<vmem>>
      %dma_wait3A_1493 = arith.constant 0 : i32
      %dma_wait3A_1494 = tpu.memref_slice %arg2[%dma_wait3A_1493, %mul3A_1489] : memref<2x320000xi32, #tpu.memory_space<hbm>> -> memref<1x128xi32, #tpu.memory_space<hbm>>
      %dma_wait3A_1495 = arith.constant 0 : i32
      %dma_wait3A_1496 = arith.constant 0 : i32
      %dma_wait3A_1497 = tpu.memref_slice %arg5[%dma_wait3A_1495, %dma_wait3A_1496] : memref<79x128xi32, #tpu.memory_space<vmem>> -> memref<1x128xi32, #tpu.memory_space<vmem>>
      %dma_wait3A_1498 = arith.constant 0 : i32
      %dma_wait3A_1499 = tpu.memref_slice %arg2[%dma_wait3A_1498, %mul3A_1489] : memref<2x320000xi32, #tpu.memory_space<hbm>> -> memref<1x128xi32, #tpu.memory_space<hbm>>
      tpu.wait_dma2 semaphore(%arg13 : memref<!tpu.dma_semaphore, #tpu.memory_space<semaphore_mem>>) src(%dma_wait3A_1499 : memref<1x128xi32, #tpu.memory_space<hbm>>) dst(%dma_wait3A_1497 : memref<1x128xi32, #tpu.memory_space<vmem>>)
    } else {
    }
    %scan3A_1451 = arith.constant 0 : i32
    %scan3A_1452 = arith.constant 0 : i32
    %scan3A_1453 = arith.constant 39 : i32
    %scan3A_1454 = arith.addi %scan3A_1452, %scan3A_1453 : i32
    %scan3A_1455 = arith.constant 1 : i32
    scf.for %scan3A_1486 = %scan3A_1452 to %scan3A_1454 step %scan3A_1455  : i32 {
      %dma_wait3A_1487 = arith.constant 0 : i32
      %dma_wait3A_1488 = arith.constant 0 : i32
      %dma_wait3A_1489 = tpu.memref_slice %arg9[%dma_wait3A_1487, %dma_wait3A_1488] : memref<10000x128xf32, #tpu.memory_space<vmem_shared>> -> memref<16x128xf32, #tpu.memory_space<vmem_shared>>
      %dma_wait3A_1490 = arith.constant 0 : i32
      %dma_wait3A_1491 = arith.constant 0 : i32
      %dma_wait3A_1492 = tpu.memref_slice %arg9[%dma_wait3A_1490, %dma_wait3A_1491] : memref<10000x128xf32, #tpu.memory_space<vmem_shared>> -> memref<16x128xf32, #tpu.memory_space<vmem_shared>>
      tpu.wait_dma2 semaphore(%arg12 : memref<!tpu.dma_semaphore, #tpu.memory_space<semaphore_mem>>) src(%arg8 : memref<16x128xf32, #tpu.memory_space<vmem>>) dst(%dma_wait3A_1492 : memref<16x128xf32, #tpu.memory_space<vmem_shared>>)
    }
    %scan3A_1456 = arith.constant 39 : i32
    %eq3A_1457 = arith.constant 15 : i32
    %eq3A_1458 = arith.cmpi eq, %arg1, %eq3A_1457 : i32
    %convert_element_type3A_1459 = arith.extui %eq3A_1458 : i1 to i32
    %cond3A_1460 = arith.constant 0 : i32
    %cond3A_1461 = arith.cmpi ne, %convert_element_type3A_1459, %cond3A_1460 : i32
    scf.if %cond3A_1461 {
      %dma_wait3A_1486 = arith.constant 0 : i32
      %dma_wait3A_1487 = arith.constant 0 : i32
      %dma_wait3A_1488 = tpu.memref_slice %arg9[%dma_wait3A_1486, %dma_wait3A_1487] : memref<10000x128xf32, #tpu.memory_space<vmem_shared>> -> memref<16x128xf32, #tpu.memory_space<vmem_shared>>
      %dma_wait3A_1489 = arith.constant 0 : i32
      %dma_wait3A_1490 = arith.constant 0 : i32
      %dma_wait3A_1491 = tpu.memref_slice %arg9[%dma_wait3A_1489, %dma_wait3A_1490] : memref<10000x128xf32, #tpu.memory_space<vmem_shared>> -> memref<16x128xf32, #tpu.memory_space<vmem_shared>>
      tpu.wait_dma2 semaphore(%arg12 : memref<!tpu.dma_semaphore, #tpu.memory_space<semaphore_mem>>) src(%arg8 : memref<16x128xf32, #tpu.memory_space<vmem>>) dst(%dma_wait3A_1491 : memref<16x128xf32, #tpu.memory_space<vmem_shared>>)
    } else {
    }
    %barrier3A = arith.constant 0 : index
    tpu.barrier barrier_id(%barrier3A)
    %scan3A_1462 = arith.constant 0 : i32
    %scan3A_1463 = arith.constant 0 : i32
    %scan3A_1464 = arith.constant 39 : i32
    %scan3A_1465 = arith.addi %scan3A_1463, %scan3A_1464 : i32
    %scan3A_1466 = arith.constant 1 : i32
    scf.for %scan3A_1486 = %scan3A_1463 to %scan3A_1465 step %scan3A_1466  : i32 {
      %mul3A_1487 = arith.constant 2 : i32
      %mul3A_1488 = arith.muli %mul3A_1487, %scan3A_1486 : i32
      %add3A_1489 = arith.constant 0 : i32
      %add3A_1490 = arith.addi %mul3A_1488, %add3A_1489 : i32
      %mul3A_1491 = arith.constant 32 : i32
      %mul3A_1492 = arith.muli %mul3A_1491, %add3A_1490 : i32
      %add3A_1493 = arith.addi %add3A, %mul3A_1492 : i32
      %mul3A_1494 = arith.constant 128 : i32
      %mul3A_1495 = arith.muli %add3A_1493, %mul3A_1494 : i32
      %dma_wait3A_1496 = arith.constant 0 : i32
      %dma_wait3A_1497 = tpu.memref_slice %arg3[%mul3A_1495, %dma_wait3A_1496] : memref<320000x128xf32, #tpu.memory_space<hbm>> -> memref<128x128xf32, #tpu.memory_space<hbm>>
      %dma_wait3A_1498 = arith.constant 0 : i32
      %dma_wait3A_1499 = tpu.memref_slice %arg3[%mul3A_1495, %dma_wait3A_1498] : memref<320000x128xf32, #tpu.memory_space<hbm>> -> memref<128x128xf32, #tpu.memory_space<hbm>>
      tpu.wait_dma2 semaphore(%arg10 : memref<!tpu.dma_semaphore, #tpu.memory_space<semaphore_mem>>) src(%dma_wait3A_1499 : memref<128x128xf32, #tpu.memory_space<hbm>>) dst(%arg6 : memref<128x128xf32, #tpu.memory_space<vmem>>)
      "tpu.region"() ({
        %run_scoped3A = tpu.sem_alloc : memref<!tpu.dma_semaphore, #tpu.memory_space<semaphore_mem>>
        %dma_start3A_1533 = arith.constant 0 : i32
        %dma_start3A_1534 = tpu.memref_slice %arg5[%add3A_1490, %dma_start3A_1533] : memref<79x128xi32, #tpu.memory_space<vmem>> -> memref<1x128xi32, #tpu.memory_space<vmem>>
        %dma_start3A_1535 = tpu.memref_squeeze %dma_start3A_1534 : memref<1x128xi32, #tpu.memory_space<vmem>> -> memref<128xi32, #tpu.memory_space<vmem>>
        %dma_start3A_1536 = arith.constant 0 : i32
        %dma_start3A_1537 = arith.constant 0 : i32
        %dma_start3A_1538 = tpu.memref_slice %arg9[%dma_start3A_1536, %dma_start3A_1537] : memref<10000x128xf32, #tpu.memory_space<vmem_shared>> -> memref<10000x128xf32, #tpu.memory_space<vmem_shared>>
        tpu.enqueue_indirect_dma source(%arg6 : memref<128x128xf32, #tpu.memory_space<vmem>>) target(%dma_start3A_1538 : memref<10000x128xf32, #tpu.memory_space<vmem_shared>>) offsets(%dma_start3A_1535 : memref<128xi32, #tpu.memory_space<vmem>>) semaphore(%run_scoped3A : memref<!tpu.dma_semaphore, #tpu.memory_space<semaphore_mem>>) {add = true}
        %dma_wait3A_1539 = arith.constant 0 : i32
        %dma_wait3A_1540 = tpu.memref_slice %arg5[%add3A_1490, %dma_wait3A_1539] : memref<79x128xi32, #tpu.memory_space<vmem>> -> memref<1x128xi32, #tpu.memory_space<vmem>>
        %dma_wait3A_1541 = tpu.memref_squeeze %dma_wait3A_1540 : memref<1x128xi32, #tpu.memory_space<vmem>> -> memref<128xi32, #tpu.memory_space<vmem>>
        %dma_wait3A_1542 = arith.constant 0 : i32
        %dma_wait3A_1543 = arith.constant 0 : i32
        %dma_wait3A_1544 = tpu.memref_slice %arg9[%dma_wait3A_1542, %dma_wait3A_1543] : memref<10000x128xf32, #tpu.memory_space<vmem_shared>> -> memref<10000x128xf32, #tpu.memory_space<vmem_shared>>
        tpu.wait_indirect_dma semaphore(%run_scoped3A : memref<!tpu.dma_semaphore, #tpu.memory_space<semaphore_mem>>) src(%arg6 : memref<128x128xf32, #tpu.memory_space<vmem>>) dst(%dma_wait3A_1544 : memref<10000x128xf32, #tpu.memory_space<vmem_shared>>)
        tpu.yield
      }) : () -> ()
      %add3A_1500 = arith.constant 2 : i32
      %add3A_1501 = arith.addi %add3A_1490, %add3A_1500 : i32
      %mul3A_1502 = arith.constant 32 : i32
      %mul3A_1503 = arith.muli %mul3A_1502, %add3A_1501 : i32
      %add3A_1504 = arith.addi %add3A, %mul3A_1503 : i32
      %lt3A_1505 = arith.constant 2500 : i32
      %lt3A_1506 = arith.cmpi slt, %add3A_1504, %lt3A_1505 : i32
      %convert_element_type3A_1507 = arith.extui %lt3A_1506 : i1 to i32
      %cond3A_1508 = arith.constant 0 : i32
      %cond3A_1509 = arith.cmpi ne, %convert_element_type3A_1507, %cond3A_1508 : i32
      scf.if %cond3A_1509 {
        %add3A_1533 = arith.constant 2 : i32
        %add3A_1534 = arith.addi %add3A_1490, %add3A_1533 : i32
        %mul3A_1535 = arith.constant 32 : i32
        %mul3A_1536 = arith.muli %mul3A_1535, %add3A_1534 : i32
        %add3A_1537 = arith.addi %add3A, %mul3A_1536 : i32
        %mul3A_1538 = arith.constant 128 : i32
        %mul3A_1539 = arith.muli %add3A_1537, %mul3A_1538 : i32
        %dma_start3A_1540 = arith.constant 0 : i32
        %dma_start3A_1541 = tpu.memref_slice %arg3[%mul3A_1539, %dma_start3A_1540] : memref<320000x128xf32, #tpu.memory_space<hbm>> -> memref<128x128xf32, #tpu.memory_space<hbm>>
        %dma_start3A_1542 = arith.constant 0 : i32
        %dma_start3A_1543 = tpu.memref_slice %arg3[%mul3A_1539, %dma_start3A_1542] : memref<320000x128xf32, #tpu.memory_space<hbm>> -> memref<128x128xf32, #tpu.memory_space<hbm>>
        tpu.enqueue_dma source(%dma_start3A_1543 : memref<128x128xf32, #tpu.memory_space<hbm>>) target(%arg6 : memref<128x128xf32, #tpu.memory_space<vmem>>) target_semaphore(%arg10 : memref<!tpu.dma_semaphore, #tpu.memory_space<semaphore_mem>>)
      } else {
      }
      %mul3A_1510 = arith.constant 2 : i32
      %mul3A_1511 = arith.muli %mul3A_1510, %scan3A_1486 : i32
      %add3A_1512 = arith.constant 1 : i32
      %add3A_1513 = arith.addi %mul3A_1511, %add3A_1512 : i32
      %mul3A_1514 = arith.constant 32 : i32
      %mul3A_1515 = arith.muli %mul3A_1514, %add3A_1513 : i32
      %add3A_1516 = arith.addi %add3A, %mul3A_1515 : i32
      %mul3A_1517 = arith.constant 128 : i32
      %mul3A_1518 = arith.muli %add3A_1516, %mul3A_1517 : i32
      %dma_wait3A_1519 = arith.constant 0 : i32
      %dma_wait3A_1520 = tpu.memref_slice %arg3[%mul3A_1518, %dma_wait3A_1519] : memref<320000x128xf32, #tpu.memory_space<hbm>> -> memref<128x128xf32, #tpu.memory_space<hbm>>
      %dma_wait3A_1521 = arith.constant 0 : i32
      %dma_wait3A_1522 = tpu.memref_slice %arg3[%mul3A_1518, %dma_wait3A_1521] : memref<320000x128xf32, #tpu.memory_space<hbm>> -> memref<128x128xf32, #tpu.memory_space<hbm>>
      tpu.wait_dma2 semaphore(%arg11 : memref<!tpu.dma_semaphore, #tpu.memory_space<semaphore_mem>>) src(%dma_wait3A_1522 : memref<128x128xf32, #tpu.memory_space<hbm>>) dst(%arg7 : memref<128x128xf32, #tpu.memory_space<vmem>>)
      "tpu.region"() ({
        %run_scoped3A = tpu.sem_alloc : memref<!tpu.dma_semaphore, #tpu.memory_space<semaphore_mem>>
        %dma_start3A_1533 = arith.constant 0 : i32
        %dma_start3A_1534 = tpu.memref_slice %arg5[%add3A_1513, %dma_start3A_1533] : memref<79x128xi32, #tpu.memory_space<vmem>> -> memref<1x128xi32, #tpu.memory_space<vmem>>
        %dma_start3A_1535 = tpu.memref_squeeze %dma_start3A_1534 : memref<1x128xi32, #tpu.memory_space<vmem>> -> memref<128xi32, #tpu.memory_space<vmem>>
        %dma_start3A_1536 = arith.constant 0 : i32
        %dma_start3A_1537 = arith.constant 0 : i32
        %dma_start3A_1538 = tpu.memref_slice %arg9[%dma_start3A_1536, %dma_start3A_1537] : memref<10000x128xf32, #tpu.memory_space<vmem_shared>> -> memref<10000x128xf32, #tpu.memory_space<vmem_shared>>
        tpu.enqueue_indirect_dma source(%arg7 : memref<128x128xf32, #tpu.memory_space<vmem>>) target(%dma_start3A_1538 : memref<10000x128xf32, #tpu.memory_space<vmem_shared>>) offsets(%dma_start3A_1535 : memref<128xi32, #tpu.memory_space<vmem>>) semaphore(%run_scoped3A : memref<!tpu.dma_semaphore, #tpu.memory_space<semaphore_mem>>) {add = true}
        %dma_wait3A_1539 = arith.constant 0 : i32
        %dma_wait3A_1540 = tpu.memref_slice %arg5[%add3A_1513, %dma_wait3A_1539] : memref<79x128xi32, #tpu.memory_space<vmem>> -> memref<1x128xi32, #tpu.memory_space<vmem>>
        %dma_wait3A_1541 = tpu.memref_squeeze %dma_wait3A_1540 : memref<1x128xi32, #tpu.memory_space<vmem>> -> memref<128xi32, #tpu.memory_space<vmem>>
        %dma_wait3A_1542 = arith.constant 0 : i32
        %dma_wait3A_1543 = arith.constant 0 : i32
        %dma_wait3A_1544 = tpu.memref_slice %arg9[%dma_wait3A_1542, %dma_wait3A_1543] : memref<10000x128xf32, #tpu.memory_space<vmem_shared>> -> memref<10000x128xf32, #tpu.memory_space<vmem_shared>>
        tpu.wait_indirect_dma semaphore(%run_scoped3A : memref<!tpu.dma_semaphore, #tpu.memory_space<semaphore_mem>>) src(%arg7 : memref<128x128xf32, #tpu.memory_space<vmem>>) dst(%dma_wait3A_1544 : memref<10000x128xf32, #tpu.memory_space<vmem_shared>>)
        tpu.yield
      }) : () -> ()
      %add3A_1523 = arith.constant 2 : i32
      %add3A_1524 = arith.addi %add3A_1513, %add3A_1523 : i32
      %mul3A_1525 = arith.constant 32 : i32
      %mul3A_1526 = arith.muli %mul3A_1525, %add3A_1524 : i32
      %add3A_1527 = arith.addi %add3A, %mul3A_1526 : i32
      %lt3A_1528 = arith.constant 2500 : i32
      %lt3A_1529 = arith.cmpi slt, %add3A_1527, %lt3A_1528 : i32
      %convert_element_type3A_1530 = arith.extui %lt3A_1529 : i1 to i32
      %cond3A_1531 = arith.constant 0 : i32
      %cond3A_1532 = arith.cmpi ne, %convert_element_type3A_1530, %cond3A_1531 : i32
      scf.if %cond3A_1532 {
        %add3A_1533 = arith.constant 2 : i32
        %add3A_1534 = arith.addi %add3A_1513, %add3A_1533 : i32
        %mul3A_1535 = arith.constant 32 : i32
        %mul3A_1536 = arith.muli %mul3A_1535, %add3A_1534 : i32
        %add3A_1537 = arith.addi %add3A, %mul3A_1536 : i32
        %mul3A_1538 = arith.constant 128 : i32
        %mul3A_1539 = arith.muli %add3A_1537, %mul3A_1538 : i32
        %dma_start3A_1540 = arith.constant 0 : i32
        %dma_start3A_1541 = tpu.memref_slice %arg3[%mul3A_1539, %dma_start3A_1540] : memref<320000x128xf32, #tpu.memory_space<hbm>> -> memref<128x128xf32, #tpu.memory_space<hbm>>
        %dma_start3A_1542 = arith.constant 0 : i32
        %dma_start3A_1543 = tpu.memref_slice %arg3[%mul3A_1539, %dma_start3A_1542] : memref<320000x128xf32, #tpu.memory_space<hbm>> -> memref<128x128xf32, #tpu.memory_space<hbm>>
        tpu.enqueue_dma source(%dma_start3A_1543 : memref<128x128xf32, #tpu.memory_space<hbm>>) target(%arg7 : memref<128x128xf32, #tpu.memory_space<vmem>>) target_semaphore(%arg11 : memref<!tpu.dma_semaphore, #tpu.memory_space<semaphore_mem>>)
      } else {
      }
    }
    %scan3A_1467 = arith.constant 39 : i32
    %lt3A_1468 = arith.constant 4 : i32
    %lt3A_1469 = arith.cmpi slt, %add3A, %lt3A_1468 : i32
    %convert_element_type3A_1470 = arith.extui %lt3A_1469 : i1 to i32
    %cond3A_1471 = arith.constant 0 : i32
    %cond3A_1472 = arith.cmpi ne, %convert_element_type3A_1470, %cond3A_1471 : i32
    scf.if %cond3A_1472 {
      %add3A_1486 = arith.constant 2496 : i32
      %add3A_1487 = arith.addi %add3A, %add3A_1486 : i32
      %mul3A_1488 = arith.constant 128 : i32
      %mul3A_1489 = arith.muli %add3A_1487, %mul3A_1488 : i32
      %dma_wait3A_1490 = arith.constant 0 : i32
      %dma_wait3A_1491 = tpu.memref_slice %arg3[%mul3A_1489, %dma_wait3A_1490] : memref<320000x128xf32, #tpu.memory_space<hbm>> -> memref<128x128xf32, #tpu.memory_space<hbm>>
      %dma_wait3A_1492 = arith.constant 0 : i32
      %dma_wait3A_1493 = tpu.memref_slice %arg3[%mul3A_1489, %dma_wait3A_1492] : memref<320000x128xf32, #tpu.memory_space<hbm>> -> memref<128x128xf32, #tpu.memory_space<hbm>>
      tpu.wait_dma2 semaphore(%arg10 : memref<!tpu.dma_semaphore, #tpu.memory_space<semaphore_mem>>) src(%dma_wait3A_1493 : memref<128x128xf32, #tpu.memory_space<hbm>>) dst(%arg6 : memref<128x128xf32, #tpu.memory_space<vmem>>)
      %run_scoped3A = arith.constant 78 : i32
      "tpu.region"() ({
        %run_scoped3A_1494 = tpu.sem_alloc : memref<!tpu.dma_semaphore, #tpu.memory_space<semaphore_mem>>
        %dma_start3A_1495 = arith.constant 0 : i32
        %dma_start3A_1496 = tpu.memref_slice %arg5[%run_scoped3A, %dma_start3A_1495] : memref<79x128xi32, #tpu.memory_space<vmem>> -> memref<1x128xi32, #tpu.memory_space<vmem>>
        %dma_start3A_1497 = tpu.memref_squeeze %dma_start3A_1496 : memref<1x128xi32, #tpu.memory_space<vmem>> -> memref<128xi32, #tpu.memory_space<vmem>>
        %dma_start3A_1498 = arith.constant 0 : i32
        %dma_start3A_1499 = arith.constant 0 : i32
        %dma_start3A_1500 = tpu.memref_slice %arg9[%dma_start3A_1498, %dma_start3A_1499] : memref<10000x128xf32, #tpu.memory_space<vmem_shared>> -> memref<10000x128xf32, #tpu.memory_space<vmem_shared>>
        tpu.enqueue_indirect_dma source(%arg6 : memref<128x128xf32, #tpu.memory_space<vmem>>) target(%dma_start3A_1500 : memref<10000x128xf32, #tpu.memory_space<vmem_shared>>) offsets(%dma_start3A_1497 : memref<128xi32, #tpu.memory_space<vmem>>) semaphore(%run_scoped3A_1494 : memref<!tpu.dma_semaphore, #tpu.memory_space<semaphore_mem>>) {add = true}
        %dma_wait3A_1501 = arith.constant 0 : i32
        %dma_wait3A_1502 = tpu.memref_slice %arg5[%run_scoped3A, %dma_wait3A_1501] : memref<79x128xi32, #tpu.memory_space<vmem>> -> memref<1x128xi32, #tpu.memory_space<vmem>>
        %dma_wait3A_1503 = tpu.memref_squeeze %dma_wait3A_1502 : memref<1x128xi32, #tpu.memory_space<vmem>> -> memref<128xi32, #tpu.memory_space<vmem>>
        %dma_wait3A_1504 = arith.constant 0 : i32
        %dma_wait3A_1505 = arith.constant 0 : i32
        %dma_wait3A_1506 = tpu.memref_slice %arg9[%dma_wait3A_1504, %dma_wait3A_1505] : memref<10000x128xf32, #tpu.memory_space<vmem_shared>> -> memref<10000x128xf32, #tpu.memory_space<vmem_shared>>
        tpu.wait_indirect_dma semaphore(%run_scoped3A_1494 : memref<!tpu.dma_semaphore, #tpu.memory_space<semaphore_mem>>) src(%arg6 : memref<128x128xf32, #tpu.memory_space<vmem>>) dst(%dma_wait3A_1506 : memref<10000x128xf32, #tpu.memory_space<vmem_shared>>)
        tpu.yield
      }) : () -> ()
    } else {
    }
    %barrier3A_1473 = arith.constant 0 : index
    tpu.barrier barrier_id(%barrier3A_1473)
    %mul3A_1474 = arith.constant 624 : i32
    %mul3A_1475 = arith.muli %arg1, %mul3A_1474 : i32
    %mul3A_1476 = arith.constant 10000 : i32
    %mul3A_1477 = arith.muli %arg0, %mul3A_1476 : i32
    %mul3A_1478 = arith.constant 624 : i32
    %mul3A_1479 = arith.muli %arg1, %mul3A_1478 : i32
    %add3A_1480 = arith.addi %mul3A_1477, %mul3A_1479 : i32
    "tpu.region"() ({
      %run_scoped3A = tpu.sem_alloc : memref<!tpu.dma_semaphore, #tpu.memory_space<semaphore_mem>>
      %dma_start3A_1486 = arith.constant 0 : i32
      %dma_start3A_1487 = tpu.memref_slice %arg4[%add3A_1480, %dma_start3A_1486] : memref<20000x128xf32, #tpu.memory_space<hbm>> -> memref<624x128xf32, #tpu.memory_space<hbm>>
      %dma_start3A_1488 = arith.constant 0 : i32
      %dma_start3A_1489 = tpu.memref_slice %arg9[%mul3A_1475, %dma_start3A_1488] : memref<10000x128xf32, #tpu.memory_space<vmem_shared>> -> memref<624x128xf32, #tpu.memory_space<vmem_shared>>
      tpu.enqueue_dma source(%dma_start3A_1489 : memref<624x128xf32, #tpu.memory_space<vmem_shared>>) target(%dma_start3A_1487 : memref<624x128xf32, #tpu.memory_space<hbm>>) target_semaphore(%run_scoped3A : memref<!tpu.dma_semaphore, #tpu.memory_space<semaphore_mem>>)
      %dma_wait3A_1490 = arith.constant 0 : i32
      %dma_wait3A_1491 = tpu.memref_slice %arg4[%add3A_1480, %dma_wait3A_1490] : memref<20000x128xf32, #tpu.memory_space<hbm>> -> memref<624x128xf32, #tpu.memory_space<hbm>>
      %dma_wait3A_1492 = arith.constant 0 : i32
      %dma_wait3A_1493 = tpu.memref_slice %arg9[%mul3A_1475, %dma_wait3A_1492] : memref<10000x128xf32, #tpu.memory_space<vmem_shared>> -> memref<624x128xf32, #tpu.memory_space<vmem_shared>>
      tpu.wait_dma2 semaphore(%run_scoped3A : memref<!tpu.dma_semaphore, #tpu.memory_space<semaphore_mem>>) src(%dma_wait3A_1493 : memref<624x128xf32, #tpu.memory_space<vmem_shared>>) dst(%dma_wait3A_1491 : memref<624x128xf32, #tpu.memory_space<hbm>>)
      tpu.yield
    }) : () -> ()
    %eq3A_1481 = arith.constant 15 : i32
    %eq3A_1482 = arith.cmpi eq, %arg1, %eq3A_1481 : i32
    %convert_element_type3A_1483 = arith.extui %eq3A_1482 : i1 to i32
    %cond3A_1484 = arith.constant 0 : i32
    %cond3A_1485 = arith.cmpi ne, %convert_element_type3A_1483, %cond3A_1484 : i32
    scf.if %cond3A_1485 {
      %mul3A_1486 = arith.constant 10000 : i32
      %mul3A_1487 = arith.muli %arg0, %mul3A_1486 : i32
      %add3A_1488 = arith.constant 9984 : i32
      %add3A_1489 = arith.addi %mul3A_1487, %add3A_1488 : i32
      "tpu.region"() ({
        %run_scoped3A = tpu.sem_alloc : memref<!tpu.dma_semaphore, #tpu.memory_space<semaphore_mem>>
        %dma_start3A_1490 = arith.constant 0 : i32
        %dma_start3A_1491 = tpu.memref_slice %arg4[%add3A_1489, %dma_start3A_1490] : memref<20000x128xf32, #tpu.memory_space<hbm>> -> memref<16x128xf32, #tpu.memory_space<hbm>>
        %dma_start3A_1492 = arith.constant 9984 : i32
        %dma_start3A_1493 = arith.constant 0 : i32
        %dma_start3A_1494 = tpu.memref_slice %arg9[%dma_start3A_1492, %dma_start3A_1493] : memref<10000x128xf32, #tpu.memory_space<vmem_shared>> -> memref<16x128xf32, #tpu.memory_space<vmem_shared>>
        tpu.enqueue_dma source(%dma_start3A_1494 : memref<16x128xf32, #tpu.memory_space<vmem_shared>>) target(%dma_start3A_1491 : memref<16x128xf32, #tpu.memory_space<hbm>>) target_semaphore(%run_scoped3A : memref<!tpu.dma_semaphore, #tpu.memory_space<semaphore_mem>>)
        %dma_wait3A_1495 = arith.constant 0 : i32
        %dma_wait3A_1496 = tpu.memref_slice %arg4[%add3A_1489, %dma_wait3A_1495] : memref<20000x128xf32, #tpu.memory_space<hbm>> -> memref<16x128xf32, #tpu.memory_space<hbm>>
        %dma_wait3A_1497 = arith.constant 9984 : i32
        %dma_wait3A_1498 = arith.constant 0 : i32
        %dma_wait3A_1499 = tpu.memref_slice %arg9[%dma_wait3A_1497, %dma_wait3A_1498] : memref<10000x128xf32, #tpu.memory_space<vmem_shared>> -> memref<16x128xf32, #tpu.memory_space<vmem_shared>>
        tpu.wait_dma2 semaphore(%run_scoped3A : memref<!tpu.dma_semaphore, #tpu.memory_space<semaphore_mem>>) src(%dma_wait3A_1499 : memref<16x128xf32, #tpu.memory_space<vmem_shared>>) dst(%dma_wait3A_1496 : memref<16x128xf32, #tpu.memory_space<hbm>>)
        tpu.yield
      }) : () -> ()
    } else {
    }
    return
  }
}

module attributes {stable_mosaic.version = 14 : i64} {
  func.func @_dense_body(%arg0: i32, %arg1: memref<2000x128xf32, #tpu.memory_space<vmem>>, %arg2: memref<2x2000x128xf32, #tpu.memory_space<vmem>>, %arg3: memref<1x32xf32, #tpu.memory_space<vmem>>, %arg4: memref<288x128xf32, #tpu.memory_space<vmem>>, %arg5: memref<1x128xf32, #tpu.memory_space<vmem>>, %arg6: memref<128x128xf32, #tpu.memory_space<vmem>>, %arg7: memref<1x128xf32, #tpu.memory_space<vmem>>, %arg8: memref<128x128xf32, #tpu.memory_space<vmem>>, %arg9: memref<1x128xf32, #tpu.memory_space<vmem>>, %arg10: memref<1x128xf32, #tpu.memory_space<vmem>>, %arg11: memref<1x128xf32, #tpu.memory_space<vmem>>, %arg12: memref<1x128xf32, #tpu.memory_space<vmem>>, %arg13: memref<1x128xf32, #tpu.memory_space<vmem>>, %arg14: memref<128x128xf32, #tpu.memory_space<vmem>>, %arg15: memref<1x128xf32, #tpu.memory_space<vmem>>, %arg16: memref<128x128xf32, #tpu.memory_space<vmem>>, %arg17: memref<1x128xf32, #tpu.memory_space<vmem>>, %arg18: memref<1x128xf32, #tpu.memory_space<vmem>>, %arg19: memref<1x128xf32, #tpu.memory_space<vmem>>, %arg20: memref<1x128xf32, #tpu.memory_space<vmem>>, %arg21: memref<1x128xf32, #tpu.memory_space<vmem>>, %arg22: memref<2000x128xf32, #tpu.memory_space<vmem>>) attributes {dimension_semantics = [#tpu.dimension_semantics<arbitrary>], iteration_bounds = array<i64: 5>, scalar_prefetch = 0 : i64, scratch_operands = 0 : i64, tpu.core_type = #tpu.core_type<tc>, window_params = [{transform_indices = @transform_0, window_bounds = array<i64: 2000, 128>}, {transform_indices = @transform_1, window_bounds = array<i64: 2, 2000, 128>}, {pipeline_mode = #tpu.pipeline_mode<synchronous>, transform_indices = @transform_2, window_bounds = array<i64: 1, 32>}, {pipeline_mode = #tpu.pipeline_mode<synchronous>, transform_indices = @transform_3, window_bounds = array<i64: 288, 128>}, {pipeline_mode = #tpu.pipeline_mode<synchronous>, transform_indices = @transform_4, window_bounds = array<i64: 1, 128>}, {pipeline_mode = #tpu.pipeline_mode<synchronous>, transform_indices = @transform_5, window_bounds = array<i64: 128, 128>}, {pipeline_mode = #tpu.pipeline_mode<synchronous>, transform_indices = @transform_6, window_bounds = array<i64: 1, 128>}, {pipeline_mode = #tpu.pipeline_mode<synchronous>, transform_indices = @transform_7, window_bounds = array<i64: 128, 128>}, {pipeline_mode = #tpu.pipeline_mode<synchronous>, transform_indices = @transform_8, window_bounds = array<i64: 1, 128>}, {pipeline_mode = #tpu.pipeline_mode<synchronous>, transform_indices = @transform_9, window_bounds = array<i64: 1, 128>}, {pipeline_mode = #tpu.pipeline_mode<synchronous>, transform_indices = @transform_10, window_bounds = array<i64: 1, 128>}, {pipeline_mode = #tpu.pipeline_mode<synchronous>, transform_indices = @transform_11, window_bounds = array<i64: 1, 128>}, {pipeline_mode = #tpu.pipeline_mode<synchronous>, transform_indices = @transform_12, window_bounds = array<i64: 1, 128>}, {pipeline_mode = #tpu.pipeline_mode<synchronous>, transform_indices = @transform_13, window_bounds = array<i64: 128, 128>}, {pipeline_mode = #tpu.pipeline_mode<synchronous>, transform_indices = @transform_14, window_bounds = array<i64: 1, 128>}, {pipeline_mode = #tpu.pipeline_mode<synchronous>, transform_indices = @transform_15, window_bounds = array<i64: 128, 128>}, {pipeline_mode = #tpu.pipeline_mode<synchronous>, transform_indices = @transform_16, window_bounds = array<i64: 1, 128>}, {pipeline_mode = #tpu.pipeline_mode<synchronous>, transform_indices = @transform_17, window_bounds = array<i64: 1, 128>}, {pipeline_mode = #tpu.pipeline_mode<synchronous>, transform_indices = @transform_18, window_bounds = array<i64: 1, 128>}, {pipeline_mode = #tpu.pipeline_mode<synchronous>, transform_indices = @transform_19, window_bounds = array<i64: 1, 128>}, {pipeline_mode = #tpu.pipeline_mode<synchronous>, transform_indices = @transform_20, window_bounds = array<i64: 1, 128>}, {transform_indices = @transform_21, window_bounds = array<i64: 2000, 128>}]} {
    %get3A = arith.constant 0 : index
    %get3A_0 = arith.constant 0 : index
    %get3A_1 = vector.load %arg4[%get3A, %get3A_0] : memref<288x128xf32, #tpu.memory_space<vmem>>, vector<288x128xf32>
    %get3A_2 = arith.constant 0 : index
    %get3A_3 = arith.constant 0 : index
    %get3A_4 = vector.load %arg1[%get3A_2, %get3A_3] : memref<2000x128xf32, #tpu.memory_space<vmem>>, vector<2000x128xf32>
    %slice3A = vector.extract_strided_slice %get3A_1 {offsets = [0, 0], sizes = [128, 128], strides = [1, 1]} : vector<288x128xf32> to vector<128x128xf32>
    %dot_general3A = arith.constant dense<0.000000e+00> : vector<2000x128xf32>
    %dot_general3A_5 = tpu.matmul %get3A_4, %slice3A, %dot_general3A {dimension_numbers = #tpu.dot_dimension_numbers<[1], [0], [0], [1], [0, 0, 1, 1], [], []>, transpose_lhs_hint = false} : vector<2000x128xf32>, vector<128x128xf32>, vector<2000x128xf32> -> vector<2000x128xf32>
    %get3A_6 = arith.constant 0 : index
    %get3A_7 = arith.constant 0 : index
    %get3A_8 = arith.constant 0 : index
    %get3A_9 = vector.load %arg2[%get3A_6, %get3A_7, %get3A_8] : memref<2x2000x128xf32, #tpu.memory_space<vmem>>, vector<1x2000x128xf32>
    %get3A_10 = vector.shape_cast %get3A_9 : vector<1x2000x128xf32> to vector<2000x128xf32>
    %get3A_11 = arith.constant 1 : index
    %get3A_12 = arith.constant 0 : index
    %get3A_13 = arith.constant 0 : index
    %get3A_14 = vector.load %arg2[%get3A_11, %get3A_12, %get3A_13] : memref<2x2000x128xf32, #tpu.memory_space<vmem>>, vector<1x2000x128xf32>
    %get3A_15 = vector.shape_cast %get3A_14 : vector<1x2000x128xf32> to vector<2000x128xf32>
    %add3A = arith.addf %get3A_10, %get3A_15 : vector<2000x128xf32>
    %slice3A_16 = vector.extract_strided_slice %get3A_1 {offsets = [128, 0], sizes = [128, 128], strides = [1, 1]} : vector<288x128xf32> to vector<128x128xf32>
    %dot_general3A_17 = arith.constant dense<0.000000e+00> : vector<2000x128xf32>
    %dot_general3A_18 = tpu.matmul %add3A, %slice3A_16, %dot_general3A_17 {dimension_numbers = #tpu.dot_dimension_numbers<[1], [0], [0], [1], [0, 0, 1, 1], [], []>, transpose_lhs_hint = false} : vector<2000x128xf32>, vector<128x128xf32>, vector<2000x128xf32> -> vector<2000x128xf32>
    %add3A_19 = arith.addf %dot_general3A_5, %dot_general3A_18 : vector<2000x128xf32>
    %get3A_20 = arith.constant 0 : index
    %get3A_21 = arith.constant 0 : index
    %get3A_22 = vector.load %arg3[%get3A_20, %get3A_21] : memref<1x32xf32, #tpu.memory_space<vmem>>, vector<1x32xf32>
    %slice3A_23 = vector.extract_strided_slice %get3A_1 {offsets = [256, 0], sizes = [32, 128], strides = [1, 1]} : vector<288x128xf32> to vector<32x128xf32>
    %dot_general3A_24 = arith.constant dense<0.000000e+00> : vector<1x128xf32>
    %dot_general3A_25 = tpu.matmul %get3A_22, %slice3A_23, %dot_general3A_24 {dimension_numbers = #tpu.dot_dimension_numbers<[1], [0], [0], [1], [0, 0, 1, 1], [], []>, transpose_lhs_hint = false} : vector<1x32xf32>, vector<32x128xf32>, vector<1x128xf32> -> vector<1x128xf32>
    %add3A_26 = vector.broadcast %dot_general3A_25 : vector<1x128xf32> to vector<2000x128xf32>
    %add3A_27 = arith.addf %add3A_19, %add3A_26 : vector<2000x128xf32>
    %get3A_28 = arith.constant 0 : index
    %get3A_29 = arith.constant 0 : index
    %get3A_30 = vector.load %arg5[%get3A_28, %get3A_29] : memref<1x128xf32, #tpu.memory_space<vmem>>, vector<1x128xf32>
    %add3A_31 = vector.broadcast %get3A_30 : vector<1x128xf32> to vector<2000x128xf32>
    %add3A_32 = arith.addf %add3A_27, %add3A_31 : vector<2000x128xf32>
    %max3A = arith.constant 0.000000e+00 : f32
    %max3A_33 = vector.broadcast %max3A : f32 to vector<2000x128xf32>
    %max3A_34 = arith.maximumf %add3A_32, %max3A_33 : vector<2000x128xf32>
    %abs3A = math.absf %add3A_32 : vector<2000x128xf32>
    %neg3A = arith.constant 0.000000e+00 : f32
    %neg3A_35 = vector.broadcast %neg3A : f32 to vector<2000x128xf32>
    %neg3A_36 = arith.subf %neg3A_35, %abs3A : vector<2000x128xf32>
    %exp3A = math.exp %neg3A_36 : vector<2000x128xf32>
    %log1p3A = math.log1p %exp3A : vector<2000x128xf32>
    %add3A_37 = arith.addf %max3A_34, %log1p3A : vector<2000x128xf32>
    %get3A_38 = arith.constant 0 : index
    %get3A_39 = arith.constant 0 : index
    %get3A_40 = vector.load %arg10[%get3A_38, %get3A_39] : memref<1x128xf32, #tpu.memory_space<vmem>>, vector<1x128xf32>
    %get3A_41 = arith.constant 0 : index
    %get3A_42 = arith.constant 0 : index
    %get3A_43 = vector.load %arg13[%get3A_41, %get3A_42] : memref<1x128xf32, #tpu.memory_space<vmem>>, vector<1x128xf32>
    %add3A_44 = arith.constant 1.000000e-03 : f32
    %add3A_45 = vector.broadcast %add3A_44 : f32 to vector<1x128xf32>
    %add3A_46 = arith.addf %get3A_43, %add3A_45 : vector<1x128xf32>
    %rsqrt3A = math.rsqrt %add3A_46 : vector<1x128xf32>
    %mul3A = arith.mulf %get3A_40, %rsqrt3A : vector<1x128xf32>
    %get3A_47 = arith.constant 0 : index
    %get3A_48 = arith.constant 0 : index
    %get3A_49 = vector.load %arg8[%get3A_47, %get3A_48] : memref<128x128xf32, #tpu.memory_space<vmem>>, vector<128x128xf32>
    %mul3A_50 = vector.broadcast %mul3A : vector<1x128xf32> to vector<128x128xf32>
    %mul3A_51 = arith.mulf %get3A_49, %mul3A_50 : vector<128x128xf32>
    %get3A_52 = arith.constant 0 : index
    %get3A_53 = arith.constant 0 : index
    %get3A_54 = vector.load %arg9[%get3A_52, %get3A_53] : memref<1x128xf32, #tpu.memory_space<vmem>>, vector<1x128xf32>
    %get3A_55 = arith.constant 0 : index
    %get3A_56 = arith.constant 0 : index
    %get3A_57 = vector.load %arg12[%get3A_55, %get3A_56] : memref<1x128xf32, #tpu.memory_space<vmem>>, vector<1x128xf32>
    %sub3A = arith.subf %get3A_54, %get3A_57 : vector<1x128xf32>
    %mul3A_58 = arith.mulf %sub3A, %mul3A : vector<1x128xf32>
    %get3A_59 = arith.constant 0 : index
    %get3A_60 = arith.constant 0 : index
    %get3A_61 = vector.load %arg11[%get3A_59, %get3A_60] : memref<1x128xf32, #tpu.memory_space<vmem>>, vector<1x128xf32>
    %add3A_62 = arith.addf %mul3A_58, %get3A_61 : vector<1x128xf32>
    %get3A_63 = arith.constant 0 : index
    %get3A_64 = arith.constant 0 : index
    %get3A_65 = vector.load %arg6[%get3A_63, %get3A_64] : memref<128x128xf32, #tpu.memory_space<vmem>>, vector<128x128xf32>
    %dot_general3A_66 = arith.constant dense<0.000000e+00> : vector<2000x128xf32>
    %dot_general3A_67 = tpu.matmul %add3A_37, %get3A_65, %dot_general3A_66 {dimension_numbers = #tpu.dot_dimension_numbers<[1], [0], [0], [1], [0, 0, 1, 1], [], []>, transpose_lhs_hint = false} : vector<2000x128xf32>, vector<128x128xf32>, vector<2000x128xf32> -> vector<2000x128xf32>
    %get3A_68 = arith.constant 0 : index
    %get3A_69 = arith.constant 0 : index
    %get3A_70 = vector.load %arg7[%get3A_68, %get3A_69] : memref<1x128xf32, #tpu.memory_space<vmem>>, vector<1x128xf32>
    %add3A_71 = vector.broadcast %get3A_70 : vector<1x128xf32> to vector<2000x128xf32>
    %add3A_72 = arith.addf %dot_general3A_67, %add3A_71 : vector<2000x128xf32>
    %max3A_73 = arith.constant 0.000000e+00 : f32
    %max3A_74 = vector.broadcast %max3A_73 : f32 to vector<2000x128xf32>
    %max3A_75 = arith.maximumf %add3A_72, %max3A_74 : vector<2000x128xf32>
    %abs3A_76 = math.absf %add3A_72 : vector<2000x128xf32>
    %neg3A_77 = arith.constant 0.000000e+00 : f32
    %neg3A_78 = vector.broadcast %neg3A_77 : f32 to vector<2000x128xf32>
    %neg3A_79 = arith.subf %neg3A_78, %abs3A_76 : vector<2000x128xf32>
    %exp3A_80 = math.exp %neg3A_79 : vector<2000x128xf32>
    %log1p3A_81 = math.log1p %exp3A_80 : vector<2000x128xf32>
    %add3A_82 = arith.addf %max3A_75, %log1p3A_81 : vector<2000x128xf32>
    %dot_general3A_83 = arith.constant dense<0.000000e+00> : vector<2000x128xf32>
    %dot_general3A_84 = tpu.matmul %add3A_82, %mul3A_51, %dot_general3A_83 {dimension_numbers = #tpu.dot_dimension_numbers<[1], [0], [0], [1], [0, 0, 1, 1], [], []>, transpose_lhs_hint = false} : vector<2000x128xf32>, vector<128x128xf32>, vector<2000x128xf32> -> vector<2000x128xf32>
    %add3A_85 = arith.addf %add3A_37, %dot_general3A_84 : vector<2000x128xf32>
    %add3A_86 = vector.broadcast %add3A_62 : vector<1x128xf32> to vector<2000x128xf32>
    %add3A_87 = arith.addf %add3A_85, %add3A_86 : vector<2000x128xf32>
    %get3A_88 = arith.constant 0 : index
    %get3A_89 = arith.constant 0 : index
    %get3A_90 = vector.load %arg18[%get3A_88, %get3A_89] : memref<1x128xf32, #tpu.memory_space<vmem>>, vector<1x128xf32>
    %get3A_91 = arith.constant 0 : index
    %get3A_92 = arith.constant 0 : index
    %get3A_93 = vector.load %arg21[%get3A_91, %get3A_92] : memref<1x128xf32, #tpu.memory_space<vmem>>, vector<1x128xf32>
    %add3A_94 = arith.constant 1.000000e-03 : f32
    %add3A_95 = vector.broadcast %add3A_94 : f32 to vector<1x128xf32>
    %add3A_96 = arith.addf %get3A_93, %add3A_95 : vector<1x128xf32>
    %rsqrt3A_97 = math.rsqrt %add3A_96 : vector<1x128xf32>
    %mul3A_98 = arith.mulf %get3A_90, %rsqrt3A_97 : vector<1x128xf32>
    %get3A_99 = arith.constant 0 : index
    %get3A_100 = arith.constant 0 : index
    %get3A_101 = vector.load %arg16[%get3A_99, %get3A_100] : memref<128x128xf32, #tpu.memory_space<vmem>>, vector<128x128xf32>
    %mul3A_102 = vector.broadcast %mul3A_98 : vector<1x128xf32> to vector<128x128xf32>
    %mul3A_103 = arith.mulf %get3A_101, %mul3A_102 : vector<128x128xf32>
    %get3A_104 = arith.constant 0 : index
    %get3A_105 = arith.constant 0 : index
    %get3A_106 = vector.load %arg17[%get3A_104, %get3A_105] : memref<1x128xf32, #tpu.memory_space<vmem>>, vector<1x128xf32>
    %get3A_107 = arith.constant 0 : index
    %get3A_108 = arith.constant 0 : index
    %get3A_109 = vector.load %arg20[%get3A_107, %get3A_108] : memref<1x128xf32, #tpu.memory_space<vmem>>, vector<1x128xf32>
    %sub3A_110 = arith.subf %get3A_106, %get3A_109 : vector<1x128xf32>
    %mul3A_111 = arith.mulf %sub3A_110, %mul3A_98 : vector<1x128xf32>
    %get3A_112 = arith.constant 0 : index
    %get3A_113 = arith.constant 0 : index
    %get3A_114 = vector.load %arg19[%get3A_112, %get3A_113] : memref<1x128xf32, #tpu.memory_space<vmem>>, vector<1x128xf32>
    %add3A_115 = arith.addf %mul3A_111, %get3A_114 : vector<1x128xf32>
    %get3A_116 = arith.constant 0 : index
    %get3A_117 = arith.constant 0 : index
    %get3A_118 = vector.load %arg14[%get3A_116, %get3A_117] : memref<128x128xf32, #tpu.memory_space<vmem>>, vector<128x128xf32>
    %dot_general3A_119 = arith.constant dense<0.000000e+00> : vector<2000x128xf32>
    %dot_general3A_120 = tpu.matmul %add3A_87, %get3A_118, %dot_general3A_119 {dimension_numbers = #tpu.dot_dimension_numbers<[1], [0], [0], [1], [0, 0, 1, 1], [], []>, transpose_lhs_hint = false} : vector<2000x128xf32>, vector<128x128xf32>, vector<2000x128xf32> -> vector<2000x128xf32>
    %get3A_121 = arith.constant 0 : index
    %get3A_122 = arith.constant 0 : index
    %get3A_123 = vector.load %arg15[%get3A_121, %get3A_122] : memref<1x128xf32, #tpu.memory_space<vmem>>, vector<1x128xf32>
    %add3A_124 = vector.broadcast %get3A_123 : vector<1x128xf32> to vector<2000x128xf32>
    %add3A_125 = arith.addf %dot_general3A_120, %add3A_124 : vector<2000x128xf32>
    %max3A_126 = arith.constant 0.000000e+00 : f32
    %max3A_127 = vector.broadcast %max3A_126 : f32 to vector<2000x128xf32>
    %max3A_128 = arith.maximumf %add3A_125, %max3A_127 : vector<2000x128xf32>
    %abs3A_129 = math.absf %add3A_125 : vector<2000x128xf32>
    %neg3A_130 = arith.constant 0.000000e+00 : f32
    %neg3A_131 = vector.broadcast %neg3A_130 : f32 to vector<2000x128xf32>
    %neg3A_132 = arith.subf %neg3A_131, %abs3A_129 : vector<2000x128xf32>
    %exp3A_133 = math.exp %neg3A_132 : vector<2000x128xf32>
    %log1p3A_134 = math.log1p %exp3A_133 : vector<2000x128xf32>
    %add3A_135 = arith.addf %max3A_128, %log1p3A_134 : vector<2000x128xf32>
    %dot_general3A_136 = arith.constant dense<0.000000e+00> : vector<2000x128xf32>
    %dot_general3A_137 = tpu.matmul %add3A_135, %mul3A_103, %dot_general3A_136 {dimension_numbers = #tpu.dot_dimension_numbers<[1], [0], [0], [1], [0, 0, 1, 1], [], []>, transpose_lhs_hint = false} : vector<2000x128xf32>, vector<128x128xf32>, vector<2000x128xf32> -> vector<2000x128xf32>
    %add3A_138 = arith.addf %add3A_87, %dot_general3A_137 : vector<2000x128xf32>
    %add3A_139 = vector.broadcast %add3A_115 : vector<1x128xf32> to vector<2000x128xf32>
    %add3A_140 = arith.addf %add3A_138, %add3A_139 : vector<2000x128xf32>
    %add3A_141 = arith.addf %add3A_140, %add3A_37 : vector<2000x128xf32>
    %swap3A = arith.constant 0 : index
    %swap3A_142 = arith.constant 0 : index
    %swap3A_143 = vector.load %arg22[%swap3A, %swap3A_142] : memref<2000x128xf32, #tpu.memory_space<vmem>>, vector<2000x128xf32>
    tpu.vector_store %arg22[%swap3A, %swap3A_142], %add3A_141 {strides = array<i32>} : memref<2000x128xf32, #tpu.memory_space<vmem>>, vector<2000x128xf32>,
    return
  }
  func.func @transform_0(%arg0: i32) -> (i32, i32) {
    %c0_i32 = arith.constant 0 : i32
    %c0_i32_0 = arith.constant 0 : i32
    return %arg0, %c0_i32 : i32, i32
  }
  func.func @transform_1(%arg0: i32) -> (i32, i32, i32) {
    %c0_i32 = arith.constant 0 : i32
    %c0_i32_0 = arith.constant 0 : i32
    %c0_i32_1 = arith.constant 0 : i32
    return %c0_i32, %arg0, %c0_i32_0 : i32, i32, i32
  }
  func.func @transform_2(%arg0: i32) -> (i32, i32) {
    %c0_i32 = arith.constant 0 : i32
    %c0_i32_0 = arith.constant 0 : i32
    %c0_i32_1 = arith.constant 0 : i32
    return %c0_i32, %c0_i32_0 : i32, i32
  }
  func.func @transform_3(%arg0: i32) -> (i32, i32) {
    %c0_i32 = arith.constant 0 : i32
    %c0_i32_0 = arith.constant 0 : i32
    %c0_i32_1 = arith.constant 0 : i32
    return %c0_i32, %c0_i32_0 : i32, i32
  }
  func.func @transform_4(%arg0: i32) -> (i32, i32) {
    %c0_i32 = arith.constant 0 : i32
    %c0_i32_0 = arith.constant 0 : i32
    %c0_i32_1 = arith.constant 0 : i32
    return %c0_i32, %c0_i32_0 : i32, i32
  }
  func.func @transform_5(%arg0: i32) -> (i32, i32) {
    %c0_i32 = arith.constant 0 : i32
    %c0_i32_0 = arith.constant 0 : i32
    %c0_i32_1 = arith.constant 0 : i32
    return %c0_i32, %c0_i32_0 : i32, i32
  }
  func.func @transform_6(%arg0: i32) -> (i32, i32) {
    %c0_i32 = arith.constant 0 : i32
    %c0_i32_0 = arith.constant 0 : i32
    %c0_i32_1 = arith.constant 0 : i32
    return %c0_i32, %c0_i32_0 : i32, i32
  }
  func.func @transform_7(%arg0: i32) -> (i32, i32) {
    %c0_i32 = arith.constant 0 : i32
    %c0_i32_0 = arith.constant 0 : i32
    %c0_i32_1 = arith.constant 0 : i32
    return %c0_i32, %c0_i32_0 : i32, i32
  }
  func.func @transform_8(%arg0: i32) -> (i32, i32) {
    %c0_i32 = arith.constant 0 : i32
    %c0_i32_0 = arith.constant 0 : i32
    %c0_i32_1 = arith.constant 0 : i32
    return %c0_i32, %c0_i32_0 : i32, i32
  }
  func.func @transform_9(%arg0: i32) -> (i32, i32) {
    %c0_i32 = arith.constant 0 : i32
    %c0_i32_0 = arith.constant 0 : i32
    %c0_i32_1 = arith.constant 0 : i32
    return %c0_i32, %c0_i32_0 : i32, i32
  }
  func.func @transform_10(%arg0: i32) -> (i32, i32) {
    %c0_i32 = arith.constant 0 : i32
    %c0_i32_0 = arith.constant 0 : i32
    %c0_i32_1 = arith.constant 0 : i32
    return %c0_i32, %c0_i32_0 : i32, i32
  }
  func.func @transform_11(%arg0: i32) -> (i32, i32) {
    %c0_i32 = arith.constant 0 : i32
    %c0_i32_0 = arith.constant 0 : i32
    %c0_i32_1 = arith.constant 0 : i32
    return %c0_i32, %c0_i32_0 : i32, i32
  }
  func.func @transform_12(%arg0: i32) -> (i32, i32) {
    %c0_i32 = arith.constant 0 : i32
    %c0_i32_0 = arith.constant 0 : i32
    %c0_i32_1 = arith.constant 0 : i32
    return %c0_i32, %c0_i32_0 : i32, i32
  }
  func.func @transform_13(%arg0: i32) -> (i32, i32) {
    %c0_i32 = arith.constant 0 : i32
    %c0_i32_0 = arith.constant 0 : i32
    %c0_i32_1 = arith.constant 0 : i32
    return %c0_i32, %c0_i32_0 : i32, i32
  }
  func.func @transform_14(%arg0: i32) -> (i32, i32) {
    %c0_i32 = arith.constant 0 : i32
    %c0_i32_0 = arith.constant 0 : i32
    %c0_i32_1 = arith.constant 0 : i32
    return %c0_i32, %c0_i32_0 : i32, i32
  }
  func.func @transform_15(%arg0: i32) -> (i32, i32) {
    %c0_i32 = arith.constant 0 : i32
    %c0_i32_0 = arith.constant 0 : i32
    %c0_i32_1 = arith.constant 0 : i32
    return %c0_i32, %c0_i32_0 : i32, i32
  }
  func.func @transform_16(%arg0: i32) -> (i32, i32) {
    %c0_i32 = arith.constant 0 : i32
    %c0_i32_0 = arith.constant 0 : i32
    %c0_i32_1 = arith.constant 0 : i32
    return %c0_i32, %c0_i32_0 : i32, i32
  }
  func.func @transform_17(%arg0: i32) -> (i32, i32) {
    %c0_i32 = arith.constant 0 : i32
    %c0_i32_0 = arith.constant 0 : i32
    %c0_i32_1 = arith.constant 0 : i32
    return %c0_i32, %c0_i32_0 : i32, i32
  }
  func.func @transform_18(%arg0: i32) -> (i32, i32) {
    %c0_i32 = arith.constant 0 : i32
    %c0_i32_0 = arith.constant 0 : i32
    %c0_i32_1 = arith.constant 0 : i32
    return %c0_i32, %c0_i32_0 : i32, i32
  }
  func.func @transform_19(%arg0: i32) -> (i32, i32) {
    %c0_i32 = arith.constant 0 : i32
    %c0_i32_0 = arith.constant 0 : i32
    %c0_i32_1 = arith.constant 0 : i32
    return %c0_i32, %c0_i32_0 : i32, i32
  }
  func.func @transform_20(%arg0: i32) -> (i32, i32) {
    %c0_i32 = arith.constant 0 : i32
    %c0_i32_0 = arith.constant 0 : i32
    %c0_i32_1 = arith.constant 0 : i32
    return %c0_i32, %c0_i32_0 : i32, i32
  }
  func.func @transform_21(%arg0: i32) -> (i32, i32) {
    %c0_i32 = arith.constant 0 : i32
    %c0_i32_0 = arith.constant 0 : i32
    return %arg0, %c0_i32 : i32, i32
  }
}

</mosaic_0001>

<sc_bundles>
// kernel: kernel.4.cloned.1.call-start
scs
__scs_entry_jumppad:
0x0: {  	(pc) =	sbr.rel $0x88, $3  }
0x1: {  	(tag) =	ssettag $0x0;
	lr =	simm.s32 $0x1  }
0x2: {  	[smem:$0x3F8B] =	sst lr;
	_ =	strace $0xD0000000  }
0x3: {  	_ = 	snop  }
0x4: {  	_ = 	snop  }
0x5: {  	_ = 	snop  }
0x6: {  	_ = 	snop  }
0x7: {  	_ = 	snop  }
__scs_overlays_trampoline_lowered:
0x8: {  	[smem:$0x3F9A] =	sst s0  }
0x9: {  	[smem:$0x3F9B] =	sst s1  }
0xa: {  	[smem:$0x3F9C] =	sst s2  }
0xb: {  	[smem:$0x3F9D] =	sst s3  }
0xc: {  	[smem:$0x3F9E] =	sst s4  }
0xd: {  	[smem:$0x3F9F] =	sst s5  }
0xe: {  	[smem:$0x3FA0] =	sst s6  }
0xf: {  	[smem:$0x3FA1] =	sst s7  }
0x10: {  	[smem:$0x3FA2] =	sst s8  }
0x11: {  	[smem:$0x3FA3] =	sst s9;
	s0 =	simm.s32 @!p0 $0x0  }
0x12: {  	s1 =	sld [smem:$0x3F89];
	s0 =	simm.s32 @p0 $0x1  }
0x13: {  	[smem:$0x3FA4] =	sst s0;
	s0 =	simm.s32 @!p1 $0x0  }
0x14: {  	s2 =	sld [smem:$0x3F88];
	s0 =	simm.s32 @p1 $0x1  }
0x15: {  	[smem:$0x3FA5] =	sst s0;
	s0 =	simm.s32 @!p2 $0x0  }
0x16: {  	s3 =	sld [smem:$0x3FDB];
	s0 =	simm.s32 @p2 $0x1  }
0x17: {  	s4 =	simm.s32 $0x1BF5;
	[smem:$0x3FA7] =	sst s0  }
0x18: {  	s0 =	sld [smem:$0x3F8A];
	_ =	swait.ge [sflag:s4], $0x0  }
0x19: {  	s7 =	sld [smem:$0x3F8B]  }
0x1a: {  	s8 =	sadd.s32 $0xFFFFE003, lr  }
0x1b: {  	s9 =	sadd.s32 $0xFFFFFEF7, lr;
	s5 =	simm.s32 $0xFFFFFFFF;
	p2 =	slt.u32 s8, $0xFFFFF086  }
0x1c: {  	p1 =	slt.u32 s9, $0xF7A;
	s5 =	simm.s32 @!p2 $0x0  }
0x1d: {  	s5 =	simm.s32 @p1 $0x1;
	p0 =	seq.s32 s7, s2  }
0x1e: {  	s7 =	smul.u32 @!p0 $0xF7A, s2;
	p2 =	seq.s32 @!p0 s5, $0x0  }
0x1f: {  	s9 =	smul.u32 $0xF7A, s1;
	s8 =	simm.s32 @!p0 $0x1BF5;
	p2 =	por !p2, p0  }
0x20: {  	[sflag:s8] =	ssyncset.s32 @!p0 $0xFFFFF086;
	s6 =	sadd.s32 @!p0 s3, s7;
	s7 =	simm.s32 @!p0 $0x108  }
0x21: {  	s3 =	sadd.s32 s3, s9;
	s6 =	sadd.s32 @!p0 $0x88, s6;
	s7 =	simm.s32 @p2 $0x1082  }
0x22: {  	[simem:s7], [sflag:s8] =	dma.local @!p0 [hbm:s6], $0xF7A  }
0x23: {  	s9 =	sor.u32 $0xD0000000, s2;
	s6 =	simm.s32 $0x108;
	_ =	swait.ge @!p0 [sflag:s8], $0x0  }
0x24: {  	s3 =	sadd.s32 $0x88, s3;
	s6 =	simm.s32 @!p1 $0x1082;
	[sflag:s4] =	ssyncset.s32 $0xFFFFF086  }
0x25: {  	[simem:s6], [sflag:s4] =	dma.local [hbm:s3], $0xF7A  }
0x26: {  	[smem:$0x3F8B] =	sst s1;
	(tag) =	ssettag s2;
	_ =	strace s9  }
0x27: {  	s1 =	sld [smem:$0x3F9B]  }
0x28: {  	s2 =	sld [smem:$0x3F9C]  }
0x29: {  	s4 =	sld [smem:$0x3F9E]  }
0x2a: {  	p0 =	seq.s32 s5, $0x0;
	s5 =	sld [smem:$0x3F9F]  }
0x2b: {  	s6 =	sld [smem:$0x3FA0]  }
0x2c: {  	s7 =	sld [smem:$0x3FA1]  }
0x2d: {  	s3 =	simm.s32 $0x108;
	s8 =	sld [smem:$0x3FA2]  }
0x2e: {  	s3 =	simm.s32 @!p0 $0x1082;
	s9 =	sld [smem:$0x3FA3]  }
0x2f: {  	lr =	sadd.s32 s0, s3;
	s0 =	sld [smem:$0x3F9A]  }
0x30: {  	s3 =	sld [smem:$0x3F9D]  }
0x31: {  	[smem:$0x3FA6] =	sst s10  }
0x32: {  	s10 =	sld [smem:$0x3FA4];
	_ =	sdelay $0x3  }
0x33: {  	p0 =	seq.s32 s10, $0x1;
	s10 =	sld [smem:$0x3FA6];
	_ =	sdelay $0x3  }
0x34: {  	[smem:$0x3FA6] =	sst s10  }
0x35: {  	s10 =	sld [smem:$0x3FA5];
	_ =	sdelay $0x3  }
0x36: {  	p1 =	seq.s32 s10, $0x1;
	s10 =	sld [smem:$0x3FA6];
	_ =	sdelay $0x3  }
0x37: {  	[smem:$0x3FA6] =	sst s10  }
0x38: {  	s10 =	sld [smem:$0x3FA7]  }
0x39: {  	_ = 	snop;
	(pc) =	sbr.ind lr, $3  }
0x3a: {  	_ = 	snop  }
0x3b: {  	_ = 	snop  }
0x3c: {  	p2 =	seq.s32 s10, $0x1;
	s10 =	sld [smem:$0x3FA6]  }
0x3d: {  	_ =	shalt  }
0x3e: {  	_ =	shalt  }
0x3f: {  	_ =	shalt  }
0x40: {  	_ =	shalt  }
0x41: {  	_ =	shalt  }
0x42: {  	_ =	shalt  }
0x43: {  	_ =	shalt  }
0x44: {  	_ =	shalt  }
0x45: {  	_ =	shalt  }
0x46: {  	_ =	shalt  }
0x47: {  	_ =	shalt  }
0x48: {  	_ =	shalt  }
0x49: {  	_ =	shalt  }
0x4a: {  	_ =	shalt  }
0x4b: {  	_ =	shalt  }
0x4c: {  	_ =	shalt  }
0x4d: {  	_ =	shalt  }
0x4e: {  	_ =	shalt  }
0x4f: {  	_ =	shalt  }
0x50: {  	_ =	shalt  }
0x51: {  	_ =	shalt  }
0x52: {  	_ =	shalt  }
0x53: {  	_ =	shalt  }
0x54: {  	_ =	shalt  }
0x55: {  	_ =	shalt  }
0x56: {  	_ =	shalt  }
0x57: {  	_ =	shalt  }
0x58: {  	_ =	shalt  }
0x59: {  	_ =	shalt  }
0x5a: {  	_ =	shalt  }
0x5b: {  	_ =	shalt  }
0x5c: {  	_ =	shalt  }
0x5d: {  	_ =	shalt  }
0x5e: {  	_ =	shalt  }
0x5f: {  	_ =	shalt  }
0x60: {  	_ =	shalt  }
0x61: {  	_ =	shalt  }
0x62: {  	_ =	shalt  }
0x63: {  	_ =	shalt  }
0x64: {  	_ =	shalt  }
0x65: {  	_ =	shalt  }
0x66: {  	_ =	shalt  }
0x67: {  	_ =	shalt  }
0x68: {  	_ =	shalt  }
0x69: {  	_ =	shalt  }
0x6a: {  	_ =	shalt  }
0x6b: {  	_ =	shalt  }
0x6c: {  	_ =	shalt  }
0x6d: {  	_ =	shalt  }
0x6e: {  	_ =	shalt  }
0x6f: {  	_ =	shalt  }
0x70: {  	_ =	shalt  }
0x71: {  	_ =	shalt  }
0x72: {  	_ =	shalt  }
0x73: {  	_ =	shalt  }
0x74: {  	_ =	shalt  }
0x75: {  	_ =	shalt  }
0x76: {  	_ =	shalt  }
0x77: {  	_ =	shalt  }
0x78: {  	_ =	shalt  }
0x79: {  	_ =	shalt  }
0x7a: {  	_ =	shalt  }
0x7b: {  	_ =	shalt  }
0x7c: {  	_ =	shalt  }
0x7d: {  	_ =	shalt  }
0x7e: {  	_ =	shalt  }
0x7f: {  	_ =	shalt  }
0x80: {  	_ =	shalt  }
0x81: {  	_ =	shalt  }
0x82: {  	_ =	shalt  }
0x83: {  	_ =	shalt  }
0x84: {  	_ =	shalt  }
0x85: {  	_ =	shalt  }
0x86: {  	_ =	shalt  }
0x87: {  	_ =	shalt  }
.Lfunc_end0:
.L_simem_size_0:
called_computation_lowered:
.L_overlay_start_0:
0x88: {  	s2 =	sld [smem:$0x3FD9]  }
0x89: {  	s3 =	sld [smem:$0x3FFE];
	_ =	sdelay $0x1  }
0x8a: {  	s1 =	srdreg.scid  }
0x8b: {  	s0 =	sand.u32 $0x1, s1  }
0x8c: {  	s17 =	sshll.u32 s0, $0xA;
	s2 =	sadd.s32 s3, s2  }
0x8d: {  	s2 =	sadd.s32 s2, s17  }
0x8e: {  	[smem:$0x3FB2] =	sst s2  }
0x8f: {  	_ = 	snop  }
0x90: {  	s2 =	sld [smem:$0x3FC8]  }
0x91: {  	s18 =	sld [smem:$0x3FC7];
	(tm) =	ssettm $0x1  }
0x92: {  	s4 =	sld [smem:$0x3FFB];
	_ =	sdelay $0x3  }
0x93: {  	_ =	strace s4  }
0x94: {  	s4 =	sld [smem:$0x3FFC];
	_ =	sdelay $0x3  }
0x95: {  	_ =	strace s4  }
0x96: {  	s4 =	sld [smem:$0x3FFD];
	_ =	sdelay $0x3  }
0x97: {  	_ =	strace s4  }
0x98: {  	_ =	strace $0x8FFFFFFF  }
0x99: {  	s19 =	sld [smem:$0x3FDB];
	_ =	sdelay $0x1  }
0x9a: {  	s5 =	simm.s32 $_scs_section_size  }
0x9b: {  	s6 =	simm.s32 $_size__tile_overlayer_lowered;
	s7 =	simm.s32 $_tile_overlayer_lowered  }
0x9c: {  	s22 =	simm.s32 $0x1BFF;
	s21 =	sshll.u32 s7, $0x1;
	s4 =	sadd.s32 s5, s19  }
0x9d: {  	s8 =	simm.s32 $0x0;
	s20 =	sshll.u32 s6, $0x1;
	s6 =	sadd.s32 s21, s4  }
0x9e: {  	[timem:s8], [sflag:s22] =	dma.local [hbm:s6], s20  }
0x9f: {  	_ =	swait.ge [sflag:s22], s20  }
0xa0: {  	s5 =	ssub.s32 $0x0, s20;
	[sflag:s22] =	ssyncset.done $0x0  }
0xa1: {  	[sflag:s22] =	ssyncadd.s32 s5;
	_ =	sdelay $0x1  }
0xa2: {  	s23 =	simm.s32 $0x1B8B  }
0xa3: {  	_ =	swait.ge [sflag:s23], $0x1  }
0xa4: {  	[sflag:s23] =	ssyncset.done $0x0  }
0xa5: {  	s25 =	simm.s32 $0x1B8E;
	s24 =	sld [smem:$0x3FFE];
	[sflag:s23] =	ssyncadd.s32 $0xFFFFFFFF  }
0xa6: {  	s26 =	simm.s32 $execute0_lowered;
	[smem:$0x3FD2] =	sst s25  }
0xa7: {  	s6 =	sshll.u32 s26, $0x1;
	_ =	strace $0x80000046;
	[dreg:$0x1] =	wrdreg $0xFFFFFFFF  }
0xa8: {  	s28 =	simm.s32 $_size_execute0_lowered;
	s4 =	sadd.s32 s4, s6;
	[dreg:$0x0] =	wrdreg $0x0  }
0xa9: {  	s6 =	sshll.u32 s28, $0x1;
	[dreg:$0x2] =	wrdreg s4  }
0xaa: {  	[dreg:$0x3] =	wrdreg s6  }
0xab: {  	[dreg:$0x4] =	wrdreg $0xC0  }
0xac: {  	_ =	task [dreg:s8], $0x5FFFF  }
0xad: {  	[dreg:$0x1] =	wrdreg $0xFFFFFFFF  }
0xae: {  	[dreg:$0x0] =	wrdreg $0x60  }
0xaf: {  	[dreg:$0x2] =	wrdreg s2  }
0xb0: {  	[dreg:$0x3] =	wrdreg s18  }
0xb1: {  	[dreg:$0x4] =	wrdreg s24  }
0xb2: {  	[dreg:$0x5] =	wrdreg $0xB0000  }
0xb3: {  	[dreg:$0x6] =	wrdreg $0x9  }
0xb4: {  	_ =	task.clear_ibuf [dreg:s8], $0x7FFFF;
	_ =	strace $0x90000046  }
0xb5: {  	s29 =	simm.s32 $0x9;
	_ =	strace $0x80000048  }
0xb6: {  	_ =	swait.ge [sflag:s29], $0x1  }
0xb7: {  	[sflag:s29] =	ssyncadd.s32 $0xFFFFFFFF  }
0xb8: {  	_ =	strace $0x90000048  }
0xb9: {  	_ =	sfence  }
0xba: {  	s30 =	sld [smem:$0x0];
	_ =	sdelay $0x2  }
0xbb: {  	s31 =	sshll.u32 s1, $0xD;
	s1 =	sshrl.u32 s1, $0x2  }
0xbc: {  	s3 =	sand.u32 $0x4000, s31;
	s1 =	sadd.s32 s1, s30  }
0xbd: {  	s0 =	sor.u32 s3, s0;
	s1 =	sshll.u32 s1, $0x11  }
0xbe: {  	s0 =	sor.u32 s1, s0  }
0xbf: {  	s0 =	sadd.s32 $0x8F2B, s0  }
0xc0: {  	[sflag:s0] =	ssyncadd.remote.s32 $0x1  }
0xc1: {  	_ =	sfence.sel $0xFFFF  }
0xc2: {  	[dreg:$0x0] =	wrdreg $0xFFFFFFFF;
	(pc) =	sbr.abs _section_cstart, $3  }
0xc3: {  	[dreg:$0x1] =	wrdreg $0xFFFFFFFF  }
0xc4: {  	_ =	task.clear_ibuf [dreg:s8], $0x2FFFF;
	_ =	strace $0x9FFFFFFF  }
0xc5: {  	(tm) =	ssettm $0x7FFFFFFF  }
tec
execute0_lowered:
.L_overlay_start_1:
0x0: {  	(tag) =	ssettag $0x1  }
0x1: {  	s0 =	rddreg [dreg:$0x0]  }
0x2: {  	s3 =	rddreg [dreg:$0x1]  }
0x3: {  	s4 =	rddreg [dreg:$0x2]  }
0x4: {  	s1 =	rddreg [dreg:$0x3]  }
0x5: {  	s2 =	simm.s32 $0x0;
	s5 =	srdreg.scid;
	s14 =	stileid.u32  }
0x6: {  	[smem:$0x7FF] =	sst s2;
	s6 =	sand.u32 $0x1, s5;
	s9 =	smul.u32 $0x4E000, s14  }
0x7: {  	s4 =	sadd.s32 $0x2E00, s4;
	s16 =	smul.u32 $0x2700, s14;
	s19 =	sshll.u32 s14, $0x5  }
0x8: {  	p2 =	sne.s32 s14, $0xF;
	_ =	strace $0x80000047;
	s31 =	smul.u32 $0x27100, s6  }
0x9: {  	s5 =	ssub.s32 $0x2, s6;
	s7 =	sshll.u32 s6, $0x4;
	s18 =	smul.u32 $0x138800, s6  }
0xa: {  	s8 =	sshrl.u32 s5, $0x1;
	s7 =	sor.u32 s14, s7;
	s9 =	sshrl.u32 s9, $0x2  }
0xb: {  	s8 =	ssub.s32 s5, s8;
	s24 =	sshll.u32 s7, $0x5;
	s10 =	sshll.u32 s7, $0xB  }
0xc: {  	s5 =	sadd.s32 s9, s1;
	s9 =	sadd.s32 s16, s31;
	s20 =	sshrl.u32 s18, $0x3  }
0xd: {  	s21 =	sor.u32 $0x9C0, s7;
	s11 =	sadd.s32 s24, s0;
	s9 =	sadd.s32 s4, s9  }
0xe: {  	s15 =	sadd.s32 s3, s10;
	s0 =	sadd.s32 s19, s0;
	[dreg:$0xe] =	wrdreg s9  }
0xf: {  	s4 =	sadd.s32 s4, s20;
	s19 =	sadd.s32 $0x800, s5;
	[dreg:$0x5] =	wrdreg s15  }
0x10: {  	s23 =	sshll.u32 s21, $0xB;
	s20 =	sadd.s32 $0x1000, s5;
	[dreg:$0x1a] =	wrdreg s19  }
0x11: {  	p1 =	sgt.u32 s21, $0x9C3;
	s21 =	sadd.s32 $0x1800, s5;
	[dreg:$0x1b] =	wrdreg s20  }
0x12: {  	p0 =	sgt.u32 s7, $0x3;
	s7 =	sadd.s32 $0x6000, s5;
	[dreg:$0x1c] =	wrdreg s21  }
0x13: {  	s24 =	sshll.u32 s14, $0xB;
	s14 =	sadd.s32 $0x9800, s5;
	[smem:$0x7EA] =	sst s7  }
0x14: {  	s25 =	sadd.s32 $0x10000, s11;
	[smem:$0x7F1] =	sst s14  }
0x15: {  	s26 =	sadd.s32 $0x10400, s11;
	[dreg:$0x6] =	wrdreg s25  }
0x16: {  	s30 =	sadd.s32 $0x10800, s11;
	[dreg:$0x7] =	wrdreg s26  }
0x17: {  	s12 =	sadd.s32 $0x10C00, s11;
	[dreg:$0x8] =	wrdreg s30  }
0x18: {  	s13 =	sadd.s32 $0x11000, s11;
	[dreg:$0x9] =	wrdreg s12  }
0x19: {  	s22 =	sshll.u32 s6, $0xF;
	s17 =	sadd.s32 $0x11800, s11;
	[dreg:$0xa] =	wrdreg s13  }
0x1a: {  	s10 =	sadd.s32 s22, s3;
	s3 =	sadd.s32 s3, s23;
	[dreg:$0xc] =	wrdreg s17  }
0x1b: {  	s6 =	sshll.u32 s6, $0x9;
	s31 =	sadd.s32 $0x12800, s11;
	[dreg:$0xf] =	wrdreg s3  }
0x1c: {  	s22 =	sadd.s32 s6, s0;
	s0 =	sadd.s32 $0x13800, s0;
	[dreg:$0x12] =	wrdreg s31  }
0x1d: {  	s16 =	sadd.s32 $0x27000, s4;
	[dreg:$0x16] =	wrdreg s0  }
0x1e: {  	s18 =	sadd.s32 $0x10000, s15;
	[dreg:$0x17] =	wrdreg s16  }
0x1f: {  	s23 =	sadd.s32 $0x2000, s5;
	[dreg:$0x19] =	wrdreg s18  }
0x20: {  	s4 =	sadd.s32 $0x5000, s5;
	[dreg:$0x1d] =	wrdreg s23  }
0x21: {  	s6 =	sadd.s32 $0x5800, s5;
	[smem:$0x7E8] =	sst s4  }
0x22: {  	s9 =	sadd.s32 $0x7000, s5;
	[smem:$0x7E9] =	sst s6  }
0x23: {  	s15 =	sadd.s32 $0xA000, s5;
	[smem:$0x7EC] =	sst s9  }
0x24: {  	s19 =	sadd.s32 $0xC000, s5;
	[smem:$0x7F2] =	sst s15  }
0x25: {  	s20 =	sadd.s32 $0xC800, s5;
	[smem:$0x7F6] =	sst s19  }
0x26: {  	s21 =	sadd.s32 $0xD000, s5;
	[smem:$0x7F7] =	sst s20  }
0x27: {  	s12 =	sadd.s32 $0x11400, s11;
	[smem:$0x7F8] =	sst s21  }
0x28: {  	s13 =	sadd.s32 $0x11C00, s11;
	[dreg:$0xb] =	wrdreg s12  }
0x29: {  	s25 =	sadd.s32 $0x12000, s11;
	[dreg:$0xd] =	wrdreg s13  }
0x2a: {  	s30 =	sadd.s32 $0x12400, s11;
	[dreg:$0x10] =	wrdreg s25  }
0x2b: {  	s26 =	sadd.s32 s24, s10;
	s10 =	sadd.s32 $0x12C00, s11;
	[dreg:$0x11] =	wrdreg s30  }
0x2c: {  	s17 =	smax.u32 s8, $0x1;
	[dreg:$0x13] =	wrdreg s10  }
0x2d: {  	s24 =	sadd.s32 $0x2800, s5;
	[dreg:$0x18] =	wrdreg s17  }
0x2e: {  	s31 =	sadd.s32 $0x4000, s5;
	[dreg:$0x1e] =	wrdreg s24  }
0x2f: {  	s3 =	sadd.s32 $0x4800, s5;
	[smem:$0x7E6] =	sst s31  }
0x30: {  	s8 =	sadd.s32 $0x6800, s5;
	[smem:$0x7E7] =	sst s3  }
0x31: {  	s28 =	simm.s32 $0x0;
	s16 =	sadd.s32 $0xA800, s5;
	[smem:$0x7EB] =	sst s8  }
0x32: {  	s29 =	sadd.s32 $0x138000, s1;
	s18 =	sadd.s32 $0xB800, s5;
	[smem:$0x7F3] =	sst s16  }
0x33: {  	s14 =	sadd.s32 $0x13000, s5;
	s23 =	sadd.s32 $0xD800, s5;
	[smem:$0x7F5] =	sst s18  }
0x34: {  	s9 =	sadd.s32 $0x10800, s5;
	s12 =	sadd.s32 $0x13000, s11;
	[smem:$0x7F9] =	sst s23  }
0x35: {  	s15 =	simm.s32 $0x2800;
	s13 =	sadd.s32 $0x13400, s11;
	[dreg:$0x14] =	wrdreg s12  }
0x36: {  	s4 =	simm.s32 $0xA800;
	s25 =	sadd.s32 $0x3000, s5;
	[dreg:$0x15] =	wrdreg s13  }
0x37: {  	s19 =	simm.s32 $0x2680;
	s30 =	sadd.s32 $0x3800, s5;
	[dreg:$0x1f] =	wrdreg s25  }
0x38: {  	s20 =	simm.s32 $0x3;
	s10 =	sadd.s32 $0x7800, s5;
	[smem:$0x7E5] =	sst s30  }
0x39: {  	s21 =	simm.s32 $0x1;
	s11 =	sadd.s32 $0x8000, s5;
	[smem:$0x7ED] =	sst s10  }
0x3a: {  	s26 =	sadd.s32 $0x30000, s26;
	s17 =	sadd.s32 $0xB000, s5;
	[smem:$0x7EE] =	sst s11  }
0x3b: {  	s24 =	sadd.s32 $0xE000, s5;
	s31 =	sadd.s32 $0xF800, s5;
	[smem:$0x7F4] =	sst s17  }
0x3c: {  	s8 =	sadd.s32 $0x10000, s5;
	s16 =	simm.s32 $0x6800;
	[smem:$0x7FA] =	sst s24  }
0x3d: {  	s18 =	simm.s32 $0x2600;
	s12 =	sadd.s32 $0x8800, s5;
	[smem:$0x7FD] =	sst s31  }
0x3e: {  	s23 =	simm.s32 $0x80;
	s13 =	sadd.s32 $0x9000, s5;
	[smem:$0x7EF] =	sst s12  }
0x3f: {  	s25 =	sadd.s32 $0xE800, s5;
	s30 =	sadd.s32 $0xF000, s5;
	[smem:$0x7F0] =	sst s13  }
0x40: {  	s10 =	sadd.s32 $0x11000, s5;
	s11 =	sadd.s32 $0x11800, s5;
	[smem:$0x7FB] =	sst s25  }
0x41: {  	s17 =	simm.s32 $0x4;
	s24 =	simm.s32 $0x5;
	[smem:$0x7FC] =	sst s30  }
0x42: {  	v0 =	vimm.f32 $0.0e+00;
	s12 =	sadd.s32 $0x12000, s5;
	s13 =	sadd.s32 $0x12800, s5;
	s25 =	simm.s32 $0x2  }
.LBB2_1:
0x43: {  	s0 =	rddreg [dreg:$0x5]  }
0x44: {  	[tilespmem:s15], [sflag:$0x1] =	stream.linear.gather [hbm4b:s0+s2], $0x4000, $0x38;
	[tilespmem:$0x1E880] =	vst v63  }
0x45: {  	s7 =	rddreg [dreg:$0x19]  }
0x46: {  	[tilespmem:s16], [sflag:$0x2] =	stream.linear.gather [hbm4b:s7+s2], $0x4000, $0x38;
	[tilespmem:$0x1E880] =	vst v63  }
0x47: {  	[tilespmem:$0xA800] =	vst v0  }
0x48: {  	[tilespmem:$0xA810] =	vst v0  }
0x49: {  	[tilespmem:$0xA820] =	vst v0  }
0x4a: {  	[tilespmem:$0xA830] =	vst v0  }
0x4b: {  	[tilespmem:$0xA840] =	vst v0  }
0x4c: {  	[tilespmem:$0xA850] =	vst v0  }
0x4d: {  	[tilespmem:$0xA860] =	vst v0  }
0x4e: {  	[tilespmem:$0xA870] =	vst v0  }
0x4f: {  	[tilespmem:$0xA880] =	vst v0  }
0x50: {  	[tilespmem:$0xA890] =	vst v0  }
0x51: {  	[tilespmem:$0xA8A0] =	vst v0  }
0x52: {  	[tilespmem:$0xA8B0] =	vst v0  }
0x53: {  	[tilespmem:$0xA8C0] =	vst v0  }
0x54: {  	[tilespmem:$0xA8D0] =	vst v0  }
0x55: {  	[tilespmem:$0xA8E0] =	vst v0  }
0x56: {  	[tilespmem:$0xA8F0] =	vst v0  }
0x57: {  	[tilespmem:$0xA900] =	vst v0  }
0x58: {  	[tilespmem:$0xA910] =	vst v0  }
0x59: {  	[tilespmem:$0xA920] =	vst v0  }
0x5a: {  	[tilespmem:$0xA930] =	vst v0  }
0x5b: {  	[tilespmem:$0xA940] =	vst v0  }
0x5c: {  	[tilespmem:$0xA950] =	vst v0  }
0x5d: {  	[tilespmem:$0xA960] =	vst v0  }
0x5e: {  	[tilespmem:$0xA970] =	vst v0  }
0x5f: {  	[tilespmem:$0xA980] =	vst v0  }
0x60: {  	[tilespmem:$0xA990] =	vst v0  }
0x61: {  	[tilespmem:$0xA9A0] =	vst v0  }
0x62: {  	[tilespmem:$0xA9B0] =	vst v0  }
0x63: {  	[tilespmem:$0xA9C0] =	vst v0  }
0x64: {  	[tilespmem:$0xA9D0] =	vst v0  }
0x65: {  	[tilespmem:$0xA9E0] =	vst v0  }
0x66: {  	[tilespmem:$0xA9F0] =	vst v0  }
0x67: {  	[tilespmem:$0xAA00] =	vst v0  }
0x68: {  	[tilespmem:$0xAA10] =	vst v0  }
0x69: {  	[tilespmem:$0xAA20] =	vst v0  }
0x6a: {  	[tilespmem:$0xAA30] =	vst v0  }
0x6b: {  	[tilespmem:$0xAA40] =	vst v0  }
0x6c: {  	[tilespmem:$0xAA50] =	vst v0  }
0x6d: {  	[tilespmem:$0xAA60] =	vst v0  }
0x6e: {  	[tilespmem:$0xAA70] =	vst v0  }
0x6f: {  	[tilespmem:$0xAA80] =	vst v0  }
0x70: {  	[tilespmem:$0xAA90] =	vst v0  }
0x71: {  	[tilespmem:$0xAAA0] =	vst v0  }
0x72: {  	[tilespmem:$0xAAB0] =	vst v0  }
0x73: {  	[tilespmem:$0xAAC0] =	vst v0  }
0x74: {  	[tilespmem:$0xAAD0] =	vst v0  }
0x75: {  	[tilespmem:$0xAAE0] =	vst v0  }
0x76: {  	[tilespmem:$0xAAF0] =	vst v0  }
0x77: {  	[tilespmem:$0xAB00] =	vst v0  }
0x78: {  	[tilespmem:$0xAB10] =	vst v0  }
0x79: {  	[tilespmem:$0xAB20] =	vst v0  }
0x7a: {  	[tilespmem:$0xAB30] =	vst v0  }
0x7b: {  	[tilespmem:$0xAB40] =	vst v0  }
0x7c: {  	[tilespmem:$0xAB50] =	vst v0  }
0x7d: {  	[tilespmem:$0xAB60] =	vst v0  }
0x7e: {  	[tilespmem:$0xAB70] =	vst v0  }
0x7f: {  	[tilespmem:$0xAB80] =	vst v0  }
0x80: {  	[tilespmem:$0xAB90] =	vst v0  }
0x81: {  	[tilespmem:$0xABA0] =	vst v0  }
0x82: {  	[tilespmem:$0xABB0] =	vst v0  }
0x83: {  	[tilespmem:$0xABC0] =	vst v0  }
0x84: {  	[tilespmem:$0xABD0] =	vst v0  }
0x85: {  	[tilespmem:$0xABE0] =	vst v0  }
0x86: {  	[tilespmem:$0xABF0] =	vst v0  }
0x87: {  	[tilespmem:$0xAC00] =	vst v0  }
0x88: {  	[tilespmem:$0xAC10] =	vst v0  }
0x89: {  	[tilespmem:$0xAC20] =	vst v0  }
0x8a: {  	[tilespmem:$0xAC30] =	vst v0  }
0x8b: {  	[tilespmem:$0xAC40] =	vst v0  }
0x8c: {  	[tilespmem:$0xAC50] =	vst v0  }
0x8d: {  	[tilespmem:$0xAC60] =	vst v0  }
0x8e: {  	[tilespmem:$0xAC70] =	vst v0  }
0x8f: {  	[tilespmem:$0xAC80] =	vst v0  }
0x90: {  	[tilespmem:$0xAC90] =	vst v0  }
0x91: {  	[tilespmem:$0xACA0] =	vst v0  }
0x92: {  	[tilespmem:$0xACB0] =	vst v0  }
0x93: {  	[tilespmem:$0xACC0] =	vst v0  }
0x94: {  	[tilespmem:$0xACD0] =	vst v0  }
0x95: {  	[tilespmem:$0xACE0] =	vst v0  }
0x96: {  	[tilespmem:$0xACF0] =	vst v0  }
0x97: {  	[tilespmem:$0xAD00] =	vst v0  }
0x98: {  	[tilespmem:$0xAD10] =	vst v0  }
0x99: {  	[tilespmem:$0xAD20] =	vst v0  }
0x9a: {  	[tilespmem:$0xAD30] =	vst v0  }
0x9b: {  	[tilespmem:$0xAD40] =	vst v0  }
0x9c: {  	[tilespmem:$0xAD50] =	vst v0  }
0x9d: {  	[tilespmem:$0xAD60] =	vst v0  }
0x9e: {  	[tilespmem:$0xAD70] =	vst v0  }
0x9f: {  	[tilespmem:$0xAD80] =	vst v0  }
0xa0: {  	[tilespmem:$0xAD90] =	vst v0  }
0xa1: {  	[tilespmem:$0xADA0] =	vst v0  }
0xa2: {  	[tilespmem:$0xADB0] =	vst v0  }
0xa3: {  	[tilespmem:$0xADC0] =	vst v0  }
0xa4: {  	[tilespmem:$0xADD0] =	vst v0  }
0xa5: {  	[tilespmem:$0xADE0] =	vst v0  }
0xa6: {  	[tilespmem:$0xADF0] =	vst v0  }
0xa7: {  	[tilespmem:$0xAE00] =	vst v0  }
0xa8: {  	[tilespmem:$0xAE10] =	vst v0  }
0xa9: {  	[tilespmem:$0xAE20] =	vst v0  }
0xaa: {  	[tilespmem:$0xAE30] =	vst v0  }
0xab: {  	[tilespmem:$0xAE40] =	vst v0  }
0xac: {  	[tilespmem:$0xAE50] =	vst v0  }
0xad: {  	[tilespmem:$0xAE60] =	vst v0  }
0xae: {  	[tilespmem:$0xAE70] =	vst v0  }
0xaf: {  	[tilespmem:$0xAE80] =	vst v0  }
0xb0: {  	[tilespmem:$0xAE90] =	vst v0  }
0xb1: {  	[tilespmem:$0xAEA0] =	vst v0  }
0xb2: {  	[tilespmem:$0xAEB0] =	vst v0  }
0xb3: {  	[tilespmem:$0xAEC0] =	vst v0  }
0xb4: {  	[tilespmem:$0xAED0] =	vst v0  }
0xb5: {  	[tilespmem:$0xAEE0] =	vst v0  }
0xb6: {  	[tilespmem:$0xAEF0] =	vst v0  }
0xb7: {  	[tilespmem:$0xAF00] =	vst v0  }
0xb8: {  	[tilespmem:$0xAF10] =	vst v0  }
0xb9: {  	[tilespmem:$0xAF20] =	vst v0  }
0xba: {  	[tilespmem:$0xAF30] =	vst v0  }
0xbb: {  	[tilespmem:$0xAF40] =	vst v0  }
0xbc: {  	[tilespmem:$0xAF50] =	vst v0  }
0xbd: {  	[tilespmem:$0xAF60] =	vst v0  }
0xbe: {  	[tilespmem:$0xAF70] =	vst v0  }
0xbf: {  	[tilespmem:$0xAF80] =	vst v0  }
0xc0: {  	[tilespmem:$0xAF90] =	vst v0  }
0xc1: {  	[tilespmem:$0xAFA0] =	vst v0  }
0xc2: {  	[tilespmem:$0xAFB0] =	vst v0  }
0xc3: {  	[tilespmem:$0xAFC0] =	vst v0  }
0xc4: {  	[tilespmem:$0xAFD0] =	vst v0  }
0xc5: {  	[tilespmem:$0xAFE0] =	vst v0  }
0xc6: {  	s3 =	rddreg [dreg:$0x1a];
	[tilespmem:$0xAFF0] =	vst v0  }
0xc7: {  	[spmem:s5] =	stream.linear.scatter [tilespmem:s4], [sflag:$0x3], $0x800, $0x38;
	[tilespmem:$0x1E880] =	vst v63  }
0xc8: {  	s6 =	rddreg [dreg:$0x1b]  }
0xc9: {  	[spmem:s3] =	stream.linear.scatter [tilespmem:s4], [sflag:$0x3], $0x800, $0x38;
	[tilespmem:$0x1E880] =	vst v63  }
0xca: {  	s7 =	rddreg [dreg:$0x1c]  }
0xcb: {  	[spmem:s6] =	stream.linear.scatter [tilespmem:s4], [sflag:$0x3], $0x800, $0x38;
	[tilespmem:$0x1E880] =	vst v63  }
0xcc: {  	s3 =	rddreg [dreg:$0x1d]  }
0xcd: {  	[spmem:s7] =	stream.linear.scatter [tilespmem:s4], [sflag:$0x3], $0x800, $0x38;
	[tilespmem:$0x1E880] =	vst v63  }
0xce: {  	s6 =	rddreg [dreg:$0x1e]  }
0xcf: {  	[spmem:s3] =	stream.linear.scatter [tilespmem:s4], [sflag:$0x3], $0x800, $0x38;
	[tilespmem:$0x1E880] =	vst v63  }
0xd0: {  	s7 =	rddreg [dreg:$0x1f]  }
0xd1: {  	[spmem:s6] =	stream.linear.scatter [tilespmem:s4], [sflag:$0x3], $0x800, $0x38;
	[tilespmem:$0x1E880] =	vst v63  }
0xd2: {  	s3 =	sld [smem:$0x7E5]  }
0xd3: {  	[spmem:s7] =	stream.linear.scatter [tilespmem:s4], [sflag:$0x3], $0x800, $0x38;
	[tilespmem:$0x1E880] =	vst v63  }
0xd4: {  	s6 =	sld [smem:$0x7E6]  }
0xd5: {  	[spmem:s3] =	stream.linear.scatter [tilespmem:s4], [sflag:$0x3], $0x800, $0x38;
	[tilespmem:$0x1E880] =	vst v63  }
0xd6: {  	s7 =	sld [smem:$0x7E7]  }
0xd7: {  	[spmem:s6] =	stream.linear.scatter [tilespmem:s4], [sflag:$0x3], $0x800, $0x38;
	[tilespmem:$0x1E880] =	vst v63  }
0xd8: {  	s3 =	sld [smem:$0x7E8]  }
0xd9: {  	[spmem:s7] =	stream.linear.scatter [tilespmem:s4], [sflag:$0x3], $0x800, $0x38;
	[tilespmem:$0x1E880] =	vst v63  }
0xda: {  	s6 =	sld [smem:$0x7E9]  }
0xdb: {  	[spmem:s3] =	stream.linear.scatter [tilespmem:s4], [sflag:$0x3], $0x800, $0x38;
	[tilespmem:$0x1E880] =	vst v63  }
0xdc: {  	s7 =	sld [smem:$0x7EA]  }
0xdd: {  	[spmem:s6] =	stream.linear.scatter [tilespmem:s4], [sflag:$0x3], $0x800, $0x38;
	[tilespmem:$0x1E880] =	vst v63  }
0xde: {  	s3 =	sld [smem:$0x7EB]  }
0xdf: {  	[spmem:s7] =	stream.linear.scatter [tilespmem:s4], [sflag:$0x3], $0x800, $0x38;
	[tilespmem:$0x1E880] =	vst v63  }
0xe0: {  	s6 =	sld [smem:$0x7EC]  }
0xe1: {  	[spmem:s3] =	stream.linear.scatter [tilespmem:s4], [sflag:$0x3], $0x800, $0x38;
	[tilespmem:$0x1E880] =	vst v63  }
0xe2: {  	s7 =	sld [smem:$0x7ED]  }
0xe3: {  	[spmem:s6] =	stream.linear.scatter [tilespmem:s4], [sflag:$0x3], $0x800, $0x38;
	[tilespmem:$0x1E880] =	vst v63  }
0xe4: {  	s3 =	sld [smem:$0x7EE]  }
0xe5: {  	[spmem:s7] =	stream.linear.scatter [tilespmem:s4], [sflag:$0x3], $0x800, $0x38;
	[tilespmem:$0x1E880] =	vst v63  }
0xe6: {  	s6 =	sld [smem:$0x7EF]  }
0xe7: {  	[spmem:s3] =	stream.linear.scatter [tilespmem:s4], [sflag:$0x3], $0x800, $0x38;
	[tilespmem:$0x1E880] =	vst v63  }
0xe8: {  	s7 =	sld [smem:$0x7F0]  }
0xe9: {  	[spmem:s6] =	stream.linear.scatter [tilespmem:s4], [sflag:$0x3], $0x800, $0x38;
	[tilespmem:$0x1E880] =	vst v63  }
0xea: {  	s3 =	sld [smem:$0x7F1]  }
0xeb: {  	[spmem:s7] =	stream.linear.scatter [tilespmem:s4], [sflag:$0x3], $0x800, $0x38;
	[tilespmem:$0x1E880] =	vst v63  }
0xec: {  	s6 =	sld [smem:$0x7F2]  }
0xed: {  	[spmem:s3] =	stream.linear.scatter [tilespmem:s4], [sflag:$0x3], $0x800, $0x38;
	[tilespmem:$0x1E880] =	vst v63  }
0xee: {  	s7 =	sld [smem:$0x7F3]  }
0xef: {  	[spmem:s6] =	stream.linear.scatter [tilespmem:s4], [sflag:$0x3], $0x800, $0x38;
	[tilespmem:$0x1E880] =	vst v63  }
0xf0: {  	s3 =	sld [smem:$0x7F4]  }
0xf1: {  	[spmem:s7] =	stream.linear.scatter [tilespmem:s4], [sflag:$0x3], $0x800, $0x38;
	[tilespmem:$0x1E880] =	vst v63  }
0xf2: {  	s6 =	sld [smem:$0x7F5]  }
0xf3: {  	[spmem:s3] =	stream.linear.scatter [tilespmem:s4], [sflag:$0x3], $0x800, $0x38;
	[tilespmem:$0x1E880] =	vst v63  }
0xf4: {  	s7 =	sld [smem:$0x7F6]  }
0xf5: {  	[spmem:s6] =	stream.linear.scatter [tilespmem:s4], [sflag:$0x3], $0x800, $0x38;
	[tilespmem:$0x1E880] =	vst v63  }
0xf6: {  	s3 =	sld [smem:$0x7F7]  }
0xf7: {  	[spmem:s7] =	stream.linear.scatter [tilespmem:s4], [sflag:$0x3], $0x800, $0x38;
	[tilespmem:$0x1E880] =	vst v63  }
0xf8: {  	s6 =	sld [smem:$0x7F8]  }
0xf9: {  	[spmem:s3] =	stream.linear.scatter [tilespmem:s4], [sflag:$0x3], $0x800, $0x38;
	[tilespmem:$0x1E880] =	vst v63  }
0xfa: {  	s7 =	sld [smem:$0x7F9]  }
0xfb: {  	[spmem:s6] =	stream.linear.scatter [tilespmem:s4], [sflag:$0x3], $0x800, $0x38;
	[tilespmem:$0x1E880] =	vst v63  }
0xfc: {  	s3 =	sld [smem:$0x7FA]  }
0xfd: {  	[spmem:s7] =	stream.linear.scatter [tilespmem:s4], [sflag:$0x3], $0x800, $0x38;
	[tilespmem:$0x1E880] =	vst v63  }
0xfe: {  	s6 =	sld [smem:$0x7FB]  }
0xff: {  	[spmem:s3] =	stream.linear.scatter [tilespmem:s4], [sflag:$0x3], $0x800, $0x38;
	[tilespmem:$0x1E880] =	vst v63  }
0x100: {  	s7 =	sld [smem:$0x7FC]  }
0x101: {  	[spmem:s6] =	stream.linear.scatter [tilespmem:s4], [sflag:$0x3], $0x800, $0x38;
	[tilespmem:$0x1E880] =	vst v63  }
0x102: {  	s3 =	sld [smem:$0x7FD]  }
0x103: {  	[spmem:s7] =	stream.linear.scatter [tilespmem:s4], [sflag:$0x3], $0x800, $0x38;
	[tilespmem:$0x1E880] =	vst v63  }
0x104: {  	_ = 	snop  }
0x105: {  	[spmem:s3] =	stream.linear.scatter [tilespmem:s4], [sflag:$0x3], $0x800, $0x38;
	[tilespmem:$0x1E880] =	vst v63  }
0x106: {  	_ = 	snop  }
0x107: {  	[spmem:s8] =	stream.linear.scatter [tilespmem:s4], [sflag:$0x3], $0x800, $0x38;
	[tilespmem:$0x1E880] =	vst v63  }
0x108: {  	_ = 	snop  }
0x109: {  	[spmem:s9] =	stream.linear.scatter [tilespmem:s4], [sflag:$0x3], $0x800, $0x38;
	[tilespmem:$0x1E880] =	vst v63  }
0x10a: {  	_ = 	snop  }
0x10b: {  	[spmem:s10] =	stream.linear.scatter [tilespmem:s4], [sflag:$0x3], $0x800, $0x38;
	[tilespmem:$0x1E880] =	vst v63  }
0x10c: {  	_ = 	snop  }
0x10d: {  	[spmem:s11] =	stream.linear.scatter [tilespmem:s4], [sflag:$0x3], $0x800, $0x38;
	[tilespmem:$0x1E880] =	vst v63  }
0x10e: {  	_ = 	snop  }
0x10f: {  	[spmem:s12] =	stream.linear.scatter [tilespmem:s4], [sflag:$0x3], $0x800, $0x38;
	[tilespmem:$0x1E880] =	vst v63  }
0x110: {  	_ = 	snop  }
0x111: {  	[spmem:s13] =	stream.linear.scatter [tilespmem:s4], [sflag:$0x3], $0x800, $0x38;
	[tilespmem:$0x1E880] =	vst v63  }
0x112: {  	_ = 	snop  }
0x113: {  	[spmem:s14] =	stream.linear.scatter [tilespmem:s4], [sflag:$0x3], $0x800, $0x38;
	[tilespmem:$0x1E880] =	vst v63  }
0x114: {  	s0 =	simm.s32 @!p2 $0xA800  }
0x115: {  	[spmem:s29] =	stream.linear.scatter @!p2 [tilespmem:s0], [sflag:$0x3], $0x800, $0x38;
	[tilespmem:$0x1E880] =	vst v63  }
0x116: {  	s6 =	simm.s32 $0x0  }
0x117: {  	[tilespmem:s6], [sflag:$0x4] =	stream.linear.gather [hbm4b:s22+s2], $0x80, $0x38;
	[tilespmem:$0x1E880] =	vst v63  }
0x118: {  	s7 =	simm.s32 $0x80;
	s3 =	sadd.s32 $0x400, s22  }
0x119: {  	[tilespmem:s7], [sflag:$0x4] =	stream.linear.gather [hbm4b:s3+s2], $0x80, $0x38;
	[tilespmem:$0x1E880] =	vst v63  }
0x11a: {  	s6 =	simm.s32 $0x100;
	s7 =	sadd.s32 $0x800, s22  }
0x11b: {  	[tilespmem:s6], [sflag:$0x4] =	stream.linear.gather [hbm4b:s7+s2], $0x80, $0x38;
	[tilespmem:$0x1E880] =	vst v63  }
0x11c: {  	s6 =	simm.s32 $0x180;
	s7 =	sadd.s32 $0xC00, s22  }
0x11d: {  	[tilespmem:s6], [sflag:$0x4] =	stream.linear.gather [hbm4b:s7+s2], $0x80, $0x38;
	[tilespmem:$0x1E880] =	vst v63  }
0x11e: {  	s6 =	simm.s32 $0x200;
	s7 =	sadd.s32 $0x1000, s22  }
0x11f: {  	[tilespmem:s6], [sflag:$0x4] =	stream.linear.gather [hbm4b:s7+s2], $0x80, $0x38;
	[tilespmem:$0x1E880] =	vst v63  }
0x120: {  	s6 =	simm.s32 $0x280;
	s7 =	sadd.s32 $0x1400, s22  }
0x121: {  	[tilespmem:s6], [sflag:$0x4] =	stream.linear.gather [hbm4b:s7+s2], $0x80, $0x38;
	[tilespmem:$0x1E880] =	vst v63  }
0x122: {  	s6 =	simm.s32 $0x300;
	s7 =	sadd.s32 $0x1800, s22  }
0x123: {  	[tilespmem:s6], [sflag:$0x4] =	stream.linear.gather [hbm4b:s7+s2], $0x80, $0x38;
	[tilespmem:$0x1E880] =	vst v63  }
0x124: {  	s6 =	simm.s32 $0x380;
	s7 =	sadd.s32 $0x1C00, s22  }
0x125: {  	[tilespmem:s6], [sflag:$0x4] =	stream.linear.gather [hbm4b:s7+s2], $0x80, $0x38;
	[tilespmem:$0x1E880] =	vst v63  }
0x126: {  	s6 =	simm.s32 $0x400;
	s7 =	sadd.s32 $0x2000, s22  }
0x127: {  	[tilespmem:s6], [sflag:$0x4] =	stream.linear.gather [hbm4b:s7+s2], $0x80, $0x38;
	[tilespmem:$0x1E880] =	vst v63  }
0x128: {  	s6 =	simm.s32 $0x480;
	s7 =	sadd.s32 $0x2400, s22  }
0x129: {  	[tilespmem:s6], [sflag:$0x4] =	stream.linear.gather [hbm4b:s7+s2], $0x80, $0x38;
	[tilespmem:$0x1E880] =	vst v63  }
0x12a: {  	s6 =	simm.s32 $0x500;
	s7 =	sadd.s32 $0x2800, s22  }
0x12b: {  	[tilespmem:s6], [sflag:$0x4] =	stream.linear.gather [hbm4b:s7+s2], $0x80, $0x38;
	[tilespmem:$0x1E880] =	vst v63  }
0x12c: {  	s6 =	simm.s32 $0x580;
	s7 =	sadd.s32 $0x2C00, s22  }
0x12d: {  	[tilespmem:s6], [sflag:$0x4] =	stream.linear.gather [hbm4b:s7+s2], $0x80, $0x38;
	[tilespmem:$0x1E880] =	vst v63  }
0x12e: {  	s6 =	simm.s32 $0x600;
	s7 =	sadd.s32 $0x3000, s22  }
0x12f: {  	[tilespmem:s6], [sflag:$0x4] =	stream.linear.gather [hbm4b:s7+s2], $0x80, $0x38;
	[tilespmem:$0x1E880] =	vst v63  }
0x130: {  	s6 =	simm.s32 $0x680;
	s7 =	sadd.s32 $0x3400, s22  }
0x131: {  	[tilespmem:s6], [sflag:$0x4] =	stream.linear.gather [hbm4b:s7+s2], $0x80, $0x38;
	[tilespmem:$0x1E880] =	vst v63  }
0x132: {  	s6 =	simm.s32 $0x700;
	s7 =	sadd.s32 $0x3800, s22  }
0x133: {  	[tilespmem:s6], [sflag:$0x4] =	stream.linear.gather [hbm4b:s7+s2], $0x80, $0x38;
	[tilespmem:$0x1E880] =	vst v63  }
0x134: {  	s6 =	simm.s32 $0x780;
	s7 =	sadd.s32 $0x3C00, s22  }
0x135: {  	[tilespmem:s6], [sflag:$0x4] =	stream.linear.gather [hbm4b:s7+s2], $0x80, $0x38;
	[tilespmem:$0x1E880] =	vst v63  }
0x136: {  	_ =	swait.ge [sflag:s17], $0x80  }
0x137: {  	[sflag:s17] =	ssyncset.done $0x0  }
0x138: {  	[sflag:s17] =	ssyncadd.s32 $0xFFFFFF80  }
0x139: {  	_ =	swait.ge [sflag:s17], $0x80  }
0x13a: {  	[sflag:s17] =	ssyncset.done $0x0  }
0x13b: {  	[sflag:s17] =	ssyncadd.s32 $0xFFFFFF80  }
0x13c: {  	_ =	swait.ge [sflag:s17], $0x80  }
0x13d: {  	[sflag:s17] =	ssyncset.done $0x0  }
0x13e: {  	[sflag:s17] =	ssyncadd.s32 $0xFFFFFF80  }
0x13f: {  	_ =	swait.ge [sflag:s17], $0x80  }
0x140: {  	[sflag:s17] =	ssyncset.done $0x0  }
0x141: {  	[sflag:s17] =	ssyncadd.s32 $0xFFFFFF80  }
0x142: {  	_ =	swait.ge [sflag:s17], $0x80  }
0x143: {  	[sflag:s17] =	ssyncset.done $0x0  }
0x144: {  	[sflag:s17] =	ssyncadd.s32 $0xFFFFFF80  }
0x145: {  	_ =	swait.ge [sflag:s17], $0x80  }
0x146: {  	[sflag:s17] =	ssyncset.done $0x0  }
0x147: {  	[sflag:s17] =	ssyncadd.s32 $0xFFFFFF80  }
0x148: {  	_ =	swait.ge [sflag:s17], $0x80  }
0x149: {  	[sflag:s17] =	ssyncset.done $0x0  }
0x14a: {  	[sflag:s17] =	ssyncadd.s32 $0xFFFFFF80  }
0x14b: {  	_ =	swait.ge [sflag:s17], $0x80  }
0x14c: {  	[sflag:s17] =	ssyncset.done $0x0  }
0x14d: {  	[sflag:s17] =	ssyncadd.s32 $0xFFFFFF80  }
0x14e: {  	_ =	swait.ge [sflag:s17], $0x80  }
0x14f: {  	[sflag:s17] =	ssyncset.done $0x0  }
0x150: {  	[sflag:s17] =	ssyncadd.s32 $0xFFFFFF80  }
0x151: {  	_ =	swait.ge [sflag:s17], $0x80  }
0x152: {  	[sflag:s17] =	ssyncset.done $0x0  }
0x153: {  	[sflag:s17] =	ssyncadd.s32 $0xFFFFFF80  }
0x154: {  	_ =	swait.ge [sflag:s17], $0x80  }
0x155: {  	[sflag:s17] =	ssyncset.done $0x0  }
0x156: {  	[sflag:s17] =	ssyncadd.s32 $0xFFFFFF80  }
0x157: {  	_ =	swait.ge [sflag:s17], $0x80  }
0x158: {  	[sflag:s17] =	ssyncset.done $0x0  }
0x159: {  	[sflag:s17] =	ssyncadd.s32 $0xFFFFFF80  }
0x15a: {  	_ =	swait.ge [sflag:s17], $0x80  }
0x15b: {  	[sflag:s17] =	ssyncset.done $0x0  }
0x15c: {  	[sflag:s17] =	ssyncadd.s32 $0xFFFFFF80  }
0x15d: {  	_ =	swait.ge [sflag:s17], $0x80  }
0x15e: {  	[sflag:s17] =	ssyncset.done $0x0  }
0x15f: {  	[sflag:s17] =	ssyncadd.s32 $0xFFFFFF80  }
0x160: {  	_ =	swait.ge [sflag:s17], $0x80  }
0x161: {  	[sflag:s17] =	ssyncset.done $0x0  }
0x162: {  	[sflag:s17] =	ssyncadd.s32 $0xFFFFFF80  }
0x163: {  	s31 =	simm.s32 $0x2000;
	_ =	swait.ge [sflag:s17], $0x80  }
0x164: {  	s30 =	sadd.s32 $0x4000, s22;
	s0 =	simm.s32 $0x4000;
	[sflag:s17] =	ssyncset.done $0x0  }
.LBB2_2:
0x165: {  	s3 =	sshra.s32 s31, $0x2  }
0x166: {  	[sflag:s17] =	ssyncadd.s32 $0xFFFFFF80;
	s31 =	smov.u32 s0;
	s6 =	sadd.s32 $0x2000, s0  }
0x167: {  	[tilespmem:s3], [sflag:$0x4] =	stream.linear.gather [hbm4b:s30+s2], $0x80, $0x38;
	[tilespmem:$0x1E880] =	vst v63  }
0x168: {  	p3 =	sne.s32 s0, $0x6000;
	s7 =	sadd.s32 $0x400, s30;
	s0 =	sadd.s32 $0x80, s3  }
0x169: {  	[tilespmem:s0], [sflag:$0x4] =	stream.linear.gather [hbm4b:s7+s2], $0x80, $0x38;
	[tilespmem:$0x1E880] =	vst v63  }
0x16a: {  	s0 =	sadd.s32 $0x100, s3;
	s7 =	sadd.s32 $0x800, s30  }
0x16b: {  	[tilespmem:s0], [sflag:$0x4] =	stream.linear.gather [hbm4b:s7+s2], $0x80, $0x38;
	[tilespmem:$0x1E880] =	vst v63  }
0x16c: {  	s0 =	sadd.s32 $0x180, s3;
	s7 =	sadd.s32 $0xC00, s30  }
0x16d: {  	[tilespmem:s0], [sflag:$0x4] =	stream.linear.gather [hbm4b:s7+s2], $0x80, $0x38;
	[tilespmem:$0x1E880] =	vst v63  }
0x16e: {  	s0 =	sadd.s32 $0x200, s3;
	s7 =	sadd.s32 $0x1000, s30  }
0x16f: {  	[tilespmem:s0], [sflag:$0x4] =	stream.linear.gather [hbm4b:s7+s2], $0x80, $0x38;
	[tilespmem:$0x1E880] =	vst v63  }
0x170: {  	s0 =	sadd.s32 $0x280, s3;
	s7 =	sadd.s32 $0x1400, s30  }
0x171: {  	[tilespmem:s0], [sflag:$0x4] =	stream.linear.gather [hbm4b:s7+s2], $0x80, $0x38;
	[tilespmem:$0x1E880] =	vst v63  }
0x172: {  	s0 =	sadd.s32 $0x300, s3;
	s7 =	sadd.s32 $0x1800, s30  }
0x173: {  	[tilespmem:s0], [sflag:$0x4] =	stream.linear.gather [hbm4b:s7+s2], $0x80, $0x38;
	[tilespmem:$0x1E880] =	vst v63  }
0x174: {  	s0 =	sadd.s32 $0x380, s3;
	s7 =	sadd.s32 $0x1C00, s30  }
0x175: {  	[tilespmem:s0], [sflag:$0x4] =	stream.linear.gather [hbm4b:s7+s2], $0x80, $0x38;
	[tilespmem:$0x1E880] =	vst v63  }
0x176: {  	s0 =	sadd.s32 $0x400, s3;
	s7 =	sadd.s32 $0x2000, s30  }
0x177: {  	[tilespmem:s0], [sflag:$0x4] =	stream.linear.gather [hbm4b:s7+s2], $0x80, $0x38;
	[tilespmem:$0x1E880] =	vst v63  }
0x178: {  	s0 =	sadd.s32 $0x480, s3;
	s7 =	sadd.s32 $0x2400, s30  }
0x179: {  	[tilespmem:s0], [sflag:$0x4] =	stream.linear.gather [hbm4b:s7+s2], $0x80, $0x38;
	[tilespmem:$0x1E880] =	vst v63  }
0x17a: {  	s0 =	sadd.s32 $0x500, s3;
	s7 =	sadd.s32 $0x2800, s30  }
0x17b: {  	[tilespmem:s0], [sflag:$0x4] =	stream.linear.gather [hbm4b:s7+s2], $0x80, $0x38;
	[tilespmem:$0x1E880] =	vst v63  }
0x17c: {  	s0 =	sadd.s32 $0x580, s3;
	s7 =	sadd.s32 $0x2C00, s30  }
0x17d: {  	[tilespmem:s0], [sflag:$0x4] =	stream.linear.gather [hbm4b:s7+s2], $0x80, $0x38;
	[tilespmem:$0x1E880] =	vst v63  }
0x17e: {  	s0 =	sadd.s32 $0x600, s3;
	s7 =	sadd.s32 $0x3000, s30  }
0x17f: {  	[tilespmem:s0], [sflag:$0x4] =	stream.linear.gather [hbm4b:s7+s2], $0x80, $0x38;
	[tilespmem:$0x1E880] =	vst v63  }
0x180: {  	s0 =	sadd.s32 $0x680, s3;
	s7 =	sadd.s32 $0x3400, s30  }
0x181: {  	[tilespmem:s0], [sflag:$0x4] =	stream.linear.gather [hbm4b:s7+s2], $0x80, $0x38;
	[tilespmem:$0x1E880] =	vst v63  }
0x182: {  	s0 =	sadd.s32 $0x700, s3;
	s7 =	sadd.s32 $0x3800, s30  }
0x183: {  	[tilespmem:s0], [sflag:$0x4] =	stream.linear.gather [hbm4b:s7+s2], $0x80, $0x38;
	[tilespmem:$0x1E880] =	vst v63  }
0x184: {  	s0 =	sadd.s32 $0x780, s3;
	s3 =	sadd.s32 $0x3C00, s30  }
0x185: {  	[tilespmem:s0], [sflag:$0x4] =	stream.linear.gather [hbm4b:s3+s2], $0x80, $0x38;
	[tilespmem:$0x1E880] =	vst v63  }
0x186: {  	_ =	swait.ge [sflag:s17], $0x80  }
0x187: {  	[sflag:s17] =	ssyncset.done $0x0  }
0x188: {  	[sflag:s17] =	ssyncadd.s32 $0xFFFFFF80  }
0x189: {  	_ =	swait.ge [sflag:s17], $0x80  }
0x18a: {  	[sflag:s17] =	ssyncset.done $0x0  }
0x18b: {  	[sflag:s17] =	ssyncadd.s32 $0xFFFFFF80  }
0x18c: {  	_ =	swait.ge [sflag:s17], $0x80  }
0x18d: {  	[sflag:s17] =	ssyncset.done $0x0  }
0x18e: {  	[sflag:s17] =	ssyncadd.s32 $0xFFFFFF80  }
0x18f: {  	_ =	swait.ge [sflag:s17], $0x80  }
0x190: {  	[sflag:s17] =	ssyncset.done $0x0  }
0x191: {  	[sflag:s17] =	ssyncadd.s32 $0xFFFFFF80  }
0x192: {  	_ =	swait.ge [sflag:s17], $0x80  }
0x193: {  	[sflag:s17] =	ssyncset.done $0x0  }
0x194: {  	[sflag:s17] =	ssyncadd.s32 $0xFFFFFF80  }
0x195: {  	_ =	swait.ge [sflag:s17], $0x80  }
0x196: {  	[sflag:s17] =	ssyncset.done $0x0  }
0x197: {  	[sflag:s17] =	ssyncadd.s32 $0xFFFFFF80  }
0x198: {  	_ =	swait.ge [sflag:s17], $0x80  }
0x199: {  	[sflag:s17] =	ssyncset.done $0x0  }
0x19a: {  	[sflag:s17] =	ssyncadd.s32 $0xFFFFFF80  }
0x19b: {  	_ =	swait.ge [sflag:s17], $0x80  }
0x19c: {  	[sflag:s17] =	ssyncset.done $0x0  }
0x19d: {  	[sflag:s17] =	ssyncadd.s32 $0xFFFFFF80  }
0x19e: {  	_ =	swait.ge [sflag:s17], $0x80  }
0x19f: {  	[sflag:s17] =	ssyncset.done $0x0  }
0x1a0: {  	[sflag:s17] =	ssyncadd.s32 $0xFFFFFF80  }
0x1a1: {  	_ =	swait.ge [sflag:s17], $0x80  }
0x1a2: {  	[sflag:s17] =	ssyncset.done $0x0  }
0x1a3: {  	[sflag:s17] =	ssyncadd.s32 $0xFFFFFF80  }
0x1a4: {  	_ =	swait.ge [sflag:s17], $0x80  }
0x1a5: {  	[sflag:s17] =	ssyncset.done $0x0  }
0x1a6: {  	[sflag:s17] =	ssyncadd.s32 $0xFFFFFF80  }
0x1a7: {  	_ =	swait.ge [sflag:s17], $0x80  }
0x1a8: {  	[sflag:s17] =	ssyncset.done $0x0  }
0x1a9: {  	[sflag:s17] =	ssyncadd.s32 $0xFFFFFF80  }
0x1aa: {  	_ =	swait.ge [sflag:s17], $0x80  }
0x1ab: {  	[sflag:s17] =	ssyncset.done $0x0  }
0x1ac: {  	[sflag:s17] =	ssyncadd.s32 $0xFFFFFF80  }
0x1ad: {  	_ =	swait.ge [sflag:s17], $0x80  }
0x1ae: {  	[sflag:s17] =	ssyncset.done $0x0  }
0x1af: {  	[sflag:s17] =	ssyncadd.s32 $0xFFFFFF80  }
.Ltmp0:
0x1b0: {  	_ =	swait.ge [sflag:s17], $0x80;
	(pc) =	sbr.rel @p3 .LBB2_2-.Ltmp0, $4  }
0x1b1: {  	[sflag:s17] =	ssyncset.done $0x0  }
0x1b2: {  	[sflag:s17] =	ssyncadd.s32 $0xFFFFFF80  }
0x1b3: {  	_ =	swait.ge [sflag:s17], $0x80  }
0x1b4: {  	s30 =	sadd.s32 $0x4000, s30;
	s0 =	smov.u32 s6;
	[sflag:s17] =	ssyncset.done $0x0  }
0x1b5: {  	s0 =	sshra.s32 s31, $0x2;
	[sflag:s17] =	ssyncadd.s32 $0xFFFFFF80  }
0x1b6: {  	[tilespmem:s0], [sflag:$0x4] =	stream.linear.gather [hbm4b:s30+s2], $0x80, $0x38;
	[tilespmem:$0x1E880] =	vst v63  }
0x1b7: {  	s6 =	sadd.s32 $0x400, s30;
	s3 =	sadd.s32 $0x80, s0  }
0x1b8: {  	[tilespmem:s3], [sflag:$0x4] =	stream.linear.gather [hbm4b:s6+s2], $0x80, $0x38;
	[tilespmem:$0x1E880] =	vst v63  }
0x1b9: {  	s31 =	sadd.s32 $0x800, s30;
	s7 =	sadd.s32 $0x100, s0  }
0x1ba: {  	[tilespmem:s7], [sflag:$0x4] =	stream.linear.gather [hbm4b:s31+s2], $0x80, $0x38;
	[tilespmem:$0x1E880] =	vst v63  }
0x1bb: {  	s7 =	sadd.s32 $0x180, s0;
	s31 =	sadd.s32 $0xC00, s30  }
0x1bc: {  	[tilespmem:s7], [sflag:$0x4] =	stream.linear.gather [hbm4b:s31+s2], $0x80, $0x38;
	[tilespmem:$0x1E880] =	vst v63  }
0x1bd: {  	s7 =	sadd.s32 $0x200, s0;
	s31 =	sadd.s32 $0x1000, s30  }
0x1be: {  	[tilespmem:s7], [sflag:$0x4] =	stream.linear.gather [hbm4b:s31+s2], $0x80, $0x38;
	[tilespmem:$0x1E880] =	vst v63  }
0x1bf: {  	s7 =	sadd.s32 $0x280, s0;
	s31 =	sadd.s32 $0x1400, s30  }
0x1c0: {  	[tilespmem:s7], [sflag:$0x4] =	stream.linear.gather [hbm4b:s31+s2], $0x80, $0x38;
	[tilespmem:$0x1E880] =	vst v63  }
0x1c1: {  	s7 =	sadd.s32 $0x300, s0;
	s31 =	sadd.s32 $0x1800, s30  }
0x1c2: {  	[tilespmem:s7], [sflag:$0x4] =	stream.linear.gather [hbm4b:s31+s2], $0x80, $0x38;
	[tilespmem:$0x1E880] =	vst v63  }
0x1c3: {  	s7 =	sadd.s32 $0x380, s0;
	s31 =	sadd.s32 $0x1C00, s30  }
0x1c4: {  	[tilespmem:s7], [sflag:$0x4] =	stream.linear.gather [hbm4b:s31+s2], $0x80, $0x38;
	[tilespmem:$0x1E880] =	vst v63  }
0x1c5: {  	s7 =	sadd.s32 $0x400, s0;
	s31 =	sadd.s32 $0x2000, s30  }
0x1c6: {  	[tilespmem:s7], [sflag:$0x4] =	stream.linear.gather [hbm4b:s31+s2], $0x80, $0x38;
	[tilespmem:$0x1E880] =	vst v63  }
0x1c7: {  	s7 =	sadd.s32 $0x480, s0;
	s31 =	sadd.s32 $0x2400, s30  }
0x1c8: {  	[tilespmem:s7], [sflag:$0x4] =	stream.linear.gather [hbm4b:s31+s2], $0x80, $0x38;
	[tilespmem:$0x1E880] =	vst v63  }
0x1c9: {  	s7 =	sadd.s32 $0x500, s0;
	s31 =	sadd.s32 $0x2800, s30  }
0x1ca: {  	[tilespmem:s7], [sflag:$0x4] =	stream.linear.gather [hbm4b:s31+s2], $0x80, $0x38;
	[tilespmem:$0x1E880] =	vst v63  }
0x1cb: {  	s7 =	sadd.s32 $0x580, s0;
	s31 =	sadd.s32 $0x2C00, s30  }
0x1cc: {  	[tilespmem:s7], [sflag:$0x4] =	stream.linear.gather [hbm4b:s31+s2], $0x80, $0x38;
	[tilespmem:$0x1E880] =	vst v63  }
0x1cd: {  	s7 =	sadd.s32 $0x600, s0;
	s31 =	sadd.s32 $0x3000, s30  }
0x1ce: {  	[tilespmem:s7], [sflag:$0x4] =	stream.linear.gather [hbm4b:s31+s2], $0x80, $0x38;
	[tilespmem:$0x1E880] =	vst v63  }
0x1cf: {  	s7 =	sadd.s32 $0x680, s0;
	s31 =	sadd.s32 $0x3400, s30  }
0x1d0: {  	[tilespmem:s7], [sflag:$0x4] =	stream.linear.gather [hbm4b:s31+s2], $0x80, $0x38;
	[tilespmem:$0x1E880] =	vst v63  }
0x1d1: {  	s7 =	sadd.s32 $0x700, s0;
	s31 =	sadd.s32 $0x3800, s30  }
0x1d2: {  	[tilespmem:s7], [sflag:$0x4] =	stream.linear.gather [hbm4b:s31+s2], $0x80, $0x38;
	[tilespmem:$0x1E880] =	vst v63  }
0x1d3: {  	s0 =	sadd.s32 $0x780, s0;
	s7 =	sadd.s32 $0x3C00, s30  }
0x1d4: {  	[tilespmem:s0], [sflag:$0x4] =	stream.linear.gather [hbm4b:s7+s2], $0x80, $0x38;
	[tilespmem:$0x1E880] =	vst v63  }
0x1d5: {  	_ =	swait.ge [sflag:s17], $0x80  }
0x1d6: {  	[sflag:s17] =	ssyncset.done $0x0  }
0x1d7: {  	[sflag:s17] =	ssyncadd.s32 $0xFFFFFF80  }
0x1d8: {  	_ =	swait.ge [sflag:s17], $0x80  }
0x1d9: {  	[sflag:s17] =	ssyncset.done $0x0  }
0x1da: {  	[sflag:s17] =	ssyncadd.s32 $0xFFFFFF80  }
0x1db: {  	_ =	swait.ge [sflag:s17], $0x80  }
0x1dc: {  	[sflag:s17] =	ssyncset.done $0x0  }
0x1dd: {  	[sflag:s17] =	ssyncadd.s32 $0xFFFFFF80  }
0x1de: {  	_ =	swait.ge [sflag:s17], $0x80  }
0x1df: {  	[sflag:s17] =	ssyncset.done $0x0  }
0x1e0: {  	[sflag:s17] =	ssyncadd.s32 $0xFFFFFF80  }
0x1e1: {  	_ =	swait.ge [sflag:s17], $0x80  }
0x1e2: {  	[sflag:s17] =	ssyncset.done $0x0  }
0x1e3: {  	[sflag:s17] =	ssyncadd.s32 $0xFFFFFF80  }
0x1e4: {  	_ =	swait.ge [sflag:s17], $0x80  }
0x1e5: {  	[sflag:s17] =	ssyncset.done $0x0  }
0x1e6: {  	[sflag:s17] =	ssyncadd.s32 $0xFFFFFF80  }
0x1e7: {  	_ =	swait.ge [sflag:s17], $0x80  }
0x1e8: {  	[sflag:s17] =	ssyncset.done $0x0  }
0x1e9: {  	[sflag:s17] =	ssyncadd.s32 $0xFFFFFF80  }
0x1ea: {  	_ =	swait.ge [sflag:s17], $0x80  }
0x1eb: {  	[sflag:s17] =	ssyncset.done $0x0  }
0x1ec: {  	[sflag:s17] =	ssyncadd.s32 $0xFFFFFF80  }
0x1ed: {  	_ =	swait.ge [sflag:s17], $0x80  }
0x1ee: {  	[sflag:s17] =	ssyncset.done $0x0  }
0x1ef: {  	[sflag:s17] =	ssyncadd.s32 $0xFFFFFF80  }
0x1f0: {  	_ =	swait.ge [sflag:s17], $0x80  }
0x1f1: {  	[sflag:s17] =	ssyncset.done $0x0  }
0x1f2: {  	[sflag:s17] =	ssyncadd.s32 $0xFFFFFF80  }
0x1f3: {  	_ =	swait.ge [sflag:s17], $0x80  }
0x1f4: {  	[sflag:s17] =	ssyncset.done $0x0  }
0x1f5: {  	[sflag:s17] =	ssyncadd.s32 $0xFFFFFF80  }
0x1f6: {  	_ =	swait.ge [sflag:s17], $0x80  }
0x1f7: {  	[sflag:s17] =	ssyncset.done $0x0  }
0x1f8: {  	[sflag:s17] =	ssyncadd.s32 $0xFFFFFF80  }
0x1f9: {  	_ =	swait.ge [sflag:s17], $0x80  }
0x1fa: {  	[sflag:s17] =	ssyncset.done $0x0  }
0x1fb: {  	[sflag:s17] =	ssyncadd.s32 $0xFFFFFF80  }
0x1fc: {  	_ =	swait.ge [sflag:s17], $0x80  }
0x1fd: {  	[sflag:s17] =	ssyncset.done $0x0  }
0x1fe: {  	[sflag:s17] =	ssyncadd.s32 $0xFFFFFF80  }
0x1ff: {  	_ =	swait.ge [sflag:s17], $0x80  }
0x200: {  	[sflag:s17] =	ssyncset.done $0x0  }
0x201: {  	[sflag:s17] =	ssyncadd.s32 $0xFFFFFF80  }
0x202: {  	_ =	swait.ge [sflag:s17], $0x80  }
0x203: {  	[sflag:s17] =	ssyncset.done $0x0  }
0x204: {  	s31 =	simm.s32 $0x2000;
	s30 =	rddreg [dreg:$0x6];
	[sflag:s17] =	ssyncadd.s32 $0xFFFFFF80  }
0x205: {  	[tilespmem:s31], [sflag:$0x4] =	stream.linear.gather [hbm4b:s30+s2], $0x80, $0x38;
	[tilespmem:$0x1E880] =	vst v63  }
0x206: {  	s7 =	simm.s32 $0x2080;
	s6 =	rddreg [dreg:$0x7]  }
0x207: {  	[tilespmem:s7], [sflag:$0x4] =	stream.linear.gather [hbm4b:s6+s2], $0x80, $0x38;
	[tilespmem:$0x1E880] =	vst v63  }
0x208: {  	s30 =	rddreg [dreg:$0x8];
	s31 =	simm.s32 $0x2100  }
0x209: {  	[tilespmem:s31], [sflag:$0x4] =	stream.linear.gather [hbm4b:s30+s2], $0x80, $0x38;
	[tilespmem:$0x1E880] =	vst v63  }
0x20a: {  	s6 =	rddreg [dreg:$0x9];
	s7 =	simm.s32 $0x2180  }
0x20b: {  	[tilespmem:s7], [sflag:$0x4] =	stream.linear.gather [hbm4b:s6+s2], $0x80, $0x38;
	[tilespmem:$0x1E880] =	vst v63  }
0x20c: {  	s30 =	rddreg [dreg:$0xa];
	s31 =	simm.s32 $0x2200  }
0x20d: {  	[tilespmem:s31], [sflag:$0x4] =	stream.linear.gather [hbm4b:s30+s2], $0x80, $0x38;
	[tilespmem:$0x1E880] =	vst v63  }
0x20e: {  	s6 =	rddreg [dreg:$0xb];
	s7 =	simm.s32 $0x2280  }
0x20f: {  	[tilespmem:s7], [sflag:$0x4] =	stream.linear.gather [hbm4b:s6+s2], $0x80, $0x38;
	[tilespmem:$0x1E880] =	vst v63  }
0x210: {  	s30 =	rddreg [dreg:$0xc];
	s31 =	simm.s32 $0x2300  }
0x211: {  	[tilespmem:s31], [sflag:$0x4] =	stream.linear.gather [hbm4b:s30+s2], $0x80, $0x38;
	[tilespmem:$0x1E880] =	vst v63  }
0x212: {  	s6 =	rddreg [dreg:$0xd];
	s7 =	simm.s32 $0x2380  }
0x213: {  	[tilespmem:s7], [sflag:$0x4] =	stream.linear.gather [hbm4b:s6+s2], $0x80, $0x38;
	[tilespmem:$0x1E880] =	vst v63  }
0x214: {  	s30 =	rddreg [dreg:$0x10];
	s31 =	simm.s32 $0x2400  }
0x215: {  	[tilespmem:s31], [sflag:$0x4] =	stream.linear.gather [hbm4b:s30+s2], $0x80, $0x38;
	[tilespmem:$0x1E880] =	vst v63  }
0x216: {  	s6 =	rddreg [dreg:$0x11];
	s7 =	simm.s32 $0x2480  }
0x217: {  	[tilespmem:s7], [sflag:$0x4] =	stream.linear.gather [hbm4b:s6+s2], $0x80, $0x38;
	[tilespmem:$0x1E880] =	vst v63  }
0x218: {  	s30 =	rddreg [dreg:$0x12];
	s31 =	simm.s32 $0x2500  }
0x219: {  	[tilespmem:s31], [sflag:$0x4] =	stream.linear.gather [hbm4b:s30+s2], $0x80, $0x38;
	[tilespmem:$0x1E880] =	vst v63  }
0x21a: {  	s6 =	rddreg [dreg:$0x13];
	s7 =	simm.s32 $0x2580  }
0x21b: {  	[tilespmem:s7], [sflag:$0x4] =	stream.linear.gather [hbm4b:s6+s2], $0x80, $0x38;
	[tilespmem:$0x1E880] =	vst v63  }
0x21c: {  	s30 =	rddreg [dreg:$0x14]  }
0x21d: {  	[tilespmem:s18], [sflag:$0x4] =	stream.linear.gather [hbm4b:s30+s2], $0x80, $0x38;
	[tilespmem:$0x1E880] =	vst v63  }
0x21e: {  	s31 =	rddreg [dreg:$0x15]  }
0x21f: {  	[tilespmem:s19], [sflag:$0x4] =	stream.linear.gather [hbm4b:s31+s2], $0x80, $0x38;
	[tilespmem:$0x1E880] =	vst v63  }
0x220: {  	s3 =	simm.s32 @!p0 $0x2700;
	s0 =	simm.s32 @!p0 $0x0;
	s6 =	rddreg [dreg:$0x16]  }
0x221: {  	[tilespmem:s3], [sflag:$0x4] =	stream.linear.gather @!p0 [hbm4b:s6+s0], $0x80, $0x38;
	[tilespmem:$0x1E880] =	vst v63  }
0x222: {  	_ =	swait.ge [sflag:s17], $0x80  }
0x223: {  	[sflag:s17] =	ssyncset.done $0x0  }
0x224: {  	[sflag:s17] =	ssyncadd.s32 $0xFFFFFF80  }
0x225: {  	_ =	swait.ge [sflag:s17], $0x80  }
0x226: {  	[sflag:s17] =	ssyncset.done $0x0  }
0x227: {  	[sflag:s17] =	ssyncadd.s32 $0xFFFFFF80  }
0x228: {  	_ =	swait.ge [sflag:s17], $0x80  }
0x229: {  	[sflag:s17] =	ssyncset.done $0x0  }
0x22a: {  	[sflag:s17] =	ssyncadd.s32 $0xFFFFFF80  }
0x22b: {  	_ =	swait.ge [sflag:s17], $0x80  }
0x22c: {  	[sflag:s17] =	ssyncset.done $0x0  }
0x22d: {  	[sflag:s17] =	ssyncadd.s32 $0xFFFFFF80  }
0x22e: {  	_ =	swait.ge [sflag:s17], $0x80  }
0x22f: {  	[sflag:s17] =	ssyncset.done $0x0  }
0x230: {  	[sflag:s17] =	ssyncadd.s32 $0xFFFFFF80  }
0x231: {  	_ =	swait.ge [sflag:s17], $0x80  }
0x232: {  	[sflag:s17] =	ssyncset.done $0x0  }
0x233: {  	[sflag:s17] =	ssyncadd.s32 $0xFFFFFF80  }
0x234: {  	_ =	swait.ge [sflag:s17], $0x80  }
0x235: {  	[sflag:s17] =	ssyncset.done $0x0  }
0x236: {  	[sflag:s17] =	ssyncadd.s32 $0xFFFFFF80  }
0x237: {  	_ =	swait.ge [sflag:s17], $0x80  }
0x238: {  	[sflag:s17] =	ssyncset.done $0x0  }
0x239: {  	[sflag:s17] =	ssyncadd.s32 $0xFFFFFF80  }
0x23a: {  	_ =	swait.ge [sflag:s17], $0x80  }
0x23b: {  	[sflag:s17] =	ssyncset.done $0x0  }
0x23c: {  	[sflag:s17] =	ssyncadd.s32 $0xFFFFFF80  }
0x23d: {  	_ =	swait.ge [sflag:s17], $0x80  }
0x23e: {  	[sflag:s17] =	ssyncset.done $0x0  }
0x23f: {  	[sflag:s17] =	ssyncadd.s32 $0xFFFFFF80  }
0x240: {  	_ =	swait.ge [sflag:s17], $0x80  }
0x241: {  	[sflag:s17] =	ssyncset.done $0x0  }
0x242: {  	[sflag:s17] =	ssyncadd.s32 $0xFFFFFF80  }
0x243: {  	_ =	swait.ge [sflag:s17], $0x80  }
0x244: {  	[sflag:s17] =	ssyncset.done $0x0  }
0x245: {  	[sflag:s17] =	ssyncadd.s32 $0xFFFFFF80  }
0x246: {  	_ =	swait.ge [sflag:s17], $0x80  }
0x247: {  	[sflag:s17] =	ssyncset.done $0x0  }
0x248: {  	[sflag:s17] =	ssyncadd.s32 $0xFFFFFF80  }
0x249: {  	_ =	swait.ge [sflag:s17], $0x80  }
0x24a: {  	[sflag:s17] =	ssyncset.done $0x0  }
0x24b: {  	s0 =	simm.s32 @!p0 $0x4;
	[sflag:s17] =	ssyncadd.s32 $0xFFFFFF80  }
0x24c: {  	_ =	swait.ge @!p0 [sflag:s0], $0x80  }
0x24d: {  	[sflag:s0] =	ssyncset.done @!p0 $0x0  }
0x24e: {  	[sflag:s0] =	ssyncadd.s32 @!p0 $0xFFFFFF80  }
0x24f: {  	_ =	swait.ge [sflag:s20], $0x800  }
0x250: {  	s0 =	simm.s32 $0x26;
	[sflag:s20] =	ssyncset.done $0x0  }
.LBB2_4:
0x251: {  	p3 =	sne.s32 s0, $0x1;
	s0 =	sadd.s32 $0xFFFFFFFF, s0;
	[sflag:s20] =	ssyncadd.s32 $0xFFFFF800  }
.Ltmp1:
0x252: {  	(pc) =	sbr.rel @p3 .LBB2_4-.Ltmp1, $3  }
0x253: {  	_ =	sdelay $0x1  }
0x254: {  	_ =	swait.ge [sflag:s20], $0x800  }
0x255: {  	[sflag:s20] =	ssyncset.done $0x0  }
0x256: {  	[sflag:s20] =	ssyncadd.s32 $0xFFFFF800;
	s0 =	simm.s32 @!p2 $0x3  }
0x257: {  	_ =	swait.ge @!p2 [sflag:s0], $0x800  }
0x258: {  	[sflag:s0] =	ssyncset.done @!p2 $0x0  }
0x259: {  	[sflag:s0] =	ssyncadd.s32 @!p2 $0xFFFFF800  }
0x25a: {  	[bflag:$0x0] =	sbarrier.arrive $0xFFFF  }
0x25b: {  	_ =	swait.ge [sflag:s21], $0x4000  }
0x25c: {  	[sflag:s21] =	ssyncset.done $0x0  }
0x25d: {  	s6 =	simm.s32 $0x0;
	[sflag:s21] =	ssyncadd.s32 $0xFFFFC000  }
0x25e: {  	[spmem:s1] =	stream.indirect.scatter.add.f32 [tilespmem:s15], [sflag:$0x5], $0x80, s6, s23, $0xb8;
	[tilespmem:$0x1E880] =	vst v63  }
0x25f: {  	_ =	swait.ge [sflag:s24], $0x4000  }
0x260: {  	[sflag:s24] =	ssyncset.done $0x0  }
0x261: {  	s7 =	sadd.s32 $0xFFFF0000, s26;
	[sflag:s24] =	ssyncadd.s32 $0xFFFFC000  }
0x262: {  	[tilespmem:s15], [sflag:$0x1] =	stream.linear.gather [hbm4b:s7+s2], $0x4000, $0x38;
	[tilespmem:$0x1E880] =	vst v63  }
0x263: {  	_ =	swait.ge [sflag:s25], $0x4000  }
0x264: {  	[sflag:s25] =	ssyncset.done $0x0  }
0x265: {  	s31 =	simm.s32 $0x80;
	[sflag:s25] =	ssyncadd.s32 $0xFFFFC000  }
0x266: {  	[spmem:s1] =	stream.indirect.scatter.add.f32 [tilespmem:s16], [sflag:$0x5], $0x80, s31, s23, $0xb8;
	[tilespmem:$0x1E880] =	vst v63  }
0x267: {  	_ =	swait.ge [sflag:s24], $0x4000  }
0x268: {  	s3 =	sadd.s32 $0x20000, s26;
	[sflag:s24] =	ssyncset.done $0x0  }
0x269: {  	s30 =	smov.u32 s26;
	s0 =	simm.s32 $0x400;
	[sflag:s24] =	ssyncadd.s32 $0xFFFFC000  }
.LBB2_6:
0x26a: {  	[tilespmem:s16], [sflag:$0x2] =	stream.linear.gather [hbm4b:s30+s2], $0x4000, $0x38;
	[tilespmem:$0x1E880] =	vst v63  }
0x26b: {  	s6 =	smov.u32 s0;
	s30 =	smov.u32 s3  }
0x26c: {  	p3 =	sne.s32 s0, $0x9400;
	s0 =	sadd.s32 $0x400, s0;
	_ =	swait.ge [sflag:s21], $0x4000  }
0x26d: {  	[sflag:s21] =	ssyncset.done $0x0  }
0x26e: {  	s6 =	sshra.s32 s6, $0x2;
	[sflag:s21] =	ssyncadd.s32 $0xFFFFC000  }
0x26f: {  	[spmem:s1] =	stream.indirect.scatter.add.f32 [tilespmem:s15], [sflag:$0x5], $0x80, s6, s23, $0xb8;
	[tilespmem:$0x1E880] =	vst v63  }
0x270: {  	_ =	swait.ge [sflag:s24], $0x4000  }
0x271: {  	[sflag:s24] =	ssyncset.done $0x0  }
0x272: {  	s7 =	sadd.s32 $0xFFFF0000, s3;
	[sflag:s24] =	ssyncadd.s32 $0xFFFFC000  }
0x273: {  	[tilespmem:s15], [sflag:$0x1] =	stream.linear.gather [hbm4b:s7+s2], $0x4000, $0x38;
	[tilespmem:$0x1E880] =	vst v63  }
0x274: {  	_ =	swait.ge [sflag:s25], $0x4000  }
0x275: {  	[sflag:s25] =	ssyncset.done $0x0  }
.Ltmp2:
0x276: {  	s6 =	sadd.s32 $0x80, s6;
	[sflag:s25] =	ssyncadd.s32 $0xFFFFC000;
	(pc) =	sbr.rel @p3 .LBB2_6-.Ltmp2, $4  }
0x277: {  	[spmem:s1] =	stream.indirect.scatter.add.f32 [tilespmem:s16], [sflag:$0x5], $0x80, s6, s23, $0xb8;
	[tilespmem:$0x1E880] =	vst v63  }
0x278: {  	_ =	swait.ge [sflag:s24], $0x4000  }
0x279: {  	[sflag:s24] =	ssyncset.done $0x0  }
0x27a: {  	s3 =	sadd.s32 $0x20000, s3;
	[sflag:s24] =	ssyncadd.s32 $0xFFFFC000  }
0x27b: {  	[tilespmem:s16], [sflag:$0x2] =	stream.linear.gather [hbm4b:s30+s2], $0x4000, $0x38;
	[tilespmem:$0x1E880] =	vst v63  }
0x27c: {  	_ =	swait.ge [sflag:s21], $0x4000  }
0x27d: {  	[sflag:s21] =	ssyncset.done $0x0  }
0x27e: {  	[sflag:s21] =	ssyncadd.s32 $0xFFFFC000  }
0x27f: {  	[spmem:s1] =	stream.indirect.scatter.add.f32 [tilespmem:s15], [sflag:$0x5], $0x80, s18, s23, $0xb8;
	[tilespmem:$0x1E880] =	vst v63  }
0x280: {  	_ =	swait.ge [sflag:s24], $0x4000  }
0x281: {  	s0 =	simm.s32 @!p1 $0x0;
	[sflag:s24] =	ssyncset.done $0x0  }
0x282: {  	s3 =	simm.s32 @!p1 $0x2800;
	s6 =	rddreg [dreg:$0xf];
	[sflag:s24] =	ssyncadd.s32 $0xFFFFC000  }
0x283: {  	[tilespmem:s3], [sflag:$0x1] =	stream.linear.gather @!p1 [hbm4b:s6+s0], $0x4000, $0x38;
	[tilespmem:$0x1E880] =	vst v63  }
0x284: {  	_ =	swait.ge [sflag:s25], $0x4000  }
0x285: {  	[sflag:s25] =	ssyncset.done $0x0  }
0x286: {  	[sflag:s25] =	ssyncadd.s32 $0xFFFFC000  }
0x287: {  	[spmem:s1] =	stream.indirect.scatter.add.f32 [tilespmem:s16], [sflag:$0x5], $0x80, s19, s23, $0xb8;
	[tilespmem:$0x1E880] =	vst v63  }
0x288: {  	_ =	swait.ge [sflag:s24], $0x4000  }
0x289: {  	[sflag:s24] =	ssyncset.done $0x0  }
0x28a: {  	s0 =	simm.s32 @!p0 $0x1;
	[sflag:s24] =	ssyncadd.s32 $0xFFFFC000  }
0x28b: {  	_ =	swait.ge @!p0 [sflag:s0], $0x4000  }
0x28c: {  	s3 =	simm.s32 @!p0 $0x2700;
	[sflag:s0] =	ssyncset.done @!p0 $0x0  }
0x28d: {  	s6 =	simm.s32 @!p0 $0x2800;
	[sflag:s0] =	ssyncadd.s32 @!p0 $0xFFFFC000;
	s0 =	simm.s32 @!p0 $0x80  }
0x28e: {  	[spmem:s1] =	stream.indirect.scatter.add.f32 @!p0 [tilespmem:s6], [sflag:$0x5], $0x80, s3, s0, $0xb8;
	[tilespmem:$0x1E880] =	vst v63  }
0x28f: {  	s0 =	simm.s32 @!p0 $0x5  }
0x290: {  	_ =	swait.ge @!p0 [sflag:s0], $0x4000  }
0x291: {  	[sflag:s0] =	ssyncset.done @!p0 $0x0  }
0x292: {  	s6 =	stileid.u32;
	[sflag:s0] =	ssyncadd.s32 @!p0 $0xFFFFC000  }
0x293: {  	s0 =	sshll.u32 s6, $0x6;
	[bflag:$0x0] =	sbarrier.arrive $0xFFFF  }
0x294: {  	s7 =	sshrl.u32 s5, $0x3;
	s0 =	sor.u32 $0x1C05, s0;
	s30 =	rddreg [dreg:$0xe]  }
0x295: {  	[hbm:s30], [sflag:s0] =	dma.local [spmem:s7], $0x2700  }
0x296: {  	_ =	swait.ge [sflag:s24], $0x2700  }
0x297: {  	[sflag:s24] =	ssyncset.done $0x0  }
0x298: {  	s3 =	sshrl.u32 @!p2 s29, $0x3;
	s6 =	rddreg [dreg:$0x17];
	[sflag:s24] =	ssyncadd.s32 $0xFFFFD900  }
0x299: {  	[hbm:s6], [sflag:s0] =	dma.local @!p2 [spmem:s3], $0x100  }
0x29a: {  	s0 =	simm.s32 @!p2 $0x5  }
0x29b: {  	_ =	swait.ge @!p2 [sflag:s0], $0x100  }
0x29c: {  	s28 =	sadd.s32 $0x1, s28;
	s31 =	rddreg [dreg:$0x18]  }
0x29d: {  	p3 =	sne.s32 s28, s31  }
.Ltmp3:
0x29e: {  	_ = 	snop;
	(pc) =	sbr.rel @p3 .LBB2_1-.Ltmp3, $3  }
0x29f: {  	_ =	sdelay $0x1  }
0x2a0: {  	[sflag:s0] =	ssyncset.done @!p2 $0x0  }
0x2a1: {  	[sflag:s0] =	ssyncadd.s32 @!p2 $0xFFFFFF00  }
0x2a2: {  	_ =	sfence.sel $0x180000  }
0x2a3: {  	[bflag:$0x0] =	sbarrier.arrive $0xFFFF  }
0x2a4: {  	_ =	strace $0x90000047  }
0x2a5: {  	s0 =	stileid.u32;
	[bflag:$0x2] =	sbarrier.arrive $0xFFFF  }
0x2a6: {  	p0 =	sne.s32 s0, $0x0;
	s0 =	rddreg [dreg:$0x4]  }
0x2a7: {  	s0 =	sadd.s32 @!p0 $0x100000, s0  }
0x2a8: {  	[sflag:s0] =	ssyncadd.tile.s32 @!p0 $0x1;
	_ =	shalt  }
.Lfunc_end2:
_tile_overlayer_lowered:
.L_overlay_start_2:
0x2a9: {  	(tag) =	ssettag $0x2  }
0x2aa: {  	s0 =	rddreg [dreg:$0x0];
	s2 =	stileid.u32  }
0x2ab: {  	s1 =	rddreg [dreg:$0x1];
	p0 =	sne.s32 s2, $0x0  }
0x2ac: {  	s3 =	rddreg [dreg:$0x2];
	[bflag:$0x3] =	sbarrier.arrive $0xFFFF;
	s2 =	simm.s32 @!p0 $0x1C05  }
0x2ad: {  	[timem:s3], [sflag:s2] =	dma.local @!p0 [hbm:s0], s1  }
0x2ae: {  	s0 =	simm.s32 @!p0 $0x5  }
0x2af: {  	_ =	swait.ge @!p0 [sflag:s0], s1  }
0x2b0: {  	s1 =	ssub.s32 @!p0 $0x0, s1;
	[sflag:s0] =	ssyncset.done @!p0 $0x0  }
0x2b1: {  	[sflag:s0] =	ssyncadd.s32 @!p0 s1  }
0x2b2: {  	[bflag:$0x3] =	sbarrier.arrive $0xFFFF  }
0x2b3: {  	_ =	shalt  }

</sc_bundles>
